<compile_context>
chip_gen: v7x
topology: tpu7x:2x2x1
jax: 0.10.2.dev20260603
libtpu: 0.0.44.dev20260713+nightly
codegen_flags: <defaults>
</compile_context>

<pallas_src>
import functools

import jax
import jax.numpy as jnp
from jax import lax
from jax.experimental import pallas as pl
from jax.experimental.pallas import tpu as pltpu
from jax.experimental.pallas import tpu_sc as plsc

N = 10000
D = 128
E = 320000

NC = 2
NS = 16
NW = NC * NS
EPW = E // NW
CHUNK = 128
EP = 327680
CPW = EP // (NW * CHUNK)
NB = 5
RNB = 2
NRND = CPW // NB
NPAD = 10240
RPT = NPAD // NS
JUNK = NPAD - 1

_SC_MESH = plsc.VectorSubcoreMesh(
    core_axis_name="c", subcore_axis_name="s", num_cores=NC, num_subcores=NS)


@functools.partial(
    pl.kernel,
    out_type=[jax.ShapeDtypeStruct((NC * NPAD, D), jnp.float32)],
    mesh=_SC_MESH,
    scratch_types=[
        pltpu.VMEM((CPW, CHUNK), jnp.int32),
        pltpu.VMEM((RNB, CHUNK, D), jnp.float32),
        pltpu.VMEM_SHARED((NPAD, D), jnp.float32),
        pltpu.SemaphoreType.DMA,
        pltpu.SemaphoreType.DMA,
        pltpu.SemaphoreType.DMA,
    ],
)
def _sc_rows(table_hbm, sd_hbm, out_hbm,
             sd_v, rows_v, acc_sh, isem, gsem, ssem):
    cid = lax.axis_index("c")
    sid = lax.axis_index("s")
    wid = sid * NC + cid

    zf = jnp.zeros((16,), jnp.float32)

    def _fill_zero(i, carry):
        for j in range(D // 16):
            rows_v[0, i, pl.ds(j * 16, 16)] = zf
        return carry

    lax.fori_loop(0, CHUNK, _fill_zero, 0)
    lo = sid * RPT
    for r in range(RPT // CHUNK):
        pltpu.sync_copy(rows_v.at[0], acc_sh.at[pl.ds(lo + r * CHUNK, CHUNK)])
    plsc.subcore_barrier()

    def _round(g, carry):
        j0 = g * (2 * RNB)
        gds = []
        for b in range(RNB):
            gds.append(pltpu.async_copy(
                table_hbm.at[sd_v.at[j0 + 2 * b]], rows_v.at[b], gsem))
        sds = []
        for b in range(RNB):
            gds[b].wait()
            sds.append(pltpu.async_copy(
                rows_v.at[b], acc_sh.at[sd_v.at[j0 + 2 * b + 1]], ssem,
                add=True))
        for b in range(RNB):
            sds[b].wait()
        return carry

    half_rounds = CPW // (2 * RNB)
    for h in range(2):
        pltpu.async_copy(
            sd_hbm.at[pl.ds(wid * (2 * CPW) + h * CPW, CPW)], sd_v,
            isem).wait()
        lax.fori_loop(0, half_rounds, _round, 0)
    plsc.subcore_barrier()

    def _wb(r, carry):
        ro = lo + r * CHUNK
        pltpu.sync_copy(acc_sh.at[pl.ds(ro, CHUNK)], rows_v.at[0])
        pltpu.sync_copy(rows_v.at[0], out_hbm.at[pl.ds(cid * NPAD + ro, CHUNK)])
        return carry

    lax.fori_loop(0, RPT // CHUNK, _wb, 0)


@functools.partial(
    pl.kernel,
    out_type=[
        jax.ShapeDtypeStruct((NC * NPAD,), jnp.float32),
        jax.ShapeDtypeStruct((NC * NPAD,), jnp.float32),
    ],
    mesh=_SC_MESH,
    scratch_types=[
        pltpu.VMEM((2 * CPW, CHUNK), jnp.int32),
        pltpu.VMEM((CHUNK,), jnp.float32),
        pltpu.VMEM((RPT,), jnp.float32),
        pltpu.VMEM_SHARED((NPAD,), jnp.float32),
        pltpu.VMEM_SHARED((NPAD,), jnp.float32),
        pltpu.SemaphoreType.DMA,
        pltpu.SemaphoreType.DMA,
    ],
)
def _sc_degrees(d12_hbm, deg1_out, deg2_out,
                d12_v, ones_v, buf_v, deg1_sh, deg2_sh, isem, ssem):
    cid = lax.axis_index("c")
    sid = lax.axis_index("s")
    wid = sid * NC + cid

    pltpu.async_copy(d12_hbm.at[pl.ds(wid * (2 * CPW), 2 * CPW)], d12_v, isem)

    zf = jnp.zeros((16,), jnp.float32)
    onef = jnp.full((16,), 1.0, jnp.float32)

    def _fill(i, carry):
        buf_v[pl.ds(i * 16, 16)] = zf
        return carry

    lax.fori_loop(0, RPT // 16, _fill, 0)
    for k in range(CHUNK // 16):
        ones_v[pl.ds(k * 16, 16)] = onef

    lo = sid * RPT
    pltpu.sync_copy(buf_v, deg1_sh.at[pl.ds(lo, RPT)])
    pltpu.sync_copy(buf_v, deg2_sh.at[pl.ds(lo, RPT)])
    pltpu.make_async_copy(d12_hbm.at[pl.ds(0, 2 * CPW)], d12_v, isem).wait()
    plsc.subcore_barrier()

    def _round(g, carry):
        j0 = g * (2 * NB)
        sds = []
        for b in range(NB):
            sds.append(pltpu.async_copy(
                ones_v, deg1_sh.at[d12_v.at[j0 + 2 * b]], ssem, add=True))
            sds.append(pltpu.async_copy(
                ones_v, deg2_sh.at[d12_v.at[j0 + 2 * b + 1]], ssem, add=True))
        for d in sds:
            d.wait()
        return carry

    lax.fori_loop(0, NRND, _round, 0)
    plsc.subcore_barrier()

    pltpu.sync_copy(deg1_sh.at[pl.ds(lo, RPT)], buf_v)
    pltpu.sync_copy(buf_v, deg1_out.at[pl.ds(cid * NPAD + lo, RPT)])
    pltpu.sync_copy(deg2_sh.at[pl.ds(lo, RPT)], buf_v)
    pltpu.sync_copy(buf_v, deg2_out.at[pl.ds(cid * NPAD + lo, RPT)])


SPW = 2000
NSCHUNK = EPW // SPW


@functools.partial(
    pl.kernel,
    out_type=[
        jax.ShapeDtypeStruct((E,), jnp.float32),
        jax.ShapeDtypeStruct((E,), jnp.float32),
    ],
    mesh=_SC_MESH,
    scratch_types=[
        pltpu.VMEM((N,), jnp.float32),
        pltpu.VMEM((N,), jnp.float32),
        pltpu.VMEM((SPW,), jnp.int32),
        pltpu.VMEM((SPW,), jnp.int32),
        pltpu.VMEM((SPW,), jnp.float32),
    ],
    compiler_params=pltpu.CompilerParams(needs_layout_passes=False),
)
def _sc_predict(su_hbm, sv_hbm, pu_hbm, pv_hbm, nu_hbm, nv_hbm,
                pos_out, neg_out, su_v, sv_v, iu_v, iv_v, ob_v):
    cid = lax.axis_index("c")
    sid = lax.axis_index("s")
    wid = sid * NC + cid
    base = wid * EPW

    pltpu.sync_copy(su_hbm, su_v)
    pltpu.sync_copy(sv_hbm, sv_v)

    for u_hbm, v_hbm, out_hbm in ((pu_hbm, pv_hbm, pos_out),
                                  (nu_hbm, nv_hbm, neg_out)):
        def _chunk(j, carry, u_hbm=u_hbm, v_hbm=v_hbm, out_hbm=out_hbm):
            off = base + j * SPW
            pltpu.sync_copy(u_hbm.at[pl.ds(off, SPW)], iu_v)
            pltpu.sync_copy(v_hbm.at[pl.ds(off, SPW)], iv_v)

            def _vec(k, c2):
                iu = iu_v[pl.ds(k * 16, 16)]
                iv = iv_v[pl.ds(k * 16, 16)]
                a = plsc.load_gather(su_v, [iu])
                b = plsc.load_gather(sv_v, [iv])
                ob_v[pl.ds(k * 16, 16)] = a + b
                return c2

            lax.fori_loop(0, SPW // 16, _vec, 0)
            pltpu.sync_copy(ob_v, out_hbm.at[pl.ds(off, SPW)])
            return carry

        lax.fori_loop(0, NSCHUNK, _chunk, 0)


RB = 1000


def _tc_layer1(x_b, agg_b, deg_b, ws_b, wn_b, b_b, o_b):
    a = agg_b[0] + agg_b[1]
    dg = deg_b[0] + deg_b[1]
    hn = a * (1.0 / jnp.maximum(dg, 1.0))
    h = (jnp.dot(x_b[...], ws_b[...], preferred_element_type=jnp.float32)
         + jnp.dot(hn, wn_b[...], preferred_element_type=jnp.float32)
         + b_b[...])
    o_b[...] = jnp.maximum(h, 0.0)


def _tc_layer2(x_b, agg_b, deg_b, ws_b, wn_b, b_b, wp_b, bp_b, s_b):
    a = agg_b[0] + agg_b[1]
    dg = deg_b[0] + deg_b[1]
    hn = a * (1.0 / jnp.maximum(dg, 1.0))
    h = (jnp.dot(x_b[...], ws_b[...], preferred_element_type=jnp.float32)
         + jnp.dot(hn, wn_b[...], preferred_element_type=jnp.float32)
         + b_b[...])
    s_b[...] = jnp.dot(h, wp_b[...], preferred_element_type=jnp.float32) + bp_b[...]


def _row_spec():
    return pl.BlockSpec((RB, D), lambda i: (i, 0))


def _shared_specs():
    return [
        pl.BlockSpec((NC, RB, D), lambda i: (0, i, 0)),
        pl.BlockSpec((NC, RB, 1), lambda i: (0, i, 0)),
        pl.BlockSpec((D, D), lambda i: (0, 0)),
        pl.BlockSpec((D, D), lambda i: (0, 0)),
        pl.BlockSpec((1, D), lambda i: (0, 0)),
    ]


def kernel(x, W1_self, W1_neigh, b1, W2_self, W2_neigh, b2, Wp, bp,
           block1_edge_index, block2_edge_index, pos_edge_index,
           neg_edge_index):
    f32 = jnp.float32
    src1, dst1 = block1_edge_index[0], block1_edge_index[1]
    src2, dst2 = block2_edge_index[0], block2_edge_index[1]
    pu, pv = pos_edge_index[0], pos_edge_index[1]
    nu, nv = neg_edge_index[0], neg_edge_index[1]

    npd = EP - E
    i32 = jnp.int32

    def _interleave(a, b):
        return jnp.stack([a.reshape(-1, CHUNK), b.reshape(-1, CHUNK)],
                         axis=1).reshape(-1, CHUNK)

    srcp1 = jnp.concatenate([src1, jnp.zeros((npd,), i32)])
    dstp1 = jnp.concatenate([dst1, jnp.full((npd,), JUNK, i32)])
    srcp2 = jnp.concatenate([src2, jnp.zeros((npd,), i32)])
    dstp2 = jnp.concatenate([dst2, jnp.full((npd,), JUNK, i32)])
    sd1 = _interleave(srcp1, dstp1)
    sd2 = _interleave(srcp2, dstp2)
    d12 = _interleave(dstp1, dstp2)

    deg1, deg2 = _sc_degrees(d12)
    deg1 = deg1.reshape(NC, NPAD, 1)
    deg2 = deg2.reshape(NC, NPAD, 1)

    (agg1,) = _sc_rows(x, sd1)
    agg1 = agg1.reshape(NC, NPAD, D)

    h1 = pl.pallas_call(
        _tc_layer1,
        grid=(N // RB,),
        in_specs=[_row_spec()] + _shared_specs(),
        out_specs=_row_spec(),
        out_shape=jax.ShapeDtypeStruct((N, D), f32),
    )(x, agg1, deg1, W1_self, W1_neigh, b1.reshape(1, D))

    (agg2,) = _sc_rows(h1, sd2)
    agg2 = agg2.reshape(NC, NPAD, D)

    wp2 = jnp.concatenate([Wp[:D], Wp[D:]], axis=1)
    bp2 = jnp.concatenate([bp, jnp.zeros((1,), f32)]).reshape(1, 2)

    s = pl.pallas_call(
        _tc_layer2,
        grid=(N // RB,),
        in_specs=[_row_spec()] + _shared_specs() + [
            pl.BlockSpec((D, 2), lambda i: (0, 0)),
            pl.BlockSpec((1, 2), lambda i: (0, 0)),
        ],
        out_specs=pl.BlockSpec((RB, 2), lambda i: (i, 0)),
        out_shape=jax.ShapeDtypeStruct((N, 2), f32),
    )(h1, agg2, deg2, W2_self, W2_neigh, b2.reshape(1, D), wp2, bp2)

    st = s.T
    su = st[0]
    sv = st[1]

    pos_score, neg_score = _sc_predict(su, sv, pu, pv, nu, nv)
    return pos_score.reshape(E, 1), neg_score.reshape(E, 1)

# --- scband reference (transcript-rebuilt; emitter-appended) ---
"""Pipeline reference for scband-model-50053548868188 (READ-ONLY COPY).

The authoritative reference and input builder live on the scoring server;
editing this copy changes nothing except your own understanding.
"""

import jax, jax.numpy as jnp
import numpy as np

N = 10000
D = 128
H = 128
O = 128
E = 320000


def setup_inputs(seed: int = 0) -> dict:
    key = jax.random.key(seed)
    ks = jax.random.split(key, 14)
    x = jax.random.normal(ks[0], (N, D), dtype=jnp.float32)
    block1_edge_index = jax.random.randint(ks[1], (2, E), 0, N, dtype=jnp.int32)
    block2_edge_index = jax.random.randint(ks[2], (2, E), 0, N, dtype=jnp.int32)
    pos_edge_index = jax.random.randint(ks[3], (2, E), 0, N, dtype=jnp.int32)
    neg_edge_index = jax.random.randint(ks[4], (2, E), 0, N, dtype=jnp.int32)
    # GraphSAGE layer 1 (in -> hidden): fc_self + fc_neigh (mean aggregator)
    W1_self = jax.random.normal(ks[5], (D, H), dtype=jnp.float32) * 0.05
    W1_neigh = jax.random.normal(ks[6], (D, H), dtype=jnp.float32) * 0.05
    b1 = jnp.zeros((H,), dtype=jnp.float32)
    # GraphSAGE layer 2 (hidden -> out)
    W2_self = jax.random.normal(ks[7], (H, O), dtype=jnp.float32) * 0.05
    W2_neigh = jax.random.normal(ks[8], (H, O), dtype=jnp.float32) * 0.05
    b2 = jnp.zeros((O,), dtype=jnp.float32)
    # MLPPredictor: Linear(2*out_features -> 1)
    Wp = jax.random.normal(ks[9], (2 * O, 1), dtype=jnp.float32) * 0.05
    bp = jnp.zeros((1,), dtype=jnp.float32)
    return {
        "x": x,
        "W1_self": W1_self, "W1_neigh": W1_neigh, "b1": b1,
        "W2_self": W2_self, "W2_neigh": W2_neigh, "b2": b2,
        "Wp": Wp, "bp": bp,
        "block1_edge_index": block1_edge_index,
        "block2_edge_index": block2_edge_index,
        "pos_edge_index": pos_edge_index,
        "neg_edge_index": neg_edge_index,
    }


def _sage_mean_layer(h, edge_index, W_self, W_neigh, b):
    src = edge_index[0]
    dst = edge_index[1]
    msg = jnp.take(h, src, axis=0)
    agg = jax.ops.segment_sum(msg, dst, num_segments=N)
    deg = jax.ops.segment_sum(jnp.ones((edge_index.shape[1],), dtype=h.dtype), dst, num_segments=N)
    h_neigh = agg / jnp.clip(deg, 1.0, None)[:, None]
    return h @ W_self + h_neigh @ W_neigh + b


def _mlp_predictor(h, edge_index, Wp, bp):
    h_u = jnp.take(h, edge_index[0], axis=0)
    h_v = jnp.take(h, edge_index[1], axis=0)
    return jnp.concatenate([h_u, h_v], axis=1) @ Wp + bp


def reference(x, W1_self, W1_neigh, b1, W2_self, W2_neigh, b2, Wp, bp,
              block1_edge_index, block2_edge_index, pos_edge_index, neg_edge_index):
    h = _sage_mean_layer(x, block1_edge_index, W1_self, W1_neigh, b1)
    h = jax.nn.relu(h)
    h = _sage_mean_layer(h, block2_edge_index, W2_self, W2_neigh, b2)
    pos_score = _mlp_predictor(h, pos_edge_index, Wp, bp)
    neg_score = _mlp_predictor(h, neg_edge_index, Wp, bp)
    return (pos_score, neg_score)

if __name__ == "__main__":
    import jax
    _d = setup_inputs()
    print(jax.jit(kernel)(*tuple(_d.values())))

</pallas_src>

<mosaic_0001>
#map = affine_map<(d0, d1) -> (0, 0)>
#map1 = affine_map<(d0, d1) -> (0)>
module attributes {stable_mosaic.version = 14 : i64} {
  func.func @_sc_degrees(%arg0: i32, %arg1: i32, %arg2: memref<5120x128xi32, #tpu.memory_space<hbm>>, %arg3: memref<20480xf32, #tpu.memory_space<hbm>>, %arg4: memref<20480xf32, #tpu.memory_space<hbm>>, %arg5: memref<160x128xi32, #tpu.memory_space<vmem>>, %arg6: memref<128xf32, #tpu.memory_space<vmem>>, %arg7: memref<640xf32, #tpu.memory_space<vmem>>, %arg8: memref<10240xf32, #tpu.memory_space<vmem_shared>>, %arg9: memref<10240xf32, #tpu.memory_space<vmem_shared>>, %arg10: memref<!tpu.dma_semaphore, #tpu.memory_space<semaphore_mem>>, %arg11: memref<!tpu.dma_semaphore, #tpu.memory_space<semaphore_mem>>) attributes {dimension_semantics = [#tpu.dimension_semantics<core_parallel>, #tpu.dimension_semantics<subcore_parallel>], iteration_bounds = array<i64: 2, 16>, scalar_prefetch = 0 : i64, scratch_operands = 7 : i64, tpu.core_type = #tpu.core_type<sc_vector_subcore>, window_params = [{transform_indices = #map}, {transform_indices = #map1}, {transform_indices = #map1}]} {
    %mul3A = arith.constant 2 : i32
    %mul3A_0 = arith.muli %arg1, %mul3A : i32
    %add3A = arith.addi %mul3A_0, %arg0 : i32
    %mul3A_1 = arith.constant 160 : i32
    %mul3A_2 = arith.muli %add3A, %mul3A_1 : i32
    %dma_start3A = arith.constant 0 : i32
    %dma_start3A_3 = tpu.memref_slice %arg2[%mul3A_2, %dma_start3A] : memref<5120x128xi32, #tpu.memory_space<hbm>> -> memref<160x128xi32, #tpu.memory_space<hbm>>
    %dma_start3A_4 = arith.constant 0 : i32
    %dma_start3A_5 = tpu.memref_slice %arg2[%mul3A_2, %dma_start3A_4] : memref<5120x128xi32, #tpu.memory_space<hbm>> -> memref<160x128xi32, #tpu.memory_space<hbm>>
    tpu.enqueue_dma source(%dma_start3A_5 : memref<160x128xi32, #tpu.memory_space<hbm>>) target(%arg5 : memref<160x128xi32, #tpu.memory_space<vmem>>) target_semaphore(%arg10 : memref<!tpu.dma_semaphore, #tpu.memory_space<semaphore_mem>>)
    %broadcast_in_dim3A = arith.constant 0.000000e+00 : f32
    %broadcast_in_dim3A_6 = vector.broadcast %broadcast_in_dim3A : f32 to vector<16xf32>
    %broadcast_in_dim3A_7 = arith.constant 1.000000e+00 : f32
    %broadcast_in_dim3A_8 = vector.broadcast %broadcast_in_dim3A_7 : f32 to vector<16xf32>
    %scan3A = arith.constant 0 : i32
    %scan3A_9 = arith.constant 0 : i32
    %scan3A_10 = arith.constant 40 : i32
    %scan3A_11 = arith.addi %scan3A_9, %scan3A_10 : i32
    %scan3A_12 = arith.constant 1 : i32
    scf.for %scan3A_65 = %scan3A_9 to %scan3A_11 step %scan3A_12  : i32 {
      %mul3A_66 = arith.constant 16 : i32
      %mul3A_67 = arith.muli %scan3A_65, %mul3A_66 : i32
      %swap3A_68 = arith.index_cast %mul3A_67 : i32 to index
      %swap3A_69 = tpu.vector_load %arg7[%swap3A_68] {strides = array<i32>} : memref<640xf32, #tpu.memory_space<vmem>>, vector<16xf32>,
      %swap3A_70 = vector.shape_cast %swap3A_69 : vector<16xf32> to vector<16xf32>
      %swap3A_71 = vector.shape_cast %broadcast_in_dim3A_6 : vector<16xf32> to vector<16xf32>
      tpu.vector_store %arg7[%swap3A_68], %swap3A_71 {strides = array<i32>} : memref<640xf32, #tpu.memory_space<vmem>>, vector<16xf32>,
    }
    %scan3A_13 = arith.constant 40 : i32
    %swap3A = arith.constant 0 : index
    %swap3A_14 = tpu.vector_load %arg6[%swap3A] {strides = array<i32>} : memref<128xf32, #tpu.memory_space<vmem>>, vector<16xf32>,
    %swap3A_15 = vector.shape_cast %swap3A_14 : vector<16xf32> to vector<16xf32>
    %swap3A_16 = vector.shape_cast %broadcast_in_dim3A_8 : vector<16xf32> to vector<16xf32>
    tpu.vector_store %arg6[%swap3A], %swap3A_16 {strides = array<i32>} : memref<128xf32, #tpu.memory_space<vmem>>, vector<16xf32>,
    %swap3A_17 = arith.constant 16 : index
    %swap3A_18 = tpu.vector_load %arg6[%swap3A_17] {strides = array<i32>} : memref<128xf32, #tpu.memory_space<vmem>>, vector<16xf32>,
    %swap3A_19 = vector.shape_cast %swap3A_18 : vector<16xf32> to vector<16xf32>
    %swap3A_20 = vector.shape_cast %broadcast_in_dim3A_8 : vector<16xf32> to vector<16xf32>
    tpu.vector_store %arg6[%swap3A_17], %swap3A_20 {strides = array<i32>} : memref<128xf32, #tpu.memory_space<vmem>>, vector<16xf32>,
    %swap3A_21 = arith.constant 32 : index
    %swap3A_22 = tpu.vector_load %arg6[%swap3A_21] {strides = array<i32>} : memref<128xf32, #tpu.memory_space<vmem>>, vector<16xf32>,
    %swap3A_23 = vector.shape_cast %swap3A_22 : vector<16xf32> to vector<16xf32>
    %swap3A_24 = vector.shape_cast %broadcast_in_dim3A_8 : vector<16xf32> to vector<16xf32>
    tpu.vector_store %arg6[%swap3A_21], %swap3A_24 {strides = array<i32>} : memref<128xf32, #tpu.memory_space<vmem>>, vector<16xf32>,
    %swap3A_25 = arith.constant 48 : index
    %swap3A_26 = tpu.vector_load %arg6[%swap3A_25] {strides = array<i32>} : memref<128xf32, #tpu.memory_space<vmem>>, vector<16xf32>,
    %swap3A_27 = vector.shape_cast %swap3A_26 : vector<16xf32> to vector<16xf32>
    %swap3A_28 = vector.shape_cast %broadcast_in_dim3A_8 : vector<16xf32> to vector<16xf32>
    tpu.vector_store %arg6[%swap3A_25], %swap3A_28 {strides = array<i32>} : memref<128xf32, #tpu.memory_space<vmem>>, vector<16xf32>,
    %swap3A_29 = arith.constant 64 : index
    %swap3A_30 = tpu.vector_load %arg6[%swap3A_29] {strides = array<i32>} : memref<128xf32, #tpu.memory_space<vmem>>, vector<16xf32>,
    %swap3A_31 = vector.shape_cast %swap3A_30 : vector<16xf32> to vector<16xf32>
    %swap3A_32 = vector.shape_cast %broadcast_in_dim3A_8 : vector<16xf32> to vector<16xf32>
    tpu.vector_store %arg6[%swap3A_29], %swap3A_32 {strides = array<i32>} : memref<128xf32, #tpu.memory_space<vmem>>, vector<16xf32>,
    %swap3A_33 = arith.constant 80 : index
    %swap3A_34 = tpu.vector_load %arg6[%swap3A_33] {strides = array<i32>} : memref<128xf32, #tpu.memory_space<vmem>>, vector<16xf32>,
    %swap3A_35 = vector.shape_cast %swap3A_34 : vector<16xf32> to vector<16xf32>
    %swap3A_36 = vector.shape_cast %broadcast_in_dim3A_8 : vector<16xf32> to vector<16xf32>
    tpu.vector_store %arg6[%swap3A_33], %swap3A_36 {strides = array<i32>} : memref<128xf32, #tpu.memory_space<vmem>>, vector<16xf32>,
    %swap3A_37 = arith.constant 96 : index
    %swap3A_38 = tpu.vector_load %arg6[%swap3A_37] {strides = array<i32>} : memref<128xf32, #tpu.memory_space<vmem>>, vector<16xf32>,
    %swap3A_39 = vector.shape_cast %swap3A_38 : vector<16xf32> to vector<16xf32>
    %swap3A_40 = vector.shape_cast %broadcast_in_dim3A_8 : vector<16xf32> to vector<16xf32>
    tpu.vector_store %arg6[%swap3A_37], %swap3A_40 {strides = array<i32>} : memref<128xf32, #tpu.memory_space<vmem>>, vector<16xf32>,
    %swap3A_41 = arith.constant 112 : index
    %swap3A_42 = tpu.vector_load %arg6[%swap3A_41] {strides = array<i32>} : memref<128xf32, #tpu.memory_space<vmem>>, vector<16xf32>,
    %swap3A_43 = vector.shape_cast %swap3A_42 : vector<16xf32> to vector<16xf32>
    %swap3A_44 = vector.shape_cast %broadcast_in_dim3A_8 : vector<16xf32> to vector<16xf32>
    tpu.vector_store %arg6[%swap3A_41], %swap3A_44 {strides = array<i32>} : memref<128xf32, #tpu.memory_space<vmem>>, vector<16xf32>,
    %mul3A_45 = arith.constant 640 : i32
    %mul3A_46 = arith.muli %arg1, %mul3A_45 : i32
    "tpu.region"() ({
      %run_scoped3A = tpu.sem_alloc : memref<!tpu.dma_semaphore, #tpu.memory_space<semaphore_mem>>
      %dma_start3A_65 = tpu.memref_slice %arg8[%mul3A_46] : memref<10240xf32, #tpu.memory_space<vmem_shared>> -> memref<640xf32, #tpu.memory_space<vmem_shared>>
      %dma_start3A_66 = tpu.memref_slice %arg8[%mul3A_46] : memref<10240xf32, #tpu.memory_space<vmem_shared>> -> memref<640xf32, #tpu.memory_space<vmem_shared>>
      tpu.enqueue_dma source(%arg7 : memref<640xf32, #tpu.memory_space<vmem>>) target(%dma_start3A_66 : memref<640xf32, #tpu.memory_space<vmem_shared>>) target_semaphore(%run_scoped3A : memref<!tpu.dma_semaphore, #tpu.memory_space<semaphore_mem>>)
      %dma_wait3A_67 = tpu.memref_slice %arg8[%mul3A_46] : memref<10240xf32, #tpu.memory_space<vmem_shared>> -> memref<640xf32, #tpu.memory_space<vmem_shared>>
      %dma_wait3A_68 = tpu.memref_slice %arg8[%mul3A_46] : memref<10240xf32, #tpu.memory_space<vmem_shared>> -> memref<640xf32, #tpu.memory_space<vmem_shared>>
      tpu.wait_dma2 semaphore(%run_scoped3A : memref<!tpu.dma_semaphore, #tpu.memory_space<semaphore_mem>>) src(%arg7 : memref<640xf32, #tpu.memory_space<vmem>>) dst(%dma_wait3A_68 : memref<640xf32, #tpu.memory_space<vmem_shared>>)
      tpu.yield
    }) : () -> ()
    "tpu.region"() ({
      %run_scoped3A = tpu.sem_alloc : memref<!tpu.dma_semaphore, #tpu.memory_space<semaphore_mem>>
      %dma_start3A_65 = tpu.memref_slice %arg9[%mul3A_46] : memref<10240xf32, #tpu.memory_space<vmem_shared>> -> memref<640xf32, #tpu.memory_space<vmem_shared>>
      %dma_start3A_66 = tpu.memref_slice %arg9[%mul3A_46] : memref<10240xf32, #tpu.memory_space<vmem_shared>> -> memref<640xf32, #tpu.memory_space<vmem_shared>>
      tpu.enqueue_dma source(%arg7 : memref<640xf32, #tpu.memory_space<vmem>>) target(%dma_start3A_66 : memref<640xf32, #tpu.memory_space<vmem_shared>>) target_semaphore(%run_scoped3A : memref<!tpu.dma_semaphore, #tpu.memory_space<semaphore_mem>>)
      %dma_wait3A_67 = tpu.memref_slice %arg9[%mul3A_46] : memref<10240xf32, #tpu.memory_space<vmem_shared>> -> memref<640xf32, #tpu.memory_space<vmem_shared>>
      %dma_wait3A_68 = tpu.memref_slice %arg9[%mul3A_46] : memref<10240xf32, #tpu.memory_space<vmem_shared>> -> memref<640xf32, #tpu.memory_space<vmem_shared>>
      tpu.wait_dma2 semaphore(%run_scoped3A : memref<!tpu.dma_semaphore, #tpu.memory_space<semaphore_mem>>) src(%arg7 : memref<640xf32, #tpu.memory_space<vmem>>) dst(%dma_wait3A_68 : memref<640xf32, #tpu.memory_space<vmem_shared>>)
      tpu.yield
    }) : () -> ()
    %dma_wait3A = arith.constant 0 : i32
    %dma_wait3A_47 = arith.constant 0 : i32
    %dma_wait3A_48 = tpu.memref_slice %arg2[%dma_wait3A, %dma_wait3A_47] : memref<5120x128xi32, #tpu.memory_space<hbm>> -> memref<160x128xi32, #tpu.memory_space<hbm>>
    %dma_wait3A_49 = arith.constant 0 : i32
    %dma_wait3A_50 = arith.constant 0 : i32
    %dma_wait3A_51 = tpu.memref_slice %arg2[%dma_wait3A_49, %dma_wait3A_50] : memref<5120x128xi32, #tpu.memory_space<hbm>> -> memref<160x128xi32, #tpu.memory_space<hbm>>
    tpu.wait_dma2 semaphore(%arg10 : memref<!tpu.dma_semaphore, #tpu.memory_space<semaphore_mem>>) src(%dma_wait3A_51 : memref<160x128xi32, #tpu.memory_space<hbm>>) dst(%arg5 : memref<160x128xi32, #tpu.memory_space<vmem>>)
    %barrier3A = arith.constant 0 : index
    tpu.barrier barrier_id(%barrier3A)
    %scan3A_52 = arith.constant 0 : i32
    %scan3A_53 = arith.constant 0 : i32
    %scan3A_54 = arith.constant 16 : i32
    %scan3A_55 = arith.addi %scan3A_53, %scan3A_54 : i32
    %scan3A_56 = arith.constant 1 : i32
    scf.for %scan3A_65 = %scan3A_53 to %scan3A_55 step %scan3A_56  : i32 {
      %mul3A_66 = arith.constant 10 : i32
      %mul3A_67 = arith.muli %scan3A_65, %mul3A_66 : i32
      %add3A_68 = arith.constant 0 : i32
      %add3A_69 = arith.addi %mul3A_67, %add3A_68 : i32
      %dma_start3A_70 = arith.constant 0 : i32
      %dma_start3A_71 = tpu.memref_slice %arg5[%add3A_69, %dma_start3A_70] : memref<160x128xi32, #tpu.memory_space<vmem>> -> memref<1x128xi32, #tpu.memory_space<vmem>>
      %dma_start3A_72 = tpu.memref_squeeze %dma_start3A_71 : memref<1x128xi32, #tpu.memory_space<vmem>> -> memref<128xi32, #tpu.memory_space<vmem>>
      %dma_start3A_73 = arith.constant 0 : i32
      %dma_start3A_74 = tpu.memref_slice %arg8[%dma_start3A_73] : memref<10240xf32, #tpu.memory_space<vmem_shared>> -> memref<10240xf32, #tpu.memory_space<vmem_shared>>
      tpu.enqueue_indirect_dma source(%arg6 : memref<128xf32, #tpu.memory_space<vmem>>) target(%dma_start3A_74 : memref<10240xf32, #tpu.memory_space<vmem_shared>>) offsets(%dma_start3A_72 : memref<128xi32, #tpu.memory_space<vmem>>) semaphore(%arg11 : memref<!tpu.dma_semaphore, #tpu.memory_space<semaphore_mem>>) {add = true}
      %add3A_75 = arith.constant 0 : i32
      %add3A_76 = arith.addi %mul3A_67, %add3A_75 : i32
      %add3A_77 = arith.constant 1 : i32
      %add3A_78 = arith.addi %add3A_76, %add3A_77 : i32
      %dma_start3A_79 = arith.constant 0 : i32
      %dma_start3A_80 = tpu.memref_slice %arg5[%add3A_78, %dma_start3A_79] : memref<160x128xi32, #tpu.memory_space<vmem>> -> memref<1x128xi32, #tpu.memory_space<vmem>>
      %dma_start3A_81 = tpu.memref_squeeze %dma_start3A_80 : memref<1x128xi32, #tpu.memory_space<vmem>> -> memref<128xi32, #tpu.memory_space<vmem>>
      %dma_start3A_82 = arith.constant 0 : i32
      %dma_start3A_83 = tpu.memref_slice %arg9[%dma_start3A_82] : memref<10240xf32, #tpu.memory_space<vmem_shared>> -> memref<10240xf32, #tpu.memory_space<vmem_shared>>
      tpu.enqueue_indirect_dma source(%arg6 : memref<128xf32, #tpu.memory_space<vmem>>) target(%dma_start3A_83 : memref<10240xf32, #tpu.memory_space<vmem_shared>>) offsets(%dma_start3A_81 : memref<128xi32, #tpu.memory_space<vmem>>) semaphore(%arg11 : memref<!tpu.dma_semaphore, #tpu.memory_space<semaphore_mem>>) {add = true}
      %add3A_84 = arith.constant 2 : i32
      %add3A_85 = arith.addi %mul3A_67, %add3A_84 : i32
      %dma_start3A_86 = arith.constant 0 : i32
      %dma_start3A_87 = tpu.memref_slice %arg5[%add3A_85, %dma_start3A_86] : memref<160x128xi32, #tpu.memory_space<vmem>> -> memref<1x128xi32, #tpu.memory_space<vmem>>
      %dma_start3A_88 = tpu.memref_squeeze %dma_start3A_87 : memref<1x128xi32, #tpu.memory_space<vmem>> -> memref<128xi32, #tpu.memory_space<vmem>>
      %dma_start3A_89 = arith.constant 0 : i32
      %dma_start3A_90 = tpu.memref_slice %arg8[%dma_start3A_89] : memref<10240xf32, #tpu.memory_space<vmem_shared>> -> memref<10240xf32, #tpu.memory_space<vmem_shared>>
      tpu.enqueue_indirect_dma source(%arg6 : memref<128xf32, #tpu.memory_space<vmem>>) target(%dma_start3A_90 : memref<10240xf32, #tpu.memory_space<vmem_shared>>) offsets(%dma_start3A_88 : memref<128xi32, #tpu.memory_space<vmem>>) semaphore(%arg11 : memref<!tpu.dma_semaphore, #tpu.memory_space<semaphore_mem>>) {add = true}
      %add3A_91 = arith.constant 2 : i32
      %add3A_92 = arith.addi %mul3A_67, %add3A_91 : i32
      %add3A_93 = arith.constant 1 : i32
      %add3A_94 = arith.addi %add3A_92, %add3A_93 : i32
      %dma_start3A_95 = arith.constant 0 : i32
      %dma_start3A_96 = tpu.memref_slice %arg5[%add3A_94, %dma_start3A_95] : memref<160x128xi32, #tpu.memory_space<vmem>> -> memref<1x128xi32, #tpu.memory_space<vmem>>
      %dma_start3A_97 = tpu.memref_squeeze %dma_start3A_96 : memref<1x128xi32, #tpu.memory_space<vmem>> -> memref<128xi32, #tpu.memory_space<vmem>>
      %dma_start3A_98 = arith.constant 0 : i32
      %dma_start3A_99 = tpu.memref_slice %arg9[%dma_start3A_98] : memref<10240xf32, #tpu.memory_space<vmem_shared>> -> memref<10240xf32, #tpu.memory_space<vmem_shared>>
      tpu.enqueue_indirect_dma source(%arg6 : memref<128xf32, #tpu.memory_space<vmem>>) target(%dma_start3A_99 : memref<10240xf32, #tpu.memory_space<vmem_shared>>) offsets(%dma_start3A_97 : memref<128xi32, #tpu.memory_space<vmem>>) semaphore(%arg11 : memref<!tpu.dma_semaphore, #tpu.memory_space<semaphore_mem>>) {add = true}
      %add3A_100 = arith.constant 4 : i32
      %add3A_101 = arith.addi %mul3A_67, %add3A_100 : i32
      %dma_start3A_102 = arith.constant 0 : i32
      %dma_start3A_103 = tpu.memref_slice %arg5[%add3A_101, %dma_start3A_102] : memref<160x128xi32, #tpu.memory_space<vmem>> -> memref<1x128xi32, #tpu.memory_space<vmem>>
      %dma_start3A_104 = tpu.memref_squeeze %dma_start3A_103 : memref<1x128xi32, #tpu.memory_space<vmem>> -> memref<128xi32, #tpu.memory_space<vmem>>
      %dma_start3A_105 = arith.constant 0 : i32
      %dma_start3A_106 = tpu.memref_slice %arg8[%dma_start3A_105] : memref<10240xf32, #tpu.memory_space<vmem_shared>> -> memref<10240xf32, #tpu.memory_space<vmem_shared>>
      tpu.enqueue_indirect_dma source(%arg6 : memref<128xf32, #tpu.memory_space<vmem>>) target(%dma_start3A_106 : memref<10240xf32, #tpu.memory_space<vmem_shared>>) offsets(%dma_start3A_104 : memref<128xi32, #tpu.memory_space<vmem>>) semaphore(%arg11 : memref<!tpu.dma_semaphore, #tpu.memory_space<semaphore_mem>>) {add = true}
      %add3A_107 = arith.constant 4 : i32
      %add3A_108 = arith.addi %mul3A_67, %add3A_107 : i32
      %add3A_109 = arith.constant 1 : i32
      %add3A_110 = arith.addi %add3A_108, %add3A_109 : i32
      %dma_start3A_111 = arith.constant 0 : i32
      %dma_start3A_112 = tpu.memref_slice %arg5[%add3A_110, %dma_start3A_111] : memref<160x128xi32, #tpu.memory_space<vmem>> -> memref<1x128xi32, #tpu.memory_space<vmem>>
      %dma_start3A_113 = tpu.memref_squeeze %dma_start3A_112 : memref<1x128xi32, #tpu.memory_space<vmem>> -> memref<128xi32, #tpu.memory_space<vmem>>
      %dma_start3A_114 = arith.constant 0 : i32
      %dma_start3A_115 = tpu.memref_slice %arg9[%dma_start3A_114] : memref<10240xf32, #tpu.memory_space<vmem_shared>> -> memref<10240xf32, #tpu.memory_space<vmem_shared>>
      tpu.enqueue_indirect_dma source(%arg6 : memref<128xf32, #tpu.memory_space<vmem>>) target(%dma_start3A_115 : memref<10240xf32, #tpu.memory_space<vmem_shared>>) offsets(%dma_start3A_113 : memref<128xi32, #tpu.memory_space<vmem>>) semaphore(%arg11 : memref<!tpu.dma_semaphore, #tpu.memory_space<semaphore_mem>>) {add = true}
      %add3A_116 = arith.constant 6 : i32
      %add3A_117 = arith.addi %mul3A_67, %add3A_116 : i32
      %dma_start3A_118 = arith.constant 0 : i32
      %dma_start3A_119 = tpu.memref_slice %arg5[%add3A_117, %dma_start3A_118] : memref<160x128xi32, #tpu.memory_space<vmem>> -> memref<1x128xi32, #tpu.memory_space<vmem>>
      %dma_start3A_120 = tpu.memref_squeeze %dma_start3A_119 : memref<1x128xi32, #tpu.memory_space<vmem>> -> memref<128xi32, #tpu.memory_space<vmem>>
      %dma_start3A_121 = arith.constant 0 : i32
      %dma_start3A_122 = tpu.memref_slice %arg8[%dma_start3A_121] : memref<10240xf32, #tpu.memory_space<vmem_shared>> -> memref<10240xf32, #tpu.memory_space<vmem_shared>>
      tpu.enqueue_indirect_dma source(%arg6 : memref<128xf32, #tpu.memory_space<vmem>>) target(%dma_start3A_122 : memref<10240xf32, #tpu.memory_space<vmem_shared>>) offsets(%dma_start3A_120 : memref<128xi32, #tpu.memory_space<vmem>>) semaphore(%arg11 : memref<!tpu.dma_semaphore, #tpu.memory_space<semaphore_mem>>) {add = true}
      %add3A_123 = arith.constant 6 : i32
      %add3A_124 = arith.addi %mul3A_67, %add3A_123 : i32
      %add3A_125 = arith.constant 1 : i32
      %add3A_126 = arith.addi %add3A_124, %add3A_125 : i32
      %dma_start3A_127 = arith.constant 0 : i32
      %dma_start3A_128 = tpu.memref_slice %arg5[%add3A_126, %dma_start3A_127] : memref<160x128xi32, #tpu.memory_space<vmem>> -> memref<1x128xi32, #tpu.memory_space<vmem>>
      %dma_start3A_129 = tpu.memref_squeeze %dma_start3A_128 : memref<1x128xi32, #tpu.memory_space<vmem>> -> memref<128xi32, #tpu.memory_space<vmem>>
      %dma_start3A_130 = arith.constant 0 : i32
      %dma_start3A_131 = tpu.memref_slice %arg9[%dma_start3A_130] : memref<10240xf32, #tpu.memory_space<vmem_shared>> -> memref<10240xf32, #tpu.memory_space<vmem_shared>>
      tpu.enqueue_indirect_dma source(%arg6 : memref<128xf32, #tpu.memory_space<vmem>>) target(%dma_start3A_131 : memref<10240xf32, #tpu.memory_space<vmem_shared>>) offsets(%dma_start3A_129 : memref<128xi32, #tpu.memory_space<vmem>>) semaphore(%arg11 : memref<!tpu.dma_semaphore, #tpu.memory_space<semaphore_mem>>) {add = true}
      %add3A_132 = arith.constant 8 : i32
      %add3A_133 = arith.addi %mul3A_67, %add3A_132 : i32
      %dma_start3A_134 = arith.constant 0 : i32
      %dma_start3A_135 = tpu.memref_slice %arg5[%add3A_133, %dma_start3A_134] : memref<160x128xi32, #tpu.memory_space<vmem>> -> memref<1x128xi32, #tpu.memory_space<vmem>>
      %dma_start3A_136 = tpu.memref_squeeze %dma_start3A_135 : memref<1x128xi32, #tpu.memory_space<vmem>> -> memref<128xi32, #tpu.memory_space<vmem>>
      %dma_start3A_137 = arith.constant 0 : i32
      %dma_start3A_138 = tpu.memref_slice %arg8[%dma_start3A_137] : memref<10240xf32, #tpu.memory_space<vmem_shared>> -> memref<10240xf32, #tpu.memory_space<vmem_shared>>
      tpu.enqueue_indirect_dma source(%arg6 : memref<128xf32, #tpu.memory_space<vmem>>) target(%dma_start3A_138 : memref<10240xf32, #tpu.memory_space<vmem_shared>>) offsets(%dma_start3A_136 : memref<128xi32, #tpu.memory_space<vmem>>) semaphore(%arg11 : memref<!tpu.dma_semaphore, #tpu.memory_space<semaphore_mem>>) {add = true}
      %add3A_139 = arith.constant 8 : i32
      %add3A_140 = arith.addi %mul3A_67, %add3A_139 : i32
      %add3A_141 = arith.constant 1 : i32
      %add3A_142 = arith.addi %add3A_140, %add3A_141 : i32
      %dma_start3A_143 = arith.constant 0 : i32
      %dma_start3A_144 = tpu.memref_slice %arg5[%add3A_142, %dma_start3A_143] : memref<160x128xi32, #tpu.memory_space<vmem>> -> memref<1x128xi32, #tpu.memory_space<vmem>>
      %dma_start3A_145 = tpu.memref_squeeze %dma_start3A_144 : memref<1x128xi32, #tpu.memory_space<vmem>> -> memref<128xi32, #tpu.memory_space<vmem>>
      %dma_start3A_146 = arith.constant 0 : i32
      %dma_start3A_147 = tpu.memref_slice %arg9[%dma_start3A_146] : memref<10240xf32, #tpu.memory_space<vmem_shared>> -> memref<10240xf32, #tpu.memory_space<vmem_shared>>
      tpu.enqueue_indirect_dma source(%arg6 : memref<128xf32, #tpu.memory_space<vmem>>) target(%dma_start3A_147 : memref<10240xf32, #tpu.memory_space<vmem_shared>>) offsets(%dma_start3A_145 : memref<128xi32, #tpu.memory_space<vmem>>) semaphore(%arg11 : memref<!tpu.dma_semaphore, #tpu.memory_space<semaphore_mem>>) {add = true}
      %dma_wait3A_148 = arith.constant 0 : i32
      %dma_wait3A_149 = tpu.memref_slice %arg5[%add3A_69, %dma_wait3A_148] : memref<160x128xi32, #tpu.memory_space<vmem>> -> memref<1x128xi32, #tpu.memory_space<vmem>>
      %dma_wait3A_150 = tpu.memref_squeeze %dma_wait3A_149 : memref<1x128xi32, #tpu.memory_space<vmem>> -> memref<128xi32, #tpu.memory_space<vmem>>
      %dma_wait3A_151 = arith.constant 0 : i32
      %dma_wait3A_152 = tpu.memref_slice %arg8[%dma_wait3A_151] : memref<10240xf32, #tpu.memory_space<vmem_shared>> -> memref<10240xf32, #tpu.memory_space<vmem_shared>>
      tpu.wait_indirect_dma semaphore(%arg11 : memref<!tpu.dma_semaphore, #tpu.memory_space<semaphore_mem>>) src(%arg6 : memref<128xf32, #tpu.memory_space<vmem>>) dst(%dma_wait3A_152 : memref<10240xf32, #tpu.memory_space<vmem_shared>>)
      %dma_wait3A_153 = arith.constant 0 : i32
      %dma_wait3A_154 = tpu.memref_slice %arg5[%add3A_78, %dma_wait3A_153] : memref<160x128xi32, #tpu.memory_space<vmem>> -> memref<1x128xi32, #tpu.memory_space<vmem>>
      %dma_wait3A_155 = tpu.memref_squeeze %dma_wait3A_154 : memref<1x128xi32, #tpu.memory_space<vmem>> -> memref<128xi32, #tpu.memory_space<vmem>>
      %dma_wait3A_156 = arith.constant 0 : i32
      %dma_wait3A_157 = tpu.memref_slice %arg9[%dma_wait3A_156] : memref<10240xf32, #tpu.memory_space<vmem_shared>> -> memref<10240xf32, #tpu.memory_space<vmem_shared>>
      tpu.wait_indirect_dma semaphore(%arg11 : memref<!tpu.dma_semaphore, #tpu.memory_space<semaphore_mem>>) src(%arg6 : memref<128xf32, #tpu.memory_space<vmem>>) dst(%dma_wait3A_157 : memref<10240xf32, #tpu.memory_space<vmem_shared>>)
      %dma_wait3A_158 = arith.constant 0 : i32
      %dma_wait3A_159 = tpu.memref_slice %arg5[%add3A_85, %dma_wait3A_158] : memref<160x128xi32, #tpu.memory_space<vmem>> -> memref<1x128xi32, #tpu.memory_space<vmem>>
      %dma_wait3A_160 = tpu.memref_squeeze %dma_wait3A_159 : memref<1x128xi32, #tpu.memory_space<vmem>> -> memref<128xi32, #tpu.memory_space<vmem>>
      %dma_wait3A_161 = arith.constant 0 : i32
      %dma_wait3A_162 = tpu.memref_slice %arg8[%dma_wait3A_161] : memref<10240xf32, #tpu.memory_space<vmem_shared>> -> memref<10240xf32, #tpu.memory_space<vmem_shared>>
      tpu.wait_indirect_dma semaphore(%arg11 : memref<!tpu.dma_semaphore, #tpu.memory_space<semaphore_mem>>) src(%arg6 : memref<128xf32, #tpu.memory_space<vmem>>) dst(%dma_wait3A_162 : memref<10240xf32, #tpu.memory_space<vmem_shared>>)
      %dma_wait3A_163 = arith.constant 0 : i32
      %dma_wait3A_164 = tpu.memref_slice %arg5[%add3A_94, %dma_wait3A_163] : memref<160x128xi32, #tpu.memory_space<vmem>> -> memref<1x128xi32, #tpu.memory_space<vmem>>
      %dma_wait3A_165 = tpu.memref_squeeze %dma_wait3A_164 : memref<1x128xi32, #tpu.memory_space<vmem>> -> memref<128xi32, #tpu.memory_space<vmem>>
      %dma_wait3A_166 = arith.constant 0 : i32
      %dma_wait3A_167 = tpu.memref_slice %arg9[%dma_wait3A_166] : memref<10240xf32, #tpu.memory_space<vmem_shared>> -> memref<10240xf32, #tpu.memory_space<vmem_shared>>
      tpu.wait_indirect_dma semaphore(%arg11 : memref<!tpu.dma_semaphore, #tpu.memory_space<semaphore_mem>>) src(%arg6 : memref<128xf32, #tpu.memory_space<vmem>>) dst(%dma_wait3A_167 : memref<10240xf32, #tpu.memory_space<vmem_shared>>)
      %dma_wait3A_168 = arith.constant 0 : i32
      %dma_wait3A_169 = tpu.memref_slice %arg5[%add3A_101, %dma_wait3A_168] : memref<160x128xi32, #tpu.memory_space<vmem>> -> memref<1x128xi32, #tpu.memory_space<vmem>>
      %dma_wait3A_170 = tpu.memref_squeeze %dma_wait3A_169 : memref<1x128xi32, #tpu.memory_space<vmem>> -> memref<128xi32, #tpu.memory_space<vmem>>
      %dma_wait3A_171 = arith.constant 0 : i32
      %dma_wait3A_172 = tpu.memref_slice %arg8[%dma_wait3A_171] : memref<10240xf32, #tpu.memory_space<vmem_shared>> -> memref<10240xf32, #tpu.memory_space<vmem_shared>>
      tpu.wait_indirect_dma semaphore(%arg11 : memref<!tpu.dma_semaphore, #tpu.memory_space<semaphore_mem>>) src(%arg6 : memref<128xf32, #tpu.memory_space<vmem>>) dst(%dma_wait3A_172 : memref<10240xf32, #tpu.memory_space<vmem_shared>>)
      %dma_wait3A_173 = arith.constant 0 : i32
      %dma_wait3A_174 = tpu.memref_slice %arg5[%add3A_110, %dma_wait3A_173] : memref<160x128xi32, #tpu.memory_space<vmem>> -> memref<1x128xi32, #tpu.memory_space<vmem>>
      %dma_wait3A_175 = tpu.memref_squeeze %dma_wait3A_174 : memref<1x128xi32, #tpu.memory_space<vmem>> -> memref<128xi32, #tpu.memory_space<vmem>>
      %dma_wait3A_176 = arith.constant 0 : i32
      %dma_wait3A_177 = tpu.memref_slice %arg9[%dma_wait3A_176] : memref<10240xf32, #tpu.memory_space<vmem_shared>> -> memref<10240xf32, #tpu.memory_space<vmem_shared>>
      tpu.wait_indirect_dma semaphore(%arg11 : memref<!tpu.dma_semaphore, #tpu.memory_space<semaphore_mem>>) src(%arg6 : memref<128xf32, #tpu.memory_space<vmem>>) dst(%dma_wait3A_177 : memref<10240xf32, #tpu.memory_space<vmem_shared>>)
      %dma_wait3A_178 = arith.constant 0 : i32
      %dma_wait3A_179 = tpu.memref_slice %arg5[%add3A_117, %dma_wait3A_178] : memref<160x128xi32, #tpu.memory_space<vmem>> -> memref<1x128xi32, #tpu.memory_space<vmem>>
      %dma_wait3A_180 = tpu.memref_squeeze %dma_wait3A_179 : memref<1x128xi32, #tpu.memory_space<vmem>> -> memref<128xi32, #tpu.memory_space<vmem>>
      %dma_wait3A_181 = arith.constant 0 : i32
      %dma_wait3A_182 = tpu.memref_slice %arg8[%dma_wait3A_181] : memref<10240xf32, #tpu.memory_space<vmem_shared>> -> memref<10240xf32, #tpu.memory_space<vmem_shared>>
      tpu.wait_indirect_dma semaphore(%arg11 : memref<!tpu.dma_semaphore, #tpu.memory_space<semaphore_mem>>) src(%arg6 : memref<128xf32, #tpu.memory_space<vmem>>) dst(%dma_wait3A_182 : memref<10240xf32, #tpu.memory_space<vmem_shared>>)
      %dma_wait3A_183 = arith.constant 0 : i32
      %dma_wait3A_184 = tpu.memref_slice %arg5[%add3A_126, %dma_wait3A_183] : memref<160x128xi32, #tpu.memory_space<vmem>> -> memref<1x128xi32, #tpu.memory_space<vmem>>
      %dma_wait3A_185 = tpu.memref_squeeze %dma_wait3A_184 : memref<1x128xi32, #tpu.memory_space<vmem>> -> memref<128xi32, #tpu.memory_space<vmem>>
      %dma_wait3A_186 = arith.constant 0 : i32
      %dma_wait3A_187 = tpu.memref_slice %arg9[%dma_wait3A_186] : memref<10240xf32, #tpu.memory_space<vmem_shared>> -> memref<10240xf32, #tpu.memory_space<vmem_shared>>
      tpu.wait_indirect_dma semaphore(%arg11 : memref<!tpu.dma_semaphore, #tpu.memory_space<semaphore_mem>>) src(%arg6 : memref<128xf32, #tpu.memory_space<vmem>>) dst(%dma_wait3A_187 : memref<10240xf32, #tpu.memory_space<vmem_shared>>)
      %dma_wait3A_188 = arith.constant 0 : i32
      %dma_wait3A_189 = tpu.memref_slice %arg5[%add3A_133, %dma_wait3A_188] : memref<160x128xi32, #tpu.memory_space<vmem>> -> memref<1x128xi32, #tpu.memory_space<vmem>>
      %dma_wait3A_190 = tpu.memref_squeeze %dma_wait3A_189 : memref<1x128xi32, #tpu.memory_space<vmem>> -> memref<128xi32, #tpu.memory_space<vmem>>
      %dma_wait3A_191 = arith.constant 0 : i32
      %dma_wait3A_192 = tpu.memref_slice %arg8[%dma_wait3A_191] : memref<10240xf32, #tpu.memory_space<vmem_shared>> -> memref<10240xf32, #tpu.memory_space<vmem_shared>>
      tpu.wait_indirect_dma semaphore(%arg11 : memref<!tpu.dma_semaphore, #tpu.memory_space<semaphore_mem>>) src(%arg6 : memref<128xf32, #tpu.memory_space<vmem>>) dst(%dma_wait3A_192 : memref<10240xf32, #tpu.memory_space<vmem_shared>>)
      %dma_wait3A_193 = arith.constant 0 : i32
      %dma_wait3A_194 = tpu.memref_slice %arg5[%add3A_142, %dma_wait3A_193] : memref<160x128xi32, #tpu.memory_space<vmem>> -> memref<1x128xi32, #tpu.memory_space<vmem>>
      %dma_wait3A_195 = tpu.memref_squeeze %dma_wait3A_194 : memref<1x128xi32, #tpu.memory_space<vmem>> -> memref<128xi32, #tpu.memory_space<vmem>>
      %dma_wait3A_196 = arith.constant 0 : i32
      %dma_wait3A_197 = tpu.memref_slice %arg9[%dma_wait3A_196] : memref<10240xf32, #tpu.memory_space<vmem_shared>> -> memref<10240xf32, #tpu.memory_space<vmem_shared>>
      tpu.wait_indirect_dma semaphore(%arg11 : memref<!tpu.dma_semaphore, #tpu.memory_space<semaphore_mem>>) src(%arg6 : memref<128xf32, #tpu.memory_space<vmem>>) dst(%dma_wait3A_197 : memref<10240xf32, #tpu.memory_space<vmem_shared>>)
    }
    %scan3A_57 = arith.constant 16 : i32
    %barrier3A_58 = arith.constant 0 : index
    tpu.barrier barrier_id(%barrier3A_58)
    "tpu.region"() ({
      %run_scoped3A = tpu.sem_alloc : memref<!tpu.dma_semaphore, #tpu.memory_space<semaphore_mem>>
      %dma_start3A_65 = tpu.memref_slice %arg8[%mul3A_46] : memref<10240xf32, #tpu.memory_space<vmem_shared>> -> memref<640xf32, #tpu.memory_space<vmem_shared>>
      %dma_start3A_66 = tpu.memref_slice %arg8[%mul3A_46] : memref<10240xf32, #tpu.memory_space<vmem_shared>> -> memref<640xf32, #tpu.memory_space<vmem_shared>>
      tpu.enqueue_dma source(%dma_start3A_66 : memref<640xf32, #tpu.memory_space<vmem_shared>>) target(%arg7 : memref<640xf32, #tpu.memory_space<vmem>>) target_semaphore(%run_scoped3A : memref<!tpu.dma_semaphore, #tpu.memory_space<semaphore_mem>>)
      %dma_wait3A_67 = tpu.memref_slice %arg8[%mul3A_46] : memref<10240xf32, #tpu.memory_space<vmem_shared>> -> memref<640xf32, #tpu.memory_space<vmem_shared>>
      %dma_wait3A_68 = tpu.memref_slice %arg8[%mul3A_46] : memref<10240xf32, #tpu.memory_space<vmem_shared>> -> memref<640xf32, #tpu.memory_space<vmem_shared>>
      tpu.wait_dma2 semaphore(%run_scoped3A : memref<!tpu.dma_semaphore, #tpu.memory_space<semaphore_mem>>) src(%dma_wait3A_68 : memref<640xf32, #tpu.memory_space<vmem_shared>>) dst(%arg7 : memref<640xf32, #tpu.memory_space<vmem>>)
      tpu.yield
    }) : () -> ()
    %mul3A_59 = arith.constant 10240 : i32
    %mul3A_60 = arith.muli %arg0, %mul3A_59 : i32
    %add3A_61 = arith.addi %mul3A_60, %mul3A_46 : i32
    "tpu.region"() ({
      %run_scoped3A = tpu.sem_alloc : memref<!tpu.dma_semaphore, #tpu.memory_space<semaphore_mem>>
      %dma_start3A_65 = tpu.memref_slice %arg3[%add3A_61] : memref<20480xf32, #tpu.memory_space<hbm>> -> memref<640xf32, #tpu.memory_space<hbm>>
      %dma_start3A_66 = tpu.memref_slice %arg3[%add3A_61] : memref<20480xf32, #tpu.memory_space<hbm>> -> memref<640xf32, #tpu.memory_space<hbm>>
      tpu.enqueue_dma source(%arg7 : memref<640xf32, #tpu.memory_space<vmem>>) target(%dma_start3A_66 : memref<640xf32, #tpu.memory_space<hbm>>) target_semaphore(%run_scoped3A : memref<!tpu.dma_semaphore, #tpu.memory_space<semaphore_mem>>)
      %dma_wait3A_67 = tpu.memref_slice %arg3[%add3A_61] : memref<20480xf32, #tpu.memory_space<hbm>> -> memref<640xf32, #tpu.memory_space<hbm>>
      %dma_wait3A_68 = tpu.memref_slice %arg3[%add3A_61] : memref<20480xf32, #tpu.memory_space<hbm>> -> memref<640xf32, #tpu.memory_space<hbm>>
      tpu.wait_dma2 semaphore(%run_scoped3A : memref<!tpu.dma_semaphore, #tpu.memory_space<semaphore_mem>>) src(%arg7 : memref<640xf32, #tpu.memory_space<vmem>>) dst(%dma_wait3A_68 : memref<640xf32, #tpu.memory_space<hbm>>)
      tpu.yield
    }) : () -> ()
    "tpu.region"() ({
      %run_scoped3A = tpu.sem_alloc : memref<!tpu.dma_semaphore, #tpu.memory_space<semaphore_mem>>
      %dma_start3A_65 = tpu.memref_slice %arg9[%mul3A_46] : memref<10240xf32, #tpu.memory_space<vmem_shared>> -> memref<640xf32, #tpu.memory_space<vmem_shared>>
      %dma_start3A_66 = tpu.memref_slice %arg9[%mul3A_46] : memref<10240xf32, #tpu.memory_space<vmem_shared>> -> memref<640xf32, #tpu.memory_space<vmem_shared>>
      tpu.enqueue_dma source(%dma_start3A_66 : memref<640xf32, #tpu.memory_space<vmem_shared>>) target(%arg7 : memref<640xf32, #tpu.memory_space<vmem>>) target_semaphore(%run_scoped3A : memref<!tpu.dma_semaphore, #tpu.memory_space<semaphore_mem>>)
      %dma_wait3A_67 = tpu.memref_slice %arg9[%mul3A_46] : memref<10240xf32, #tpu.memory_space<vmem_shared>> -> memref<640xf32, #tpu.memory_space<vmem_shared>>
      %dma_wait3A_68 = tpu.memref_slice %arg9[%mul3A_46] : memref<10240xf32, #tpu.memory_space<vmem_shared>> -> memref<640xf32, #tpu.memory_space<vmem_shared>>
      tpu.wait_dma2 semaphore(%run_scoped3A : memref<!tpu.dma_semaphore, #tpu.memory_space<semaphore_mem>>) src(%dma_wait3A_68 : memref<640xf32, #tpu.memory_space<vmem_shared>>) dst(%arg7 : memref<640xf32, #tpu.memory_space<vmem>>)
      tpu.yield
    }) : () -> ()
    %mul3A_62 = arith.constant 10240 : i32
    %mul3A_63 = arith.muli %arg0, %mul3A_62 : i32
    %add3A_64 = arith.addi %mul3A_63, %mul3A_46 : i32
    "tpu.region"() ({
      %run_scoped3A = tpu.sem_alloc : memref<!tpu.dma_semaphore, #tpu.memory_space<semaphore_mem>>
      %dma_start3A_65 = tpu.memref_slice %arg4[%add3A_64] : memref<20480xf32, #tpu.memory_space<hbm>> -> memref<640xf32, #tpu.memory_space<hbm>>
      %dma_start3A_66 = tpu.memref_slice %arg4[%add3A_64] : memref<20480xf32, #tpu.memory_space<hbm>> -> memref<640xf32, #tpu.memory_space<hbm>>
      tpu.enqueue_dma source(%arg7 : memref<640xf32, #tpu.memory_space<vmem>>) target(%dma_start3A_66 : memref<640xf32, #tpu.memory_space<hbm>>) target_semaphore(%run_scoped3A : memref<!tpu.dma_semaphore, #tpu.memory_space<semaphore_mem>>)
      %dma_wait3A_67 = tpu.memref_slice %arg4[%add3A_64] : memref<20480xf32, #tpu.memory_space<hbm>> -> memref<640xf32, #tpu.memory_space<hbm>>
      %dma_wait3A_68 = tpu.memref_slice %arg4[%add3A_64] : memref<20480xf32, #tpu.memory_space<hbm>> -> memref<640xf32, #tpu.memory_space<hbm>>
      tpu.wait_dma2 semaphore(%run_scoped3A : memref<!tpu.dma_semaphore, #tpu.memory_space<semaphore_mem>>) src(%arg7 : memref<640xf32, #tpu.memory_space<vmem>>) dst(%dma_wait3A_68 : memref<640xf32, #tpu.memory_space<hbm>>)
      tpu.yield
    }) : () -> ()
    return
  }
}

#map = affine_map<(d0, d1) -> (0, 0)>
module attributes {stable_mosaic.version = 14 : i64} {
  func.func @_sc_rows(%arg0: i32, %arg1: i32, %arg2: memref<10000x128xf32, #tpu.memory_space<hbm>>, %arg3: memref<5120x128xi32, #tpu.memory_space<hbm>>, %arg4: memref<20480x128xf32, #tpu.memory_space<hbm>>, %arg5: memref<80x128xi32, #tpu.memory_space<vmem>>, %arg6: memref<2x128x128xf32, #tpu.memory_space<vmem>>, %arg7: memref<10240x128xf32, #tpu.memory_space<vmem_shared>>, %arg8: memref<!tpu.dma_semaphore, #tpu.memory_space<semaphore_mem>>, %arg9: memref<!tpu.dma_semaphore, #tpu.memory_space<semaphore_mem>>, %arg10: memref<!tpu.dma_semaphore, #tpu.memory_space<semaphore_mem>>) attributes {dimension_semantics = [#tpu.dimension_semantics<core_parallel>, #tpu.dimension_semantics<subcore_parallel>], iteration_bounds = array<i64: 2, 16>, scalar_prefetch = 0 : i64, scratch_operands = 6 : i64, tpu.core_type = #tpu.core_type<sc_vector_subcore>, window_params = [{transform_indices = #map}, {transform_indices = #map}, {transform_indices = #map}]} {
    %mul3A = arith.constant 2 : i32
    %mul3A_0 = arith.muli %arg1, %mul3A : i32
    %add3A = arith.addi %mul3A_0, %arg0 : i32
    %broadcast_in_dim3A = arith.constant 0.000000e+00 : f32
    %broadcast_in_dim3A_1 = vector.broadcast %broadcast_in_dim3A : f32 to vector<16xf32>
    %scan3A = arith.constant 0 : i32
    %scan3A_2 = arith.constant 0 : i32
    %scan3A_3 = arith.constant 128 : i32
    %scan3A_4 = arith.addi %scan3A_2, %scan3A_3 : i32
    %scan3A_5 = arith.constant 1 : i32
    scf.for %scan3A_64 = %scan3A_2 to %scan3A_4 step %scan3A_5  : i32 {
      %swap3A = arith.constant 0 : i32
      %swap3A_65 = arith.index_cast %swap3A : i32 to index
      %swap3A_66 = arith.index_cast %scan3A_64 : i32 to index
      %swap3A_67 = arith.constant 0 : index
      %swap3A_68 = tpu.vector_load %arg6[%swap3A_65, %swap3A_66, %swap3A_67] {strides = array<i32>} : memref<2x128x128xf32, #tpu.memory_space<vmem>>, vector<1x1x16xf32>,
      %swap3A_69 = vector.shape_cast %swap3A_68 : vector<1x1x16xf32> to vector<16xf32>
      %swap3A_70 = vector.shape_cast %broadcast_in_dim3A_1 : vector<16xf32> to vector<1x1x16xf32>
      tpu.vector_store %arg6[%swap3A_65, %swap3A_66, %swap3A_67], %swap3A_70 {strides = array<i32>} : memref<2x128x128xf32, #tpu.memory_space<vmem>>, vector<1x1x16xf32>,
      %swap3A_71 = arith.constant 0 : i32
      %swap3A_72 = arith.index_cast %swap3A_71 : i32 to index
      %swap3A_73 = arith.index_cast %scan3A_64 : i32 to index
      %swap3A_74 = arith.constant 16 : index
      %swap3A_75 = tpu.vector_load %arg6[%swap3A_72, %swap3A_73, %swap3A_74] {strides = array<i32>} : memref<2x128x128xf32, #tpu.memory_space<vmem>>, vector<1x1x16xf32>,
      %swap3A_76 = vector.shape_cast %swap3A_75 : vector<1x1x16xf32> to vector<16xf32>
      %swap3A_77 = vector.shape_cast %broadcast_in_dim3A_1 : vector<16xf32> to vector<1x1x16xf32>
      tpu.vector_store %arg6[%swap3A_72, %swap3A_73, %swap3A_74], %swap3A_77 {strides = array<i32>} : memref<2x128x128xf32, #tpu.memory_space<vmem>>, vector<1x1x16xf32>,
      %swap3A_78 = arith.constant 0 : i32
      %swap3A_79 = arith.index_cast %swap3A_78 : i32 to index
      %swap3A_80 = arith.index_cast %scan3A_64 : i32 to index
      %swap3A_81 = arith.constant 32 : index
      %swap3A_82 = tpu.vector_load %arg6[%swap3A_79, %swap3A_80, %swap3A_81] {strides = array<i32>} : memref<2x128x128xf32, #tpu.memory_space<vmem>>, vector<1x1x16xf32>,
      %swap3A_83 = vector.shape_cast %swap3A_82 : vector<1x1x16xf32> to vector<16xf32>
      %swap3A_84 = vector.shape_cast %broadcast_in_dim3A_1 : vector<16xf32> to vector<1x1x16xf32>
      tpu.vector_store %arg6[%swap3A_79, %swap3A_80, %swap3A_81], %swap3A_84 {strides = array<i32>} : memref<2x128x128xf32, #tpu.memory_space<vmem>>, vector<1x1x16xf32>,
      %swap3A_85 = arith.constant 0 : i32
      %swap3A_86 = arith.index_cast %swap3A_85 : i32 to index
      %swap3A_87 = arith.index_cast %scan3A_64 : i32 to index
      %swap3A_88 = arith.constant 48 : index
      %swap3A_89 = tpu.vector_load %arg6[%swap3A_86, %swap3A_87, %swap3A_88] {strides = array<i32>} : memref<2x128x128xf32, #tpu.memory_space<vmem>>, vector<1x1x16xf32>,
      %swap3A_90 = vector.shape_cast %swap3A_89 : vector<1x1x16xf32> to vector<16xf32>
      %swap3A_91 = vector.shape_cast %broadcast_in_dim3A_1 : vector<16xf32> to vector<1x1x16xf32>
      tpu.vector_store %arg6[%swap3A_86, %swap3A_87, %swap3A_88], %swap3A_91 {strides = array<i32>} : memref<2x128x128xf32, #tpu.memory_space<vmem>>, vector<1x1x16xf32>,
      %swap3A_92 = arith.constant 0 : i32
      %swap3A_93 = arith.index_cast %swap3A_92 : i32 to index
      %swap3A_94 = arith.index_cast %scan3A_64 : i32 to index
      %swap3A_95 = arith.constant 64 : index
      %swap3A_96 = tpu.vector_load %arg6[%swap3A_93, %swap3A_94, %swap3A_95] {strides = array<i32>} : memref<2x128x128xf32, #tpu.memory_space<vmem>>, vector<1x1x16xf32>,
      %swap3A_97 = vector.shape_cast %swap3A_96 : vector<1x1x16xf32> to vector<16xf32>
      %swap3A_98 = vector.shape_cast %broadcast_in_dim3A_1 : vector<16xf32> to vector<1x1x16xf32>
      tpu.vector_store %arg6[%swap3A_93, %swap3A_94, %swap3A_95], %swap3A_98 {strides = array<i32>} : memref<2x128x128xf32, #tpu.memory_space<vmem>>, vector<1x1x16xf32>,
      %swap3A_99 = arith.constant 0 : i32
      %swap3A_100 = arith.index_cast %swap3A_99 : i32 to index
      %swap3A_101 = arith.index_cast %scan3A_64 : i32 to index
      %swap3A_102 = arith.constant 80 : index
      %swap3A_103 = tpu.vector_load %arg6[%swap3A_100, %swap3A_101, %swap3A_102] {strides = array<i32>} : memref<2x128x128xf32, #tpu.memory_space<vmem>>, vector<1x1x16xf32>,
      %swap3A_104 = vector.shape_cast %swap3A_103 : vector<1x1x16xf32> to vector<16xf32>
      %swap3A_105 = vector.shape_cast %broadcast_in_dim3A_1 : vector<16xf32> to vector<1x1x16xf32>
      tpu.vector_store %arg6[%swap3A_100, %swap3A_101, %swap3A_102], %swap3A_105 {strides = array<i32>} : memref<2x128x128xf32, #tpu.memory_space<vmem>>, vector<1x1x16xf32>,
      %swap3A_106 = arith.constant 0 : i32
      %swap3A_107 = arith.index_cast %swap3A_106 : i32 to index
      %swap3A_108 = arith.index_cast %scan3A_64 : i32 to index
      %swap3A_109 = arith.constant 96 : index
      %swap3A_110 = tpu.vector_load %arg6[%swap3A_107, %swap3A_108, %swap3A_109] {strides = array<i32>} : memref<2x128x128xf32, #tpu.memory_space<vmem>>, vector<1x1x16xf32>,
      %swap3A_111 = vector.shape_cast %swap3A_110 : vector<1x1x16xf32> to vector<16xf32>
      %swap3A_112 = vector.shape_cast %broadcast_in_dim3A_1 : vector<16xf32> to vector<1x1x16xf32>
      tpu.vector_store %arg6[%swap3A_107, %swap3A_108, %swap3A_109], %swap3A_112 {strides = array<i32>} : memref<2x128x128xf32, #tpu.memory_space<vmem>>, vector<1x1x16xf32>,
      %swap3A_113 = arith.constant 0 : i32
      %swap3A_114 = arith.index_cast %swap3A_113 : i32 to index
      %swap3A_115 = arith.index_cast %scan3A_64 : i32 to index
      %swap3A_116 = arith.constant 112 : index
      %swap3A_117 = tpu.vector_load %arg6[%swap3A_114, %swap3A_115, %swap3A_116] {strides = array<i32>} : memref<2x128x128xf32, #tpu.memory_space<vmem>>, vector<1x1x16xf32>,
      %swap3A_118 = vector.shape_cast %swap3A_117 : vector<1x1x16xf32> to vector<16xf32>
      %swap3A_119 = vector.shape_cast %broadcast_in_dim3A_1 : vector<16xf32> to vector<1x1x16xf32>
      tpu.vector_store %arg6[%swap3A_114, %swap3A_115, %swap3A_116], %swap3A_119 {strides = array<i32>} : memref<2x128x128xf32, #tpu.memory_space<vmem>>, vector<1x1x16xf32>,
    }
    %scan3A_6 = arith.constant 128 : i32
    %mul3A_7 = arith.constant 640 : i32
    %mul3A_8 = arith.muli %arg1, %mul3A_7 : i32
    %add3A_9 = arith.constant 0 : i32
    %add3A_10 = arith.addi %mul3A_8, %add3A_9 : i32
    %run_scoped3A = arith.constant 0 : i32
    "tpu.region"() ({
      %run_scoped3A_64 = tpu.sem_alloc : memref<!tpu.dma_semaphore, #tpu.memory_space<semaphore_mem>>
      %dma_start3A_65 = arith.constant 0 : i32
      %dma_start3A_66 = arith.constant 0 : i32
      %dma_start3A_67 = tpu.memref_slice %arg6[%run_scoped3A, %dma_start3A_65, %dma_start3A_66] : memref<2x128x128xf32, #tpu.memory_space<vmem>> -> memref<1x128x128xf32, #tpu.memory_space<vmem>>
      %dma_start3A_68 = tpu.memref_squeeze %dma_start3A_67 : memref<1x128x128xf32, #tpu.memory_space<vmem>> -> memref<128x128xf32, #tpu.memory_space<vmem>>
      %dma_start3A_69 = arith.constant 0 : i32
      %dma_start3A_70 = tpu.memref_slice %arg7[%add3A_10, %dma_start3A_69] : memref<10240x128xf32, #tpu.memory_space<vmem_shared>> -> memref<128x128xf32, #tpu.memory_space<vmem_shared>>
      %dma_start3A_71 = arith.constant 0 : i32
      %dma_start3A_72 = tpu.memref_slice %arg7[%add3A_10, %dma_start3A_71] : memref<10240x128xf32, #tpu.memory_space<vmem_shared>> -> memref<128x128xf32, #tpu.memory_space<vmem_shared>>
      %dma_start3A_73 = arith.constant 0 : i32
      %dma_start3A_74 = arith.constant 0 : i32
      %dma_start3A_75 = tpu.memref_slice %arg6[%run_scoped3A, %dma_start3A_73, %dma_start3A_74] : memref<2x128x128xf32, #tpu.memory_space<vmem>> -> memref<1x128x128xf32, #tpu.memory_space<vmem>>
      %dma_start3A_76 = tpu.memref_squeeze %dma_start3A_75 : memref<1x128x128xf32, #tpu.memory_space<vmem>> -> memref<128x128xf32, #tpu.memory_space<vmem>>
      tpu.enqueue_dma source(%dma_start3A_76 : memref<128x128xf32, #tpu.memory_space<vmem>>) target(%dma_start3A_72 : memref<128x128xf32, #tpu.memory_space<vmem_shared>>) target_semaphore(%run_scoped3A_64 : memref<!tpu.dma_semaphore, #tpu.memory_space<semaphore_mem>>)
      %dma_wait3A_77 = arith.constant 0 : i32
      %dma_wait3A_78 = arith.constant 0 : i32
      %dma_wait3A_79 = tpu.memref_slice %arg6[%run_scoped3A, %dma_wait3A_77, %dma_wait3A_78] : memref<2x128x128xf32, #tpu.memory_space<vmem>> -> memref<1x128x128xf32, #tpu.memory_space<vmem>>
      %dma_wait3A_80 = tpu.memref_squeeze %dma_wait3A_79 : memref<1x128x128xf32, #tpu.memory_space<vmem>> -> memref<128x128xf32, #tpu.memory_space<vmem>>
      %dma_wait3A_81 = arith.constant 0 : i32
      %dma_wait3A_82 = tpu.memref_slice %arg7[%add3A_10, %dma_wait3A_81] : memref<10240x128xf32, #tpu.memory_space<vmem_shared>> -> memref<128x128xf32, #tpu.memory_space<vmem_shared>>
      %dma_wait3A_83 = arith.constant 0 : i32
      %dma_wait3A_84 = tpu.memref_slice %arg7[%add3A_10, %dma_wait3A_83] : memref<10240x128xf32, #tpu.memory_space<vmem_shared>> -> memref<128x128xf32, #tpu.memory_space<vmem_shared>>
      %dma_wait3A_85 = arith.constant 0 : i32
      %dma_wait3A_86 = arith.constant 0 : i32
      %dma_wait3A_87 = tpu.memref_slice %arg6[%run_scoped3A, %dma_wait3A_85, %dma_wait3A_86] : memref<2x128x128xf32, #tpu.memory_space<vmem>> -> memref<1x128x128xf32, #tpu.memory_space<vmem>>
      %dma_wait3A_88 = tpu.memref_squeeze %dma_wait3A_87 : memref<1x128x128xf32, #tpu.memory_space<vmem>> -> memref<128x128xf32, #tpu.memory_space<vmem>>
      tpu.wait_dma2 semaphore(%run_scoped3A_64 : memref<!tpu.dma_semaphore, #tpu.memory_space<semaphore_mem>>) src(%dma_wait3A_88 : memref<128x128xf32, #tpu.memory_space<vmem>>) dst(%dma_wait3A_84 : memref<128x128xf32, #tpu.memory_space<vmem_shared>>)
      tpu.yield
    }) : () -> ()
    %add3A_11 = arith.constant 128 : i32
    %add3A_12 = arith.addi %mul3A_8, %add3A_11 : i32
    %run_scoped3A_13 = arith.constant 0 : i32
    "tpu.region"() ({
      %run_scoped3A_64 = tpu.sem_alloc : memref<!tpu.dma_semaphore, #tpu.memory_space<semaphore_mem>>
      %dma_start3A_65 = arith.constant 0 : i32
      %dma_start3A_66 = arith.constant 0 : i32
      %dma_start3A_67 = tpu.memref_slice %arg6[%run_scoped3A_13, %dma_start3A_65, %dma_start3A_66] : memref<2x128x128xf32, #tpu.memory_space<vmem>> -> memref<1x128x128xf32, #tpu.memory_space<vmem>>
      %dma_start3A_68 = tpu.memref_squeeze %dma_start3A_67 : memref<1x128x128xf32, #tpu.memory_space<vmem>> -> memref<128x128xf32, #tpu.memory_space<vmem>>
      %dma_start3A_69 = arith.constant 0 : i32
      %dma_start3A_70 = tpu.memref_slice %arg7[%add3A_12, %dma_start3A_69] : memref<10240x128xf32, #tpu.memory_space<vmem_shared>> -> memref<128x128xf32, #tpu.memory_space<vmem_shared>>
      %dma_start3A_71 = arith.constant 0 : i32
      %dma_start3A_72 = tpu.memref_slice %arg7[%add3A_12, %dma_start3A_71] : memref<10240x128xf32, #tpu.memory_space<vmem_shared>> -> memref<128x128xf32, #tpu.memory_space<vmem_shared>>
      %dma_start3A_73 = arith.constant 0 : i32
      %dma_start3A_74 = arith.constant 0 : i32
      %dma_start3A_75 = tpu.memref_slice %arg6[%run_scoped3A_13, %dma_start3A_73, %dma_start3A_74] : memref<2x128x128xf32, #tpu.memory_space<vmem>> -> memref<1x128x128xf32, #tpu.memory_space<vmem>>
      %dma_start3A_76 = tpu.memref_squeeze %dma_start3A_75 : memref<1x128x128xf32, #tpu.memory_space<vmem>> -> memref<128x128xf32, #tpu.memory_space<vmem>>
      tpu.enqueue_dma source(%dma_start3A_76 : memref<128x128xf32, #tpu.memory_space<vmem>>) target(%dma_start3A_72 : memref<128x128xf32, #tpu.memory_space<vmem_shared>>) target_semaphore(%run_scoped3A_64 : memref<!tpu.dma_semaphore, #tpu.memory_space<semaphore_mem>>)
      %dma_wait3A_77 = arith.constant 0 : i32
      %dma_wait3A_78 = arith.constant 0 : i32
      %dma_wait3A_79 = tpu.memref_slice %arg6[%run_scoped3A_13, %dma_wait3A_77, %dma_wait3A_78] : memref<2x128x128xf32, #tpu.memory_space<vmem>> -> memref<1x128x128xf32, #tpu.memory_space<vmem>>
      %dma_wait3A_80 = tpu.memref_squeeze %dma_wait3A_79 : memref<1x128x128xf32, #tpu.memory_space<vmem>> -> memref<128x128xf32, #tpu.memory_space<vmem>>
      %dma_wait3A_81 = arith.constant 0 : i32
      %dma_wait3A_82 = tpu.memref_slice %arg7[%add3A_12, %dma_wait3A_81] : memref<10240x128xf32, #tpu.memory_space<vmem_shared>> -> memref<128x128xf32, #tpu.memory_space<vmem_shared>>
      %dma_wait3A_83 = arith.constant 0 : i32
      %dma_wait3A_84 = tpu.memref_slice %arg7[%add3A_12, %dma_wait3A_83] : memref<10240x128xf32, #tpu.memory_space<vmem_shared>> -> memref<128x128xf32, #tpu.memory_space<vmem_shared>>
      %dma_wait3A_85 = arith.constant 0 : i32
      %dma_wait3A_86 = arith.constant 0 : i32
      %dma_wait3A_87 = tpu.memref_slice %arg6[%run_scoped3A_13, %dma_wait3A_85, %dma_wait3A_86] : memref<2x128x128xf32, #tpu.memory_space<vmem>> -> memref<1x128x128xf32, #tpu.memory_space<vmem>>
      %dma_wait3A_88 = tpu.memref_squeeze %dma_wait3A_87 : memref<1x128x128xf32, #tpu.memory_space<vmem>> -> memref<128x128xf32, #tpu.memory_space<vmem>>
      tpu.wait_dma2 semaphore(%run_scoped3A_64 : memref<!tpu.dma_semaphore, #tpu.memory_space<semaphore_mem>>) src(%dma_wait3A_88 : memref<128x128xf32, #tpu.memory_space<vmem>>) dst(%dma_wait3A_84 : memref<128x128xf32, #tpu.memory_space<vmem_shared>>)
      tpu.yield
    }) : () -> ()
    %add3A_14 = arith.constant 256 : i32
    %add3A_15 = arith.addi %mul3A_8, %add3A_14 : i32
    %run_scoped3A_16 = arith.constant 0 : i32
    "tpu.region"() ({
      %run_scoped3A_64 = tpu.sem_alloc : memref<!tpu.dma_semaphore, #tpu.memory_space<semaphore_mem>>
      %dma_start3A_65 = arith.constant 0 : i32
      %dma_start3A_66 = arith.constant 0 : i32
      %dma_start3A_67 = tpu.memref_slice %arg6[%run_scoped3A_16, %dma_start3A_65, %dma_start3A_66] : memref<2x128x128xf32, #tpu.memory_space<vmem>> -> memref<1x128x128xf32, #tpu.memory_space<vmem>>
      %dma_start3A_68 = tpu.memref_squeeze %dma_start3A_67 : memref<1x128x128xf32, #tpu.memory_space<vmem>> -> memref<128x128xf32, #tpu.memory_space<vmem>>
      %dma_start3A_69 = arith.constant 0 : i32
      %dma_start3A_70 = tpu.memref_slice %arg7[%add3A_15, %dma_start3A_69] : memref<10240x128xf32, #tpu.memory_space<vmem_shared>> -> memref<128x128xf32, #tpu.memory_space<vmem_shared>>
      %dma_start3A_71 = arith.constant 0 : i32
      %dma_start3A_72 = tpu.memref_slice %arg7[%add3A_15, %dma_start3A_71] : memref<10240x128xf32, #tpu.memory_space<vmem_shared>> -> memref<128x128xf32, #tpu.memory_space<vmem_shared>>
      %dma_start3A_73 = arith.constant 0 : i32
      %dma_start3A_74 = arith.constant 0 : i32
      %dma_start3A_75 = tpu.memref_slice %arg6[%run_scoped3A_16, %dma_start3A_73, %dma_start3A_74] : memref<2x128x128xf32, #tpu.memory_space<vmem>> -> memref<1x128x128xf32, #tpu.memory_space<vmem>>
      %dma_start3A_76 = tpu.memref_squeeze %dma_start3A_75 : memref<1x128x128xf32, #tpu.memory_space<vmem>> -> memref<128x128xf32, #tpu.memory_space<vmem>>
      tpu.enqueue_dma source(%dma_start3A_76 : memref<128x128xf32, #tpu.memory_space<vmem>>) target(%dma_start3A_72 : memref<128x128xf32, #tpu.memory_space<vmem_shared>>) target_semaphore(%run_scoped3A_64 : memref<!tpu.dma_semaphore, #tpu.memory_space<semaphore_mem>>)
      %dma_wait3A_77 = arith.constant 0 : i32
      %dma_wait3A_78 = arith.constant 0 : i32
      %dma_wait3A_79 = tpu.memref_slice %arg6[%run_scoped3A_16, %dma_wait3A_77, %dma_wait3A_78] : memref<2x128x128xf32, #tpu.memory_space<vmem>> -> memref<1x128x128xf32, #tpu.memory_space<vmem>>
      %dma_wait3A_80 = tpu.memref_squeeze %dma_wait3A_79 : memref<1x128x128xf32, #tpu.memory_space<vmem>> -> memref<128x128xf32, #tpu.memory_space<vmem>>
      %dma_wait3A_81 = arith.constant 0 : i32
      %dma_wait3A_82 = tpu.memref_slice %arg7[%add3A_15, %dma_wait3A_81] : memref<10240x128xf32, #tpu.memory_space<vmem_shared>> -> memref<128x128xf32, #tpu.memory_space<vmem_shared>>
      %dma_wait3A_83 = arith.constant 0 : i32
      %dma_wait3A_84 = tpu.memref_slice %arg7[%add3A_15, %dma_wait3A_83] : memref<10240x128xf32, #tpu.memory_space<vmem_shared>> -> memref<128x128xf32, #tpu.memory_space<vmem_shared>>
      %dma_wait3A_85 = arith.constant 0 : i32
      %dma_wait3A_86 = arith.constant 0 : i32
      %dma_wait3A_87 = tpu.memref_slice %arg6[%run_scoped3A_16, %dma_wait3A_85, %dma_wait3A_86] : memref<2x128x128xf32, #tpu.memory_space<vmem>> -> memref<1x128x128xf32, #tpu.memory_space<vmem>>
      %dma_wait3A_88 = tpu.memref_squeeze %dma_wait3A_87 : memref<1x128x128xf32, #tpu.memory_space<vmem>> -> memref<128x128xf32, #tpu.memory_space<vmem>>
      tpu.wait_dma2 semaphore(%run_scoped3A_64 : memref<!tpu.dma_semaphore, #tpu.memory_space<semaphore_mem>>) src(%dma_wait3A_88 : memref<128x128xf32, #tpu.memory_space<vmem>>) dst(%dma_wait3A_84 : memref<128x128xf32, #tpu.memory_space<vmem_shared>>)
      tpu.yield
    }) : () -> ()
    %add3A_17 = arith.constant 384 : i32
    %add3A_18 = arith.addi %mul3A_8, %add3A_17 : i32
    %run_scoped3A_19 = arith.constant 0 : i32
    "tpu.region"() ({
      %run_scoped3A_64 = tpu.sem_alloc : memref<!tpu.dma_semaphore, #tpu.memory_space<semaphore_mem>>
      %dma_start3A_65 = arith.constant 0 : i32
      %dma_start3A_66 = arith.constant 0 : i32
      %dma_start3A_67 = tpu.memref_slice %arg6[%run_scoped3A_19, %dma_start3A_65, %dma_start3A_66] : memref<2x128x128xf32, #tpu.memory_space<vmem>> -> memref<1x128x128xf32, #tpu.memory_space<vmem>>
      %dma_start3A_68 = tpu.memref_squeeze %dma_start3A_67 : memref<1x128x128xf32, #tpu.memory_space<vmem>> -> memref<128x128xf32, #tpu.memory_space<vmem>>
      %dma_start3A_69 = arith.constant 0 : i32
      %dma_start3A_70 = tpu.memref_slice %arg7[%add3A_18, %dma_start3A_69] : memref<10240x128xf32, #tpu.memory_space<vmem_shared>> -> memref<128x128xf32, #tpu.memory_space<vmem_shared>>
      %dma_start3A_71 = arith.constant 0 : i32
      %dma_start3A_72 = tpu.memref_slice %arg7[%add3A_18, %dma_start3A_71] : memref<10240x128xf32, #tpu.memory_space<vmem_shared>> -> memref<128x128xf32, #tpu.memory_space<vmem_shared>>
      %dma_start3A_73 = arith.constant 0 : i32
      %dma_start3A_74 = arith.constant 0 : i32
      %dma_start3A_75 = tpu.memref_slice %arg6[%run_scoped3A_19, %dma_start3A_73, %dma_start3A_74] : memref<2x128x128xf32, #tpu.memory_space<vmem>> -> memref<1x128x128xf32, #tpu.memory_space<vmem>>
      %dma_start3A_76 = tpu.memref_squeeze %dma_start3A_75 : memref<1x128x128xf32, #tpu.memory_space<vmem>> -> memref<128x128xf32, #tpu.memory_space<vmem>>
      tpu.enqueue_dma source(%dma_start3A_76 : memref<128x128xf32, #tpu.memory_space<vmem>>) target(%dma_start3A_72 : memref<128x128xf32, #tpu.memory_space<vmem_shared>>) target_semaphore(%run_scoped3A_64 : memref<!tpu.dma_semaphore, #tpu.memory_space<semaphore_mem>>)
      %dma_wait3A_77 = arith.constant 0 : i32
      %dma_wait3A_78 = arith.constant 0 : i32
      %dma_wait3A_79 = tpu.memref_slice %arg6[%run_scoped3A_19, %dma_wait3A_77, %dma_wait3A_78] : memref<2x128x128xf32, #tpu.memory_space<vmem>> -> memref<1x128x128xf32, #tpu.memory_space<vmem>>
      %dma_wait3A_80 = tpu.memref_squeeze %dma_wait3A_79 : memref<1x128x128xf32, #tpu.memory_space<vmem>> -> memref<128x128xf32, #tpu.memory_space<vmem>>
      %dma_wait3A_81 = arith.constant 0 : i32
      %dma_wait3A_82 = tpu.memref_slice %arg7[%add3A_18, %dma_wait3A_81] : memref<10240x128xf32, #tpu.memory_space<vmem_shared>> -> memref<128x128xf32, #tpu.memory_space<vmem_shared>>
      %dma_wait3A_83 = arith.constant 0 : i32
      %dma_wait3A_84 = tpu.memref_slice %arg7[%add3A_18, %dma_wait3A_83] : memref<10240x128xf32, #tpu.memory_space<vmem_shared>> -> memref<128x128xf32, #tpu.memory_space<vmem_shared>>
      %dma_wait3A_85 = arith.constant 0 : i32
      %dma_wait3A_86 = arith.constant 0 : i32
      %dma_wait3A_87 = tpu.memref_slice %arg6[%run_scoped3A_19, %dma_wait3A_85, %dma_wait3A_86] : memref<2x128x128xf32, #tpu.memory_space<vmem>> -> memref<1x128x128xf32, #tpu.memory_space<vmem>>
      %dma_wait3A_88 = tpu.memref_squeeze %dma_wait3A_87 : memref<1x128x128xf32, #tpu.memory_space<vmem>> -> memref<128x128xf32, #tpu.memory_space<vmem>>
      tpu.wait_dma2 semaphore(%run_scoped3A_64 : memref<!tpu.dma_semaphore, #tpu.memory_space<semaphore_mem>>) src(%dma_wait3A_88 : memref<128x128xf32, #tpu.memory_space<vmem>>) dst(%dma_wait3A_84 : memref<128x128xf32, #tpu.memory_space<vmem_shared>>)
      tpu.yield
    }) : () -> ()
    %add3A_20 = arith.constant 512 : i32
    %add3A_21 = arith.addi %mul3A_8, %add3A_20 : i32
    %run_scoped3A_22 = arith.constant 0 : i32
    "tpu.region"() ({
      %run_scoped3A_64 = tpu.sem_alloc : memref<!tpu.dma_semaphore, #tpu.memory_space<semaphore_mem>>
      %dma_start3A_65 = arith.constant 0 : i32
      %dma_start3A_66 = arith.constant 0 : i32
      %dma_start3A_67 = tpu.memref_slice %arg6[%run_scoped3A_22, %dma_start3A_65, %dma_start3A_66] : memref<2x128x128xf32, #tpu.memory_space<vmem>> -> memref<1x128x128xf32, #tpu.memory_space<vmem>>
      %dma_start3A_68 = tpu.memref_squeeze %dma_start3A_67 : memref<1x128x128xf32, #tpu.memory_space<vmem>> -> memref<128x128xf32, #tpu.memory_space<vmem>>
      %dma_start3A_69 = arith.constant 0 : i32
      %dma_start3A_70 = tpu.memref_slice %arg7[%add3A_21, %dma_start3A_69] : memref<10240x128xf32, #tpu.memory_space<vmem_shared>> -> memref<128x128xf32, #tpu.memory_space<vmem_shared>>
      %dma_start3A_71 = arith.constant 0 : i32
      %dma_start3A_72 = tpu.memref_slice %arg7[%add3A_21, %dma_start3A_71] : memref<10240x128xf32, #tpu.memory_space<vmem_shared>> -> memref<128x128xf32, #tpu.memory_space<vmem_shared>>
      %dma_start3A_73 = arith.constant 0 : i32
      %dma_start3A_74 = arith.constant 0 : i32
      %dma_start3A_75 = tpu.memref_slice %arg6[%run_scoped3A_22, %dma_start3A_73, %dma_start3A_74] : memref<2x128x128xf32, #tpu.memory_space<vmem>> -> memref<1x128x128xf32, #tpu.memory_space<vmem>>
      %dma_start3A_76 = tpu.memref_squeeze %dma_start3A_75 : memref<1x128x128xf32, #tpu.memory_space<vmem>> -> memref<128x128xf32, #tpu.memory_space<vmem>>
      tpu.enqueue_dma source(%dma_start3A_76 : memref<128x128xf32, #tpu.memory_space<vmem>>) target(%dma_start3A_72 : memref<128x128xf32, #tpu.memory_space<vmem_shared>>) target_semaphore(%run_scoped3A_64 : memref<!tpu.dma_semaphore, #tpu.memory_space<semaphore_mem>>)
      %dma_wait3A_77 = arith.constant 0 : i32
      %dma_wait3A_78 = arith.constant 0 : i32
      %dma_wait3A_79 = tpu.memref_slice %arg6[%run_scoped3A_22, %dma_wait3A_77, %dma_wait3A_78] : memref<2x128x128xf32, #tpu.memory_space<vmem>> -> memref<1x128x128xf32, #tpu.memory_space<vmem>>
      %dma_wait3A_80 = tpu.memref_squeeze %dma_wait3A_79 : memref<1x128x128xf32, #tpu.memory_space<vmem>> -> memref<128x128xf32, #tpu.memory_space<vmem>>
      %dma_wait3A_81 = arith.constant 0 : i32
      %dma_wait3A_82 = tpu.memref_slice %arg7[%add3A_21, %dma_wait3A_81] : memref<10240x128xf32, #tpu.memory_space<vmem_shared>> -> memref<128x128xf32, #tpu.memory_space<vmem_shared>>
      %dma_wait3A_83 = arith.constant 0 : i32
      %dma_wait3A_84 = tpu.memref_slice %arg7[%add3A_21, %dma_wait3A_83] : memref<10240x128xf32, #tpu.memory_space<vmem_shared>> -> memref<128x128xf32, #tpu.memory_space<vmem_shared>>
      %dma_wait3A_85 = arith.constant 0 : i32
      %dma_wait3A_86 = arith.constant 0 : i32
      %dma_wait3A_87 = tpu.memref_slice %arg6[%run_scoped3A_22, %dma_wait3A_85, %dma_wait3A_86] : memref<2x128x128xf32, #tpu.memory_space<vmem>> -> memref<1x128x128xf32, #tpu.memory_space<vmem>>
      %dma_wait3A_88 = tpu.memref_squeeze %dma_wait3A_87 : memref<1x128x128xf32, #tpu.memory_space<vmem>> -> memref<128x128xf32, #tpu.memory_space<vmem>>
      tpu.wait_dma2 semaphore(%run_scoped3A_64 : memref<!tpu.dma_semaphore, #tpu.memory_space<semaphore_mem>>) src(%dma_wait3A_88 : memref<128x128xf32, #tpu.memory_space<vmem>>) dst(%dma_wait3A_84 : memref<128x128xf32, #tpu.memory_space<vmem_shared>>)
      tpu.yield
    }) : () -> ()
    %barrier3A = arith.constant 0 : index
    tpu.barrier barrier_id(%barrier3A)
    %mul3A_23 = arith.constant 160 : i32
    %mul3A_24 = arith.muli %add3A, %mul3A_23 : i32
    %add3A_25 = arith.constant 0 : i32
    %add3A_26 = arith.addi %mul3A_24, %add3A_25 : i32
    %dma_start3A = arith.constant 0 : i32
    %dma_start3A_27 = tpu.memref_slice %arg3[%add3A_26, %dma_start3A] : memref<5120x128xi32, #tpu.memory_space<hbm>> -> memref<80x128xi32, #tpu.memory_space<hbm>>
    %dma_start3A_28 = arith.constant 0 : i32
    %dma_start3A_29 = tpu.memref_slice %arg3[%add3A_26, %dma_start3A_28] : memref<5120x128xi32, #tpu.memory_space<hbm>> -> memref<80x128xi32, #tpu.memory_space<hbm>>
    tpu.enqueue_dma source(%dma_start3A_29 : memref<80x128xi32, #tpu.memory_space<hbm>>) target(%arg5 : memref<80x128xi32, #tpu.memory_space<vmem>>) target_semaphore(%arg8 : memref<!tpu.dma_semaphore, #tpu.memory_space<semaphore_mem>>)
    %dma_wait3A = arith.constant 0 : i32
    %dma_wait3A_30 = tpu.memref_slice %arg3[%add3A_26, %dma_wait3A] : memref<5120x128xi32, #tpu.memory_space<hbm>> -> memref<80x128xi32, #tpu.memory_space<hbm>>
    %dma_wait3A_31 = arith.constant 0 : i32
    %dma_wait3A_32 = tpu.memref_slice %arg3[%add3A_26, %dma_wait3A_31] : memref<5120x128xi32, #tpu.memory_space<hbm>> -> memref<80x128xi32, #tpu.memory_space<hbm>>
    tpu.wait_dma2 semaphore(%arg8 : memref<!tpu.dma_semaphore, #tpu.memory_space<semaphore_mem>>) src(%dma_wait3A_32 : memref<80x128xi32, #tpu.memory_space<hbm>>) dst(%arg5 : memref<80x128xi32, #tpu.memory_space<vmem>>)
    %scan3A_33 = arith.constant 0 : i32
    %scan3A_34 = arith.constant 0 : i32
    %scan3A_35 = arith.constant 20 : i32
    %scan3A_36 = arith.addi %scan3A_34, %scan3A_35 : i32
    %scan3A_37 = arith.constant 1 : i32
    scf.for %scan3A_64 = %scan3A_34 to %scan3A_36 step %scan3A_37  : i32 {
      %mul3A_65 = arith.constant 4 : i32
      %mul3A_66 = arith.muli %scan3A_64, %mul3A_65 : i32
      %add3A_67 = arith.constant 0 : i32
      %add3A_68 = arith.addi %mul3A_66, %add3A_67 : i32
      %dma_start3A_69 = arith.constant 0 : i32
      %dma_start3A_70 = arith.constant 0 : i32
      %dma_start3A_71 = arith.constant 0 : i32
      %dma_start3A_72 = tpu.memref_slice %arg6[%dma_start3A_69, %dma_start3A_70, %dma_start3A_71] : memref<2x128x128xf32, #tpu.memory_space<vmem>> -> memref<1x128x128xf32, #tpu.memory_space<vmem>>
      %dma_start3A_73 = tpu.memref_squeeze %dma_start3A_72 : memref<1x128x128xf32, #tpu.memory_space<vmem>> -> memref<128x128xf32, #tpu.memory_space<vmem>>
      %dma_start3A_74 = arith.constant 0 : i32
      %dma_start3A_75 = tpu.memref_slice %arg5[%add3A_68, %dma_start3A_74] : memref<80x128xi32, #tpu.memory_space<vmem>> -> memref<1x128xi32, #tpu.memory_space<vmem>>
      %dma_start3A_76 = tpu.memref_squeeze %dma_start3A_75 : memref<1x128xi32, #tpu.memory_space<vmem>> -> memref<128xi32, #tpu.memory_space<vmem>>
      %dma_start3A_77 = arith.constant 0 : i32
      %dma_start3A_78 = arith.constant 0 : i32
      %dma_start3A_79 = tpu.memref_slice %arg2[%dma_start3A_77, %dma_start3A_78] : memref<10000x128xf32, #tpu.memory_space<hbm>> -> memref<10000x128xf32, #tpu.memory_space<hbm>>
      tpu.enqueue_indirect_dma source(%dma_start3A_79 : memref<10000x128xf32, #tpu.memory_space<hbm>>) target(%dma_start3A_73 : memref<128x128xf32, #tpu.memory_space<vmem>>) offsets(%dma_start3A_76 : memref<128xi32, #tpu.memory_space<vmem>>) semaphore(%arg9 : memref<!tpu.dma_semaphore, #tpu.memory_space<semaphore_mem>>)
      %add3A_80 = arith.constant 2 : i32
      %add3A_81 = arith.addi %mul3A_66, %add3A_80 : i32
      %dma_start3A_82 = arith.constant 1 : i32
      %dma_start3A_83 = arith.constant 0 : i32
      %dma_start3A_84 = arith.constant 0 : i32
      %dma_start3A_85 = tpu.memref_slice %arg6[%dma_start3A_82, %dma_start3A_83, %dma_start3A_84] : memref<2x128x128xf32, #tpu.memory_space<vmem>> -> memref<1x128x128xf32, #tpu.memory_space<vmem>>
      %dma_start3A_86 = tpu.memref_squeeze %dma_start3A_85 : memref<1x128x128xf32, #tpu.memory_space<vmem>> -> memref<128x128xf32, #tpu.memory_space<vmem>>
      %dma_start3A_87 = arith.constant 0 : i32
      %dma_start3A_88 = tpu.memref_slice %arg5[%add3A_81, %dma_start3A_87] : memref<80x128xi32, #tpu.memory_space<vmem>> -> memref<1x128xi32, #tpu.memory_space<vmem>>
      %dma_start3A_89 = tpu.memref_squeeze %dma_start3A_88 : memref<1x128xi32, #tpu.memory_space<vmem>> -> memref<128xi32, #tpu.memory_space<vmem>>
      %dma_start3A_90 = arith.constant 0 : i32
      %dma_start3A_91 = arith.constant 0 : i32
      %dma_start3A_92 = tpu.memref_slice %arg2[%dma_start3A_90, %dma_start3A_91] : memref<10000x128xf32, #tpu.memory_space<hbm>> -> memref<10000x128xf32, #tpu.memory_space<hbm>>
      tpu.enqueue_indirect_dma source(%dma_start3A_92 : memref<10000x128xf32, #tpu.memory_space<hbm>>) target(%dma_start3A_86 : memref<128x128xf32, #tpu.memory_space<vmem>>) offsets(%dma_start3A_89 : memref<128xi32, #tpu.memory_space<vmem>>) semaphore(%arg9 : memref<!tpu.dma_semaphore, #tpu.memory_space<semaphore_mem>>)
      %dma_wait3A_93 = arith.constant 0 : i32
      %dma_wait3A_94 = arith.constant 0 : i32
      %dma_wait3A_95 = arith.constant 0 : i32
      %dma_wait3A_96 = tpu.memref_slice %arg6[%dma_wait3A_93, %dma_wait3A_94, %dma_wait3A_95] : memref<2x128x128xf32, #tpu.memory_space<vmem>> -> memref<1x128x128xf32, #tpu.memory_space<vmem>>
      %dma_wait3A_97 = tpu.memref_squeeze %dma_wait3A_96 : memref<1x128x128xf32, #tpu.memory_space<vmem>> -> memref<128x128xf32, #tpu.memory_space<vmem>>
      %dma_wait3A_98 = arith.constant 0 : i32
      %dma_wait3A_99 = tpu.memref_slice %arg5[%add3A_68, %dma_wait3A_98] : memref<80x128xi32, #tpu.memory_space<vmem>> -> memref<1x128xi32, #tpu.memory_space<vmem>>
      %dma_wait3A_100 = tpu.memref_squeeze %dma_wait3A_99 : memref<1x128xi32, #tpu.memory_space<vmem>> -> memref<128xi32, #tpu.memory_space<vmem>>
      %dma_wait3A_101 = arith.constant 0 : i32
      %dma_wait3A_102 = arith.constant 0 : i32
      %dma_wait3A_103 = tpu.memref_slice %arg2[%dma_wait3A_101, %dma_wait3A_102] : memref<10000x128xf32, #tpu.memory_space<hbm>> -> memref<10000x128xf32, #tpu.memory_space<hbm>>
      tpu.wait_indirect_dma semaphore(%arg9 : memref<!tpu.dma_semaphore, #tpu.memory_space<semaphore_mem>>) src(%dma_wait3A_103 : memref<10000x128xf32, #tpu.memory_space<hbm>>) dst(%dma_wait3A_97 : memref<128x128xf32, #tpu.memory_space<vmem>>)
      %add3A_104 = arith.constant 0 : i32
      %add3A_105 = arith.addi %mul3A_66, %add3A_104 : i32
      %add3A_106 = arith.constant 1 : i32
      %add3A_107 = arith.addi %add3A_105, %add3A_106 : i32
      %dma_start3A_108 = arith.constant 0 : i32
      %dma_start3A_109 = arith.constant 0 : i32
      %dma_start3A_110 = arith.constant 0 : i32
      %dma_start3A_111 = tpu.memref_slice %arg6[%dma_start3A_108, %dma_start3A_109, %dma_start3A_110] : memref<2x128x128xf32, #tpu.memory_space<vmem>> -> memref<1x128x128xf32, #tpu.memory_space<vmem>>
      %dma_start3A_112 = tpu.memref_squeeze %dma_start3A_111 : memref<1x128x128xf32, #tpu.memory_space<vmem>> -> memref<128x128xf32, #tpu.memory_space<vmem>>
      %dma_start3A_113 = arith.constant 0 : i32
      %dma_start3A_114 = tpu.memref_slice %arg5[%add3A_107, %dma_start3A_113] : memref<80x128xi32, #tpu.memory_space<vmem>> -> memref<1x128xi32, #tpu.memory_space<vmem>>
      %dma_start3A_115 = tpu.memref_squeeze %dma_start3A_114 : memref<1x128xi32, #tpu.memory_space<vmem>> -> memref<128xi32, #tpu.memory_space<vmem>>
      %dma_start3A_116 = arith.constant 0 : i32
      %dma_start3A_117 = arith.constant 0 : i32
      %dma_start3A_118 = tpu.memref_slice %arg7[%dma_start3A_116, %dma_start3A_117] : memref<10240x128xf32, #tpu.memory_space<vmem_shared>> -> memref<10240x128xf32, #tpu.memory_space<vmem_shared>>
      tpu.enqueue_indirect_dma source(%dma_start3A_112 : memref<128x128xf32, #tpu.memory_space<vmem>>) target(%dma_start3A_118 : memref<10240x128xf32, #tpu.memory_space<vmem_shared>>) offsets(%dma_start3A_115 : memref<128xi32, #tpu.memory_space<vmem>>) semaphore(%arg10 : memref<!tpu.dma_semaphore, #tpu.memory_space<semaphore_mem>>) {add = true}
      %dma_wait3A_119 = arith.constant 1 : i32
      %dma_wait3A_120 = arith.constant 0 : i32
      %dma_wait3A_121 = arith.constant 0 : i32
      %dma_wait3A_122 = tpu.memref_slice %arg6[%dma_wait3A_119, %dma_wait3A_120, %dma_wait3A_121] : memref<2x128x128xf32, #tpu.memory_space<vmem>> -> memref<1x128x128xf32, #tpu.memory_space<vmem>>
      %dma_wait3A_123 = tpu.memref_squeeze %dma_wait3A_122 : memref<1x128x128xf32, #tpu.memory_space<vmem>> -> memref<128x128xf32, #tpu.memory_space<vmem>>
      %dma_wait3A_124 = arith.constant 0 : i32
      %dma_wait3A_125 = tpu.memref_slice %arg5[%add3A_81, %dma_wait3A_124] : memref<80x128xi32, #tpu.memory_space<vmem>> -> memref<1x128xi32, #tpu.memory_space<vmem>>
      %dma_wait3A_126 = tpu.memref_squeeze %dma_wait3A_125 : memref<1x128xi32, #tpu.memory_space<vmem>> -> memref<128xi32, #tpu.memory_space<vmem>>
      %dma_wait3A_127 = arith.constant 0 : i32
      %dma_wait3A_128 = arith.constant 0 : i32
      %dma_wait3A_129 = tpu.memref_slice %arg2[%dma_wait3A_127, %dma_wait3A_128] : memref<10000x128xf32, #tpu.memory_space<hbm>> -> memref<10000x128xf32, #tpu.memory_space<hbm>>
      tpu.wait_indirect_dma semaphore(%arg9 : memref<!tpu.dma_semaphore, #tpu.memory_space<semaphore_mem>>) src(%dma_wait3A_129 : memref<10000x128xf32, #tpu.memory_space<hbm>>) dst(%dma_wait3A_123 : memref<128x128xf32, #tpu.memory_space<vmem>>)
      %add3A_130 = arith.constant 2 : i32
      %add3A_131 = arith.addi %mul3A_66, %add3A_130 : i32
      %add3A_132 = arith.constant 1 : i32
      %add3A_133 = arith.addi %add3A_131, %add3A_132 : i32
      %dma_start3A_134 = arith.constant 1 : i32
      %dma_start3A_135 = arith.constant 0 : i32
      %dma_start3A_136 = arith.constant 0 : i32
      %dma_start3A_137 = tpu.memref_slice %arg6[%dma_start3A_134, %dma_start3A_135, %dma_start3A_136] : memref<2x128x128xf32, #tpu.memory_space<vmem>> -> memref<1x128x128xf32, #tpu.memory_space<vmem>>
      %dma_start3A_138 = tpu.memref_squeeze %dma_start3A_137 : memref<1x128x128xf32, #tpu.memory_space<vmem>> -> memref<128x128xf32, #tpu.memory_space<vmem>>
      %dma_start3A_139 = arith.constant 0 : i32
      %dma_start3A_140 = tpu.memref_slice %arg5[%add3A_133, %dma_start3A_139] : memref<80x128xi32, #tpu.memory_space<vmem>> -> memref<1x128xi32, #tpu.memory_space<vmem>>
      %dma_start3A_141 = tpu.memref_squeeze %dma_start3A_140 : memref<1x128xi32, #tpu.memory_space<vmem>> -> memref<128xi32, #tpu.memory_space<vmem>>
      %dma_start3A_142 = arith.constant 0 : i32
      %dma_start3A_143 = arith.constant 0 : i32
      %dma_start3A_144 = tpu.memref_slice %arg7[%dma_start3A_142, %dma_start3A_143] : memref<10240x128xf32, #tpu.memory_space<vmem_shared>> -> memref<10240x128xf32, #tpu.memory_space<vmem_shared>>
      tpu.enqueue_indirect_dma source(%dma_start3A_138 : memref<128x128xf32, #tpu.memory_space<vmem>>) target(%dma_start3A_144 : memref<10240x128xf32, #tpu.memory_space<vmem_shared>>) offsets(%dma_start3A_141 : memref<128xi32, #tpu.memory_space<vmem>>) semaphore(%arg10 : memref<!tpu.dma_semaphore, #tpu.memory_space<semaphore_mem>>) {add = true}
      %dma_wait3A_145 = arith.constant 0 : i32
      %dma_wait3A_146 = arith.constant 0 : i32
      %dma_wait3A_147 = arith.constant 0 : i32
      %dma_wait3A_148 = tpu.memref_slice %arg6[%dma_wait3A_145, %dma_wait3A_146, %dma_wait3A_147] : memref<2x128x128xf32, #tpu.memory_space<vmem>> -> memref<1x128x128xf32, #tpu.memory_space<vmem>>
      %dma_wait3A_149 = tpu.memref_squeeze %dma_wait3A_148 : memref<1x128x128xf32, #tpu.memory_space<vmem>> -> memref<128x128xf32, #tpu.memory_space<vmem>>
      %dma_wait3A_150 = arith.constant 0 : i32
      %dma_wait3A_151 = tpu.memref_slice %arg5[%add3A_107, %dma_wait3A_150] : memref<80x128xi32, #tpu.memory_space<vmem>> -> memref<1x128xi32, #tpu.memory_space<vmem>>
      %dma_wait3A_152 = tpu.memref_squeeze %dma_wait3A_151 : memref<1x128xi32, #tpu.memory_space<vmem>> -> memref<128xi32, #tpu.memory_space<vmem>>
      %dma_wait3A_153 = arith.constant 0 : i32
      %dma_wait3A_154 = arith.constant 0 : i32
      %dma_wait3A_155 = tpu.memref_slice %arg7[%dma_wait3A_153, %dma_wait3A_154] : memref<10240x128xf32, #tpu.memory_space<vmem_shared>> -> memref<10240x128xf32, #tpu.memory_space<vmem_shared>>
      tpu.wait_indirect_dma semaphore(%arg10 : memref<!tpu.dma_semaphore, #tpu.memory_space<semaphore_mem>>) src(%dma_wait3A_149 : memref<128x128xf32, #tpu.memory_space<vmem>>) dst(%dma_wait3A_155 : memref<10240x128xf32, #tpu.memory_space<vmem_shared>>)
      %dma_wait3A_156 = arith.constant 1 : i32
      %dma_wait3A_157 = arith.constant 0 : i32
      %dma_wait3A_158 = arith.constant 0 : i32
      %dma_wait3A_159 = tpu.memref_slice %arg6[%dma_wait3A_156, %dma_wait3A_157, %dma_wait3A_158] : memref<2x128x128xf32, #tpu.memory_space<vmem>> -> memref<1x128x128xf32, #tpu.memory_space<vmem>>
      %dma_wait3A_160 = tpu.memref_squeeze %dma_wait3A_159 : memref<1x128x128xf32, #tpu.memory_space<vmem>> -> memref<128x128xf32, #tpu.memory_space<vmem>>
      %dma_wait3A_161 = arith.constant 0 : i32
      %dma_wait3A_162 = tpu.memref_slice %arg5[%add3A_133, %dma_wait3A_161] : memref<80x128xi32, #tpu.memory_space<vmem>> -> memref<1x128xi32, #tpu.memory_space<vmem>>
      %dma_wait3A_163 = tpu.memref_squeeze %dma_wait3A_162 : memref<1x128xi32, #tpu.memory_space<vmem>> -> memref<128xi32, #tpu.memory_space<vmem>>
      %dma_wait3A_164 = arith.constant 0 : i32
      %dma_wait3A_165 = arith.constant 0 : i32
      %dma_wait3A_166 = tpu.memref_slice %arg7[%dma_wait3A_164, %dma_wait3A_165] : memref<10240x128xf32, #tpu.memory_space<vmem_shared>> -> memref<10240x128xf32, #tpu.memory_space<vmem_shared>>
      tpu.wait_indirect_dma semaphore(%arg10 : memref<!tpu.dma_semaphore, #tpu.memory_space<semaphore_mem>>) src(%dma_wait3A_160 : memref<128x128xf32, #tpu.memory_space<vmem>>) dst(%dma_wait3A_166 : memref<10240x128xf32, #tpu.memory_space<vmem_shared>>)
    }
    %scan3A_38 = arith.constant 20 : i32
    %mul3A_39 = arith.constant 160 : i32
    %mul3A_40 = arith.muli %add3A, %mul3A_39 : i32
    %add3A_41 = arith.constant 80 : i32
    %add3A_42 = arith.addi %mul3A_40, %add3A_41 : i32
    %dma_start3A_43 = arith.constant 0 : i32
    %dma_start3A_44 = tpu.memref_slice %arg3[%add3A_42, %dma_start3A_43] : memref<5120x128xi32, #tpu.memory_space<hbm>> -> memref<80x128xi32, #tpu.memory_space<hbm>>
    %dma_start3A_45 = arith.constant 0 : i32
    %dma_start3A_46 = tpu.memref_slice %arg3[%add3A_42, %dma_start3A_45] : memref<5120x128xi32, #tpu.memory_space<hbm>> -> memref<80x128xi32, #tpu.memory_space<hbm>>
    tpu.enqueue_dma source(%dma_start3A_46 : memref<80x128xi32, #tpu.memory_space<hbm>>) target(%arg5 : memref<80x128xi32, #tpu.memory_space<vmem>>) target_semaphore(%arg8 : memref<!tpu.dma_semaphore, #tpu.memory_space<semaphore_mem>>)
    %dma_wait3A_47 = arith.constant 0 : i32
    %dma_wait3A_48 = tpu.memref_slice %arg3[%add3A_42, %dma_wait3A_47] : memref<5120x128xi32, #tpu.memory_space<hbm>> -> memref<80x128xi32, #tpu.memory_space<hbm>>
    %dma_wait3A_49 = arith.constant 0 : i32
    %dma_wait3A_50 = tpu.memref_slice %arg3[%add3A_42, %dma_wait3A_49] : memref<5120x128xi32, #tpu.memory_space<hbm>> -> memref<80x128xi32, #tpu.memory_space<hbm>>
    tpu.wait_dma2 semaphore(%arg8 : memref<!tpu.dma_semaphore, #tpu.memory_space<semaphore_mem>>) src(%dma_wait3A_50 : memref<80x128xi32, #tpu.memory_space<hbm>>) dst(%arg5 : memref<80x128xi32, #tpu.memory_space<vmem>>)
    %scan3A_51 = arith.constant 0 : i32
    %scan3A_52 = arith.constant 0 : i32
    %scan3A_53 = arith.constant 20 : i32
    %scan3A_54 = arith.addi %scan3A_52, %scan3A_53 : i32
    %scan3A_55 = arith.constant 1 : i32
    scf.for %scan3A_64 = %scan3A_52 to %scan3A_54 step %scan3A_55  : i32 {
      %mul3A_65 = arith.constant 4 : i32
      %mul3A_66 = arith.muli %scan3A_64, %mul3A_65 : i32
      %add3A_67 = arith.constant 0 : i32
      %add3A_68 = arith.addi %mul3A_66, %add3A_67 : i32
      %dma_start3A_69 = arith.constant 0 : i32
      %dma_start3A_70 = arith.constant 0 : i32
      %dma_start3A_71 = arith.constant 0 : i32
      %dma_start3A_72 = tpu.memref_slice %arg6[%dma_start3A_69, %dma_start3A_70, %dma_start3A_71] : memref<2x128x128xf32, #tpu.memory_space<vmem>> -> memref<1x128x128xf32, #tpu.memory_space<vmem>>
      %dma_start3A_73 = tpu.memref_squeeze %dma_start3A_72 : memref<1x128x128xf32, #tpu.memory_space<vmem>> -> memref<128x128xf32, #tpu.memory_space<vmem>>
      %dma_start3A_74 = arith.constant 0 : i32
      %dma_start3A_75 = tpu.memref_slice %arg5[%add3A_68, %dma_start3A_74] : memref<80x128xi32, #tpu.memory_space<vmem>> -> memref<1x128xi32, #tpu.memory_space<vmem>>
      %dma_start3A_76 = tpu.memref_squeeze %dma_start3A_75 : memref<1x128xi32, #tpu.memory_space<vmem>> -> memref<128xi32, #tpu.memory_space<vmem>>
      %dma_start3A_77 = arith.constant 0 : i32
      %dma_start3A_78 = arith.constant 0 : i32
      %dma_start3A_79 = tpu.memref_slice %arg2[%dma_start3A_77, %dma_start3A_78] : memref<10000x128xf32, #tpu.memory_space<hbm>> -> memref<10000x128xf32, #tpu.memory_space<hbm>>
      tpu.enqueue_indirect_dma source(%dma_start3A_79 : memref<10000x128xf32, #tpu.memory_space<hbm>>) target(%dma_start3A_73 : memref<128x128xf32, #tpu.memory_space<vmem>>) offsets(%dma_start3A_76 : memref<128xi32, #tpu.memory_space<vmem>>) semaphore(%arg9 : memref<!tpu.dma_semaphore, #tpu.memory_space<semaphore_mem>>)
      %add3A_80 = arith.constant 2 : i32
      %add3A_81 = arith.addi %mul3A_66, %add3A_80 : i32
      %dma_start3A_82 = arith.constant 1 : i32
      %dma_start3A_83 = arith.constant 0 : i32
      %dma_start3A_84 = arith.constant 0 : i32
      %dma_start3A_85 = tpu.memref_slice %arg6[%dma_start3A_82, %dma_start3A_83, %dma_start3A_84] : memref<2x128x128xf32, #tpu.memory_space<vmem>> -> memref<1x128x128xf32, #tpu.memory_space<vmem>>
      %dma_start3A_86 = tpu.memref_squeeze %dma_start3A_85 : memref<1x128x128xf32, #tpu.memory_space<vmem>> -> memref<128x128xf32, #tpu.memory_space<vmem>>
      %dma_start3A_87 = arith.constant 0 : i32
      %dma_start3A_88 = tpu.memref_slice %arg5[%add3A_81, %dma_start3A_87] : memref<80x128xi32, #tpu.memory_space<vmem>> -> memref<1x128xi32, #tpu.memory_space<vmem>>
      %dma_start3A_89 = tpu.memref_squeeze %dma_start3A_88 : memref<1x128xi32, #tpu.memory_space<vmem>> -> memref<128xi32, #tpu.memory_space<vmem>>
      %dma_start3A_90 = arith.constant 0 : i32
      %dma_start3A_91 = arith.constant 0 : i32
      %dma_start3A_92 = tpu.memref_slice %arg2[%dma_start3A_90, %dma_start3A_91] : memref<10000x128xf32, #tpu.memory_space<hbm>> -> memref<10000x128xf32, #tpu.memory_space<hbm>>
      tpu.enqueue_indirect_dma source(%dma_start3A_92 : memref<10000x128xf32, #tpu.memory_space<hbm>>) target(%dma_start3A_86 : memref<128x128xf32, #tpu.memory_space<vmem>>) offsets(%dma_start3A_89 : memref<128xi32, #tpu.memory_space<vmem>>) semaphore(%arg9 : memref<!tpu.dma_semaphore, #tpu.memory_space<semaphore_mem>>)
      %dma_wait3A_93 = arith.constant 0 : i32
      %dma_wait3A_94 = arith.constant 0 : i32
      %dma_wait3A_95 = arith.constant 0 : i32
      %dma_wait3A_96 = tpu.memref_slice %arg6[%dma_wait3A_93, %dma_wait3A_94, %dma_wait3A_95] : memref<2x128x128xf32, #tpu.memory_space<vmem>> -> memref<1x128x128xf32, #tpu.memory_space<vmem>>
      %dma_wait3A_97 = tpu.memref_squeeze %dma_wait3A_96 : memref<1x128x128xf32, #tpu.memory_space<vmem>> -> memref<128x128xf32, #tpu.memory_space<vmem>>
      %dma_wait3A_98 = arith.constant 0 : i32
      %dma_wait3A_99 = tpu.memref_slice %arg5[%add3A_68, %dma_wait3A_98] : memref<80x128xi32, #tpu.memory_space<vmem>> -> memref<1x128xi32, #tpu.memory_space<vmem>>
      %dma_wait3A_100 = tpu.memref_squeeze %dma_wait3A_99 : memref<1x128xi32, #tpu.memory_space<vmem>> -> memref<128xi32, #tpu.memory_space<vmem>>
      %dma_wait3A_101 = arith.constant 0 : i32
      %dma_wait3A_102 = arith.constant 0 : i32
      %dma_wait3A_103 = tpu.memref_slice %arg2[%dma_wait3A_101, %dma_wait3A_102] : memref<10000x128xf32, #tpu.memory_space<hbm>> -> memref<10000x128xf32, #tpu.memory_space<hbm>>
      tpu.wait_indirect_dma semaphore(%arg9 : memref<!tpu.dma_semaphore, #tpu.memory_space<semaphore_mem>>) src(%dma_wait3A_103 : memref<10000x128xf32, #tpu.memory_space<hbm>>) dst(%dma_wait3A_97 : memref<128x128xf32, #tpu.memory_space<vmem>>)
      %add3A_104 = arith.constant 0 : i32
      %add3A_105 = arith.addi %mul3A_66, %add3A_104 : i32
      %add3A_106 = arith.constant 1 : i32
      %add3A_107 = arith.addi %add3A_105, %add3A_106 : i32
      %dma_start3A_108 = arith.constant 0 : i32
      %dma_start3A_109 = arith.constant 0 : i32
      %dma_start3A_110 = arith.constant 0 : i32
      %dma_start3A_111 = tpu.memref_slice %arg6[%dma_start3A_108, %dma_start3A_109, %dma_start3A_110] : memref<2x128x128xf32, #tpu.memory_space<vmem>> -> memref<1x128x128xf32, #tpu.memory_space<vmem>>
      %dma_start3A_112 = tpu.memref_squeeze %dma_start3A_111 : memref<1x128x128xf32, #tpu.memory_space<vmem>> -> memref<128x128xf32, #tpu.memory_space<vmem>>
      %dma_start3A_113 = arith.constant 0 : i32
      %dma_start3A_114 = tpu.memref_slice %arg5[%add3A_107, %dma_start3A_113] : memref<80x128xi32, #tpu.memory_space<vmem>> -> memref<1x128xi32, #tpu.memory_space<vmem>>
      %dma_start3A_115 = tpu.memref_squeeze %dma_start3A_114 : memref<1x128xi32, #tpu.memory_space<vmem>> -> memref<128xi32, #tpu.memory_space<vmem>>
      %dma_start3A_116 = arith.constant 0 : i32
      %dma_start3A_117 = arith.constant 0 : i32
      %dma_start3A_118 = tpu.memref_slice %arg7[%dma_start3A_116, %dma_start3A_117] : memref<10240x128xf32, #tpu.memory_space<vmem_shared>> -> memref<10240x128xf32, #tpu.memory_space<vmem_shared>>
      tpu.enqueue_indirect_dma source(%dma_start3A_112 : memref<128x128xf32, #tpu.memory_space<vmem>>) target(%dma_start3A_118 : memref<10240x128xf32, #tpu.memory_space<vmem_shared>>) offsets(%dma_start3A_115 : memref<128xi32, #tpu.memory_space<vmem>>) semaphore(%arg10 : memref<!tpu.dma_semaphore, #tpu.memory_space<semaphore_mem>>) {add = true}
      %dma_wait3A_119 = arith.constant 1 : i32
      %dma_wait3A_120 = arith.constant 0 : i32
      %dma_wait3A_121 = arith.constant 0 : i32
      %dma_wait3A_122 = tpu.memref_slice %arg6[%dma_wait3A_119, %dma_wait3A_120, %dma_wait3A_121] : memref<2x128x128xf32, #tpu.memory_space<vmem>> -> memref<1x128x128xf32, #tpu.memory_space<vmem>>
      %dma_wait3A_123 = tpu.memref_squeeze %dma_wait3A_122 : memref<1x128x128xf32, #tpu.memory_space<vmem>> -> memref<128x128xf32, #tpu.memory_space<vmem>>
      %dma_wait3A_124 = arith.constant 0 : i32
      %dma_wait3A_125 = tpu.memref_slice %arg5[%add3A_81, %dma_wait3A_124] : memref<80x128xi32, #tpu.memory_space<vmem>> -> memref<1x128xi32, #tpu.memory_space<vmem>>
      %dma_wait3A_126 = tpu.memref_squeeze %dma_wait3A_125 : memref<1x128xi32, #tpu.memory_space<vmem>> -> memref<128xi32, #tpu.memory_space<vmem>>
      %dma_wait3A_127 = arith.constant 0 : i32
      %dma_wait3A_128 = arith.constant 0 : i32
      %dma_wait3A_129 = tpu.memref_slice %arg2[%dma_wait3A_127, %dma_wait3A_128] : memref<10000x128xf32, #tpu.memory_space<hbm>> -> memref<10000x128xf32, #tpu.memory_space<hbm>>
      tpu.wait_indirect_dma semaphore(%arg9 : memref<!tpu.dma_semaphore, #tpu.memory_space<semaphore_mem>>) src(%dma_wait3A_129 : memref<10000x128xf32, #tpu.memory_space<hbm>>) dst(%dma_wait3A_123 : memref<128x128xf32, #tpu.memory_space<vmem>>)
      %add3A_130 = arith.constant 2 : i32
      %add3A_131 = arith.addi %mul3A_66, %add3A_130 : i32
      %add3A_132 = arith.constant 1 : i32
      %add3A_133 = arith.addi %add3A_131, %add3A_132 : i32
      %dma_start3A_134 = arith.constant 1 : i32
      %dma_start3A_135 = arith.constant 0 : i32
      %dma_start3A_136 = arith.constant 0 : i32
      %dma_start3A_137 = tpu.memref_slice %arg6[%dma_start3A_134, %dma_start3A_135, %dma_start3A_136] : memref<2x128x128xf32, #tpu.memory_space<vmem>> -> memref<1x128x128xf32, #tpu.memory_space<vmem>>
      %dma_start3A_138 = tpu.memref_squeeze %dma_start3A_137 : memref<1x128x128xf32, #tpu.memory_space<vmem>> -> memref<128x128xf32, #tpu.memory_space<vmem>>
      %dma_start3A_139 = arith.constant 0 : i32
      %dma_start3A_140 = tpu.memref_slice %arg5[%add3A_133, %dma_start3A_139] : memref<80x128xi32, #tpu.memory_space<vmem>> -> memref<1x128xi32, #tpu.memory_space<vmem>>
      %dma_start3A_141 = tpu.memref_squeeze %dma_start3A_140 : memref<1x128xi32, #tpu.memory_space<vmem>> -> memref<128xi32, #tpu.memory_space<vmem>>
      %dma_start3A_142 = arith.constant 0 : i32
      %dma_start3A_143 = arith.constant 0 : i32
      %dma_start3A_144 = tpu.memref_slice %arg7[%dma_start3A_142, %dma_start3A_143] : memref<10240x128xf32, #tpu.memory_space<vmem_shared>> -> memref<10240x128xf32, #tpu.memory_space<vmem_shared>>
      tpu.enqueue_indirect_dma source(%dma_start3A_138 : memref<128x128xf32, #tpu.memory_space<vmem>>) target(%dma_start3A_144 : memref<10240x128xf32, #tpu.memory_space<vmem_shared>>) offsets(%dma_start3A_141 : memref<128xi32, #tpu.memory_space<vmem>>) semaphore(%arg10 : memref<!tpu.dma_semaphore, #tpu.memory_space<semaphore_mem>>) {add = true}
      %dma_wait3A_145 = arith.constant 0 : i32
      %dma_wait3A_146 = arith.constant 0 : i32
      %dma_wait3A_147 = arith.constant 0 : i32
      %dma_wait3A_148 = tpu.memref_slice %arg6[%dma_wait3A_145, %dma_wait3A_146, %dma_wait3A_147] : memref<2x128x128xf32, #tpu.memory_space<vmem>> -> memref<1x128x128xf32, #tpu.memory_space<vmem>>
      %dma_wait3A_149 = tpu.memref_squeeze %dma_wait3A_148 : memref<1x128x128xf32, #tpu.memory_space<vmem>> -> memref<128x128xf32, #tpu.memory_space<vmem>>
      %dma_wait3A_150 = arith.constant 0 : i32
      %dma_wait3A_151 = tpu.memref_slice %arg5[%add3A_107, %dma_wait3A_150] : memref<80x128xi32, #tpu.memory_space<vmem>> -> memref<1x128xi32, #tpu.memory_space<vmem>>
      %dma_wait3A_152 = tpu.memref_squeeze %dma_wait3A_151 : memref<1x128xi32, #tpu.memory_space<vmem>> -> memref<128xi32, #tpu.memory_space<vmem>>
      %dma_wait3A_153 = arith.constant 0 : i32
      %dma_wait3A_154 = arith.constant 0 : i32
      %dma_wait3A_155 = tpu.memref_slice %arg7[%dma_wait3A_153, %dma_wait3A_154] : memref<10240x128xf32, #tpu.memory_space<vmem_shared>> -> memref<10240x128xf32, #tpu.memory_space<vmem_shared>>
      tpu.wait_indirect_dma semaphore(%arg10 : memref<!tpu.dma_semaphore, #tpu.memory_space<semaphore_mem>>) src(%dma_wait3A_149 : memref<128x128xf32, #tpu.memory_space<vmem>>) dst(%dma_wait3A_155 : memref<10240x128xf32, #tpu.memory_space<vmem_shared>>)
      %dma_wait3A_156 = arith.constant 1 : i32
      %dma_wait3A_157 = arith.constant 0 : i32
      %dma_wait3A_158 = arith.constant 0 : i32
      %dma_wait3A_159 = tpu.memref_slice %arg6[%dma_wait3A_156, %dma_wait3A_157, %dma_wait3A_158] : memref<2x128x128xf32, #tpu.memory_space<vmem>> -> memref<1x128x128xf32, #tpu.memory_space<vmem>>
      %dma_wait3A_160 = tpu.memref_squeeze %dma_wait3A_159 : memref<1x128x128xf32, #tpu.memory_space<vmem>> -> memref<128x128xf32, #tpu.memory_space<vmem>>
      %dma_wait3A_161 = arith.constant 0 : i32
      %dma_wait3A_162 = tpu.memref_slice %arg5[%add3A_133, %dma_wait3A_161] : memref<80x128xi32, #tpu.memory_space<vmem>> -> memref<1x128xi32, #tpu.memory_space<vmem>>
      %dma_wait3A_163 = tpu.memref_squeeze %dma_wait3A_162 : memref<1x128xi32, #tpu.memory_space<vmem>> -> memref<128xi32, #tpu.memory_space<vmem>>
      %dma_wait3A_164 = arith.constant 0 : i32
      %dma_wait3A_165 = arith.constant 0 : i32
      %dma_wait3A_166 = tpu.memref_slice %arg7[%dma_wait3A_164, %dma_wait3A_165] : memref<10240x128xf32, #tpu.memory_space<vmem_shared>> -> memref<10240x128xf32, #tpu.memory_space<vmem_shared>>
      tpu.wait_indirect_dma semaphore(%arg10 : memref<!tpu.dma_semaphore, #tpu.memory_space<semaphore_mem>>) src(%dma_wait3A_160 : memref<128x128xf32, #tpu.memory_space<vmem>>) dst(%dma_wait3A_166 : memref<10240x128xf32, #tpu.memory_space<vmem_shared>>)
    }
    %scan3A_56 = arith.constant 20 : i32
    %barrier3A_57 = arith.constant 0 : index
    tpu.barrier barrier_id(%barrier3A_57)
    %scan3A_58 = arith.constant 0 : i32
    %scan3A_59 = arith.constant 0 : i32
    %scan3A_60 = arith.constant 5 : i32
    %scan3A_61 = arith.addi %scan3A_59, %scan3A_60 : i32
    %scan3A_62 = arith.constant 1 : i32
    scf.for %scan3A_64 = %scan3A_59 to %scan3A_61 step %scan3A_62  : i32 {
      %mul3A_65 = arith.constant 128 : i32
      %mul3A_66 = arith.muli %scan3A_64, %mul3A_65 : i32
      %add3A_67 = arith.addi %mul3A_8, %mul3A_66 : i32
      %run_scoped3A_68 = arith.constant 0 : i32
      "tpu.region"() ({
        %run_scoped3A_73 = tpu.sem_alloc : memref<!tpu.dma_semaphore, #tpu.memory_space<semaphore_mem>>
        %dma_start3A_74 = arith.constant 0 : i32
        %dma_start3A_75 = arith.constant 0 : i32
        %dma_start3A_76 = tpu.memref_slice %arg6[%run_scoped3A_68, %dma_start3A_74, %dma_start3A_75] : memref<2x128x128xf32, #tpu.memory_space<vmem>> -> memref<1x128x128xf32, #tpu.memory_space<vmem>>
        %dma_start3A_77 = tpu.memref_squeeze %dma_start3A_76 : memref<1x128x128xf32, #tpu.memory_space<vmem>> -> memref<128x128xf32, #tpu.memory_space<vmem>>
        %dma_start3A_78 = arith.constant 0 : i32
        %dma_start3A_79 = tpu.memref_slice %arg7[%add3A_67, %dma_start3A_78] : memref<10240x128xf32, #tpu.memory_space<vmem_shared>> -> memref<128x128xf32, #tpu.memory_space<vmem_shared>>
        %dma_start3A_80 = arith.constant 0 : i32
        %dma_start3A_81 = arith.constant 0 : i32
        %dma_start3A_82 = tpu.memref_slice %arg6[%run_scoped3A_68, %dma_start3A_80, %dma_start3A_81] : memref<2x128x128xf32, #tpu.memory_space<vmem>> -> memref<1x128x128xf32, #tpu.memory_space<vmem>>
        %dma_start3A_83 = tpu.memref_squeeze %dma_start3A_82 : memref<1x128x128xf32, #tpu.memory_space<vmem>> -> memref<128x128xf32, #tpu.memory_space<vmem>>
        %dma_start3A_84 = arith.constant 0 : i32
        %dma_start3A_85 = tpu.memref_slice %arg7[%add3A_67, %dma_start3A_84] : memref<10240x128xf32, #tpu.memory_space<vmem_shared>> -> memref<128x128xf32, #tpu.memory_space<vmem_shared>>
        tpu.enqueue_dma source(%dma_start3A_85 : memref<128x128xf32, #tpu.memory_space<vmem_shared>>) target(%dma_start3A_83 : memref<128x128xf32, #tpu.memory_space<vmem>>) target_semaphore(%run_scoped3A_73 : memref<!tpu.dma_semaphore, #tpu.memory_space<semaphore_mem>>)
        %dma_wait3A_86 = arith.constant 0 : i32
        %dma_wait3A_87 = arith.constant 0 : i32
        %dma_wait3A_88 = tpu.memref_slice %arg6[%run_scoped3A_68, %dma_wait3A_86, %dma_wait3A_87] : memref<2x128x128xf32, #tpu.memory_space<vmem>> -> memref<1x128x128xf32, #tpu.memory_space<vmem>>
        %dma_wait3A_89 = tpu.memref_squeeze %dma_wait3A_88 : memref<1x128x128xf32, #tpu.memory_space<vmem>> -> memref<128x128xf32, #tpu.memory_space<vmem>>
        %dma_wait3A_90 = arith.constant 0 : i32
        %dma_wait3A_91 = tpu.memref_slice %arg7[%add3A_67, %dma_wait3A_90] : memref<10240x128xf32, #tpu.memory_space<vmem_shared>> -> memref<128x128xf32, #tpu.memory_space<vmem_shared>>
        %dma_wait3A_92 = arith.constant 0 : i32
        %dma_wait3A_93 = arith.constant 0 : i32
        %dma_wait3A_94 = tpu.memref_slice %arg6[%run_scoped3A_68, %dma_wait3A_92, %dma_wait3A_93] : memref<2x128x128xf32, #tpu.memory_space<vmem>> -> memref<1x128x128xf32, #tpu.memory_space<vmem>>
        %dma_wait3A_95 = tpu.memref_squeeze %dma_wait3A_94 : memref<1x128x128xf32, #tpu.memory_space<vmem>> -> memref<128x128xf32, #tpu.memory_space<vmem>>
        %dma_wait3A_96 = arith.constant 0 : i32
        %dma_wait3A_97 = tpu.memref_slice %arg7[%add3A_67, %dma_wait3A_96] : memref<10240x128xf32, #tpu.memory_space<vmem_shared>> -> memref<128x128xf32, #tpu.memory_space<vmem_shared>>
        tpu.wait_dma2 semaphore(%run_scoped3A_73 : memref<!tpu.dma_semaphore, #tpu.memory_space<semaphore_mem>>) src(%dma_wait3A_97 : memref<128x128xf32, #tpu.memory_space<vmem_shared>>) dst(%dma_wait3A_95 : memref<128x128xf32, #tpu.memory_space<vmem>>)
        tpu.yield
      }) : () -> ()
      %mul3A_69 = arith.constant 10240 : i32
      %mul3A_70 = arith.muli %arg0, %mul3A_69 : i32
      %add3A_71 = arith.addi %mul3A_70, %add3A_67 : i32
      %run_scoped3A_72 = arith.constant 0 : i32
      "tpu.region"() ({
        %run_scoped3A_73 = tpu.sem_alloc : memref<!tpu.dma_semaphore, #tpu.memory_space<semaphore_mem>>
        %dma_start3A_74 = arith.constant 0 : i32
        %dma_start3A_75 = arith.constant 0 : i32
        %dma_start3A_76 = tpu.memref_slice %arg6[%run_scoped3A_72, %dma_start3A_74, %dma_start3A_75] : memref<2x128x128xf32, #tpu.memory_space<vmem>> -> memref<1x128x128xf32, #tpu.memory_space<vmem>>
        %dma_start3A_77 = tpu.memref_squeeze %dma_start3A_76 : memref<1x128x128xf32, #tpu.memory_space<vmem>> -> memref<128x128xf32, #tpu.memory_space<vmem>>
        %dma_start3A_78 = arith.constant 0 : i32
        %dma_start3A_79 = tpu.memref_slice %arg4[%add3A_71, %dma_start3A_78] : memref<20480x128xf32, #tpu.memory_space<hbm>> -> memref<128x128xf32, #tpu.memory_space<hbm>>
        %dma_start3A_80 = arith.constant 0 : i32
        %dma_start3A_81 = tpu.memref_slice %arg4[%add3A_71, %dma_start3A_80] : memref<20480x128xf32, #tpu.memory_space<hbm>> -> memref<128x128xf32, #tpu.memory_space<hbm>>
        %dma_start3A_82 = arith.constant 0 : i32
        %dma_start3A_83 = arith.constant 0 : i32
        %dma_start3A_84 = tpu.memref_slice %arg6[%run_scoped3A_72, %dma_start3A_82, %dma_start3A_83] : memref<2x128x128xf32, #tpu.memory_space<vmem>> -> memref<1x128x128xf32, #tpu.memory_space<vmem>>
        %dma_start3A_85 = tpu.memref_squeeze %dma_start3A_84 : memref<1x128x128xf32, #tpu.memory_space<vmem>> -> memref<128x128xf32, #tpu.memory_space<vmem>>
        tpu.enqueue_dma source(%dma_start3A_85 : memref<128x128xf32, #tpu.memory_space<vmem>>) target(%dma_start3A_81 : memref<128x128xf32, #tpu.memory_space<hbm>>) target_semaphore(%run_scoped3A_73 : memref<!tpu.dma_semaphore, #tpu.memory_space<semaphore_mem>>)
        %dma_wait3A_86 = arith.constant 0 : i32
        %dma_wait3A_87 = arith.constant 0 : i32
        %dma_wait3A_88 = tpu.memref_slice %arg6[%run_scoped3A_72, %dma_wait3A_86, %dma_wait3A_87] : memref<2x128x128xf32, #tpu.memory_space<vmem>> -> memref<1x128x128xf32, #tpu.memory_space<vmem>>
        %dma_wait3A_89 = tpu.memref_squeeze %dma_wait3A_88 : memref<1x128x128xf32, #tpu.memory_space<vmem>> -> memref<128x128xf32, #tpu.memory_space<vmem>>
        %dma_wait3A_90 = arith.constant 0 : i32
        %dma_wait3A_91 = tpu.memref_slice %arg4[%add3A_71, %dma_wait3A_90] : memref<20480x128xf32, #tpu.memory_space<hbm>> -> memref<128x128xf32, #tpu.memory_space<hbm>>
        %dma_wait3A_92 = arith.constant 0 : i32
        %dma_wait3A_93 = tpu.memref_slice %arg4[%add3A_71, %dma_wait3A_92] : memref<20480x128xf32, #tpu.memory_space<hbm>> -> memref<128x128xf32, #tpu.memory_space<hbm>>
        %dma_wait3A_94 = arith.constant 0 : i32
        %dma_wait3A_95 = arith.constant 0 : i32
        %dma_wait3A_96 = tpu.memref_slice %arg6[%run_scoped3A_72, %dma_wait3A_94, %dma_wait3A_95] : memref<2x128x128xf32, #tpu.memory_space<vmem>> -> memref<1x128x128xf32, #tpu.memory_space<vmem>>
        %dma_wait3A_97 = tpu.memref_squeeze %dma_wait3A_96 : memref<1x128x128xf32, #tpu.memory_space<vmem>> -> memref<128x128xf32, #tpu.memory_space<vmem>>
        tpu.wait_dma2 semaphore(%run_scoped3A_73 : memref<!tpu.dma_semaphore, #tpu.memory_space<semaphore_mem>>) src(%dma_wait3A_97 : memref<128x128xf32, #tpu.memory_space<vmem>>) dst(%dma_wait3A_93 : memref<128x128xf32, #tpu.memory_space<hbm>>)
        tpu.yield
      }) : () -> ()
    }
    %scan3A_63 = arith.constant 5 : i32
    return
  }
}

#map = affine_map<(d0, d1) -> (0)>
module attributes {stable_mosaic.version = 14 : i64} {
  func.func @_sc_predict(%arg0: i32, %arg1: i32, %arg2: memref<10000xf32, #tpu.memory_space<hbm>>, %arg3: memref<10000xf32, #tpu.memory_space<hbm>>, %arg4: memref<320000xi32, #tpu.memory_space<hbm>>, %arg5: memref<320000xi32, #tpu.memory_space<hbm>>, %arg6: memref<320000xi32, #tpu.memory_space<hbm>>, %arg7: memref<320000xi32, #tpu.memory_space<hbm>>, %arg8: memref<320000xf32, #tpu.memory_space<hbm>>, %arg9: memref<320000xf32, #tpu.memory_space<hbm>>, %arg10: memref<10000xf32, #tpu.memory_space<vmem>>, %arg11: memref<10000xf32, #tpu.memory_space<vmem>>, %arg12: memref<2000xi32, #tpu.memory_space<vmem>>, %arg13: memref<2000xi32, #tpu.memory_space<vmem>>, %arg14: memref<2000xf32, #tpu.memory_space<vmem>>) attributes {dimension_semantics = [#tpu.dimension_semantics<core_parallel>, #tpu.dimension_semantics<subcore_parallel>], iteration_bounds = array<i64: 2, 16>, scalar_prefetch = 0 : i64, scratch_operands = 5 : i64, tpu.core_type = #tpu.core_type<sc_vector_subcore>, window_params = [{transform_indices = #map}, {transform_indices = #map}, {transform_indices = #map}, {transform_indices = #map}, {transform_indices = #map}, {transform_indices = #map}, {transform_indices = #map}, {transform_indices = #map}]} {
    %mul3A = arith.constant 2 : i32
    %mul3A_0 = arith.muli %arg1, %mul3A : i32
    %add3A = arith.addi %mul3A_0, %arg0 : i32
    %mul3A_1 = arith.constant 10000 : i32
    %mul3A_2 = arith.muli %add3A, %mul3A_1 : i32
    "tpu.region"() ({
      %run_scoped3A = tpu.sem_alloc : memref<!tpu.dma_semaphore, #tpu.memory_space<semaphore_mem>>
      tpu.enqueue_dma source(%arg2 : memref<10000xf32, #tpu.memory_space<hbm>>) target(%arg10 : memref<10000xf32, #tpu.memory_space<vmem>>) target_semaphore(%run_scoped3A : memref<!tpu.dma_semaphore, #tpu.memory_space<semaphore_mem>>)
      tpu.wait_dma2 semaphore(%run_scoped3A : memref<!tpu.dma_semaphore, #tpu.memory_space<semaphore_mem>>) src(%arg2 : memref<10000xf32, #tpu.memory_space<hbm>>) dst(%arg10 : memref<10000xf32, #tpu.memory_space<vmem>>)
      tpu.yield
    }) : () -> ()
    "tpu.region"() ({
      %run_scoped3A = tpu.sem_alloc : memref<!tpu.dma_semaphore, #tpu.memory_space<semaphore_mem>>
      tpu.enqueue_dma source(%arg3 : memref<10000xf32, #tpu.memory_space<hbm>>) target(%arg11 : memref<10000xf32, #tpu.memory_space<vmem>>) target_semaphore(%run_scoped3A : memref<!tpu.dma_semaphore, #tpu.memory_space<semaphore_mem>>)
      tpu.wait_dma2 semaphore(%run_scoped3A : memref<!tpu.dma_semaphore, #tpu.memory_space<semaphore_mem>>) src(%arg3 : memref<10000xf32, #tpu.memory_space<hbm>>) dst(%arg11 : memref<10000xf32, #tpu.memory_space<vmem>>)
      tpu.yield
    }) : () -> ()
    %scan3A = arith.constant 0 : i32
    %scan3A_3 = arith.constant 0 : i32
    %scan3A_4 = arith.constant 5 : i32
    %scan3A_5 = arith.addi %scan3A_3, %scan3A_4 : i32
    %scan3A_6 = arith.constant 1 : i32
    scf.for %scan3A_14 = %scan3A_3 to %scan3A_5 step %scan3A_6  : i32 {
      %mul3A_15 = arith.constant 2000 : i32
      %mul3A_16 = arith.muli %scan3A_14, %mul3A_15 : i32
      %add3A_17 = arith.addi %mul3A_2, %mul3A_16 : i32
      "tpu.region"() ({
        %run_scoped3A = tpu.sem_alloc : memref<!tpu.dma_semaphore, #tpu.memory_space<semaphore_mem>>
        %dma_start3A = tpu.memref_slice %arg4[%add3A_17] : memref<320000xi32, #tpu.memory_space<hbm>> -> memref<2000xi32, #tpu.memory_space<hbm>>
        %dma_start3A_24 = tpu.memref_slice %arg4[%add3A_17] : memref<320000xi32, #tpu.memory_space<hbm>> -> memref<2000xi32, #tpu.memory_space<hbm>>
        tpu.enqueue_dma source(%dma_start3A_24 : memref<2000xi32, #tpu.memory_space<hbm>>) target(%arg12 : memref<2000xi32, #tpu.memory_space<vmem>>) target_semaphore(%run_scoped3A : memref<!tpu.dma_semaphore, #tpu.memory_space<semaphore_mem>>)
        %dma_wait3A = tpu.memref_slice %arg4[%add3A_17] : memref<320000xi32, #tpu.memory_space<hbm>> -> memref<2000xi32, #tpu.memory_space<hbm>>
        %dma_wait3A_25 = tpu.memref_slice %arg4[%add3A_17] : memref<320000xi32, #tpu.memory_space<hbm>> -> memref<2000xi32, #tpu.memory_space<hbm>>
        tpu.wait_dma2 semaphore(%run_scoped3A : memref<!tpu.dma_semaphore, #tpu.memory_space<semaphore_mem>>) src(%dma_wait3A_25 : memref<2000xi32, #tpu.memory_space<hbm>>) dst(%arg12 : memref<2000xi32, #tpu.memory_space<vmem>>)
        tpu.yield
      }) : () -> ()
      "tpu.region"() ({
        %run_scoped3A = tpu.sem_alloc : memref<!tpu.dma_semaphore, #tpu.memory_space<semaphore_mem>>
        %dma_start3A = tpu.memref_slice %arg5[%add3A_17] : memref<320000xi32, #tpu.memory_space<hbm>> -> memref<2000xi32, #tpu.memory_space<hbm>>
        %dma_start3A_24 = tpu.memref_slice %arg5[%add3A_17] : memref<320000xi32, #tpu.memory_space<hbm>> -> memref<2000xi32, #tpu.memory_space<hbm>>
        tpu.enqueue_dma source(%dma_start3A_24 : memref<2000xi32, #tpu.memory_space<hbm>>) target(%arg13 : memref<2000xi32, #tpu.memory_space<vmem>>) target_semaphore(%run_scoped3A : memref<!tpu.dma_semaphore, #tpu.memory_space<semaphore_mem>>)
        %dma_wait3A = tpu.memref_slice %arg5[%add3A_17] : memref<320000xi32, #tpu.memory_space<hbm>> -> memref<2000xi32, #tpu.memory_space<hbm>>
        %dma_wait3A_25 = tpu.memref_slice %arg5[%add3A_17] : memref<320000xi32, #tpu.memory_space<hbm>> -> memref<2000xi32, #tpu.memory_space<hbm>>
        tpu.wait_dma2 semaphore(%run_scoped3A : memref<!tpu.dma_semaphore, #tpu.memory_space<semaphore_mem>>) src(%dma_wait3A_25 : memref<2000xi32, #tpu.memory_space<hbm>>) dst(%arg13 : memref<2000xi32, #tpu.memory_space<vmem>>)
        tpu.yield
      }) : () -> ()
      %scan3A_18 = arith.constant 0 : i32
      %scan3A_19 = arith.constant 0 : i32
      %scan3A_20 = arith.constant 125 : i32
      %scan3A_21 = arith.addi %scan3A_19, %scan3A_20 : i32
      %scan3A_22 = arith.constant 1 : i32
      scf.for %scan3A_24 = %scan3A_19 to %scan3A_21 step %scan3A_22  : i32 {
        %mul3A_25 = arith.constant 16 : i32
        %mul3A_26 = arith.muli %scan3A_24, %mul3A_25 : i32
        %get3A = arith.index_cast %mul3A_26 : i32 to index
        %get3A_27 = tpu.vector_load %arg12[%get3A] {strides = array<i32>} : memref<2000xi32, #tpu.memory_space<vmem>>, vector<16xi32>,
        %mul3A_28 = arith.constant 16 : i32
        %mul3A_29 = arith.muli %scan3A_24, %mul3A_28 : i32
        %get3A_30 = arith.index_cast %mul3A_29 : i32 to index
        %get3A_31 = tpu.vector_load %arg13[%get3A_30] {strides = array<i32>} : memref<2000xi32, #tpu.memory_space<vmem>>, vector<16xi32>,
        %gather3A = tpu.vector_load_idx %arg10[%get3A_27] : memref<10000xf32, #tpu.memory_space<vmem>>[vector<16xi32>], vector<16xf32>,
        %gather3A_32 = tpu.vector_load_idx %arg11[%get3A_31] : memref<10000xf32, #tpu.memory_space<vmem>>[vector<16xi32>], vector<16xf32>,
        %add3A_33 = arith.addf %gather3A, %gather3A_32 : vector<16xf32>
        %mul3A_34 = arith.constant 16 : i32
        %mul3A_35 = arith.muli %scan3A_24, %mul3A_34 : i32
        %swap3A = arith.index_cast %mul3A_35 : i32 to index
        %swap3A_36 = tpu.vector_load %arg14[%swap3A] {strides = array<i32>} : memref<2000xf32, #tpu.memory_space<vmem>>, vector<16xf32>,
        tpu.vector_store %arg14[%swap3A], %add3A_33 {strides = array<i32>} : memref<2000xf32, #tpu.memory_space<vmem>>, vector<16xf32>,
      }
      %scan3A_23 = arith.constant 125 : i32
      "tpu.region"() ({
        %run_scoped3A = tpu.sem_alloc : memref<!tpu.dma_semaphore, #tpu.memory_space<semaphore_mem>>
        %dma_start3A = tpu.memref_slice %arg8[%add3A_17] : memref<320000xf32, #tpu.memory_space<hbm>> -> memref<2000xf32, #tpu.memory_space<hbm>>
        %dma_start3A_24 = tpu.memref_slice %arg8[%add3A_17] : memref<320000xf32, #tpu.memory_space<hbm>> -> memref<2000xf32, #tpu.memory_space<hbm>>
        tpu.enqueue_dma source(%arg14 : memref<2000xf32, #tpu.memory_space<vmem>>) target(%dma_start3A_24 : memref<2000xf32, #tpu.memory_space<hbm>>) target_semaphore(%run_scoped3A : memref<!tpu.dma_semaphore, #tpu.memory_space<semaphore_mem>>)
        %dma_wait3A = tpu.memref_slice %arg8[%add3A_17] : memref<320000xf32, #tpu.memory_space<hbm>> -> memref<2000xf32, #tpu.memory_space<hbm>>
        %dma_wait3A_25 = tpu.memref_slice %arg8[%add3A_17] : memref<320000xf32, #tpu.memory_space<hbm>> -> memref<2000xf32, #tpu.memory_space<hbm>>
        tpu.wait_dma2 semaphore(%run_scoped3A : memref<!tpu.dma_semaphore, #tpu.memory_space<semaphore_mem>>) src(%arg14 : memref<2000xf32, #tpu.memory_space<vmem>>) dst(%dma_wait3A_25 : memref<2000xf32, #tpu.memory_space<hbm>>)
        tpu.yield
      }) : () -> ()
    }
    %scan3A_7 = arith.constant 5 : i32
    %scan3A_8 = arith.constant 0 : i32
    %scan3A_9 = arith.constant 0 : i32
    %scan3A_10 = arith.constant 5 : i32
    %scan3A_11 = arith.addi %scan3A_9, %scan3A_10 : i32
    %scan3A_12 = arith.constant 1 : i32
    scf.for %scan3A_14 = %scan3A_9 to %scan3A_11 step %scan3A_12  : i32 {
      %mul3A_15 = arith.constant 2000 : i32
      %mul3A_16 = arith.muli %scan3A_14, %mul3A_15 : i32
      %add3A_17 = arith.addi %mul3A_2, %mul3A_16 : i32
      "tpu.region"() ({
        %run_scoped3A = tpu.sem_alloc : memref<!tpu.dma_semaphore, #tpu.memory_space<semaphore_mem>>
        %dma_start3A = tpu.memref_slice %arg6[%add3A_17] : memref<320000xi32, #tpu.memory_space<hbm>> -> memref<2000xi32, #tpu.memory_space<hbm>>
        %dma_start3A_24 = tpu.memref_slice %arg6[%add3A_17] : memref<320000xi32, #tpu.memory_space<hbm>> -> memref<2000xi32, #tpu.memory_space<hbm>>
        tpu.enqueue_dma source(%dma_start3A_24 : memref<2000xi32, #tpu.memory_space<hbm>>) target(%arg12 : memref<2000xi32, #tpu.memory_space<vmem>>) target_semaphore(%run_scoped3A : memref<!tpu.dma_semaphore, #tpu.memory_space<semaphore_mem>>)
        %dma_wait3A = tpu.memref_slice %arg6[%add3A_17] : memref<320000xi32, #tpu.memory_space<hbm>> -> memref<2000xi32, #tpu.memory_space<hbm>>
        %dma_wait3A_25 = tpu.memref_slice %arg6[%add3A_17] : memref<320000xi32, #tpu.memory_space<hbm>> -> memref<2000xi32, #tpu.memory_space<hbm>>
        tpu.wait_dma2 semaphore(%run_scoped3A : memref<!tpu.dma_semaphore, #tpu.memory_space<semaphore_mem>>) src(%dma_wait3A_25 : memref<2000xi32, #tpu.memory_space<hbm>>) dst(%arg12 : memref<2000xi32, #tpu.memory_space<vmem>>)
        tpu.yield
      }) : () -> ()
      "tpu.region"() ({
        %run_scoped3A = tpu.sem_alloc : memref<!tpu.dma_semaphore, #tpu.memory_space<semaphore_mem>>
        %dma_start3A = tpu.memref_slice %arg7[%add3A_17] : memref<320000xi32, #tpu.memory_space<hbm>> -> memref<2000xi32, #tpu.memory_space<hbm>>
        %dma_start3A_24 = tpu.memref_slice %arg7[%add3A_17] : memref<320000xi32, #tpu.memory_space<hbm>> -> memref<2000xi32, #tpu.memory_space<hbm>>
        tpu.enqueue_dma source(%dma_start3A_24 : memref<2000xi32, #tpu.memory_space<hbm>>) target(%arg13 : memref<2000xi32, #tpu.memory_space<vmem>>) target_semaphore(%run_scoped3A : memref<!tpu.dma_semaphore, #tpu.memory_space<semaphore_mem>>)
        %dma_wait3A = tpu.memref_slice %arg7[%add3A_17] : memref<320000xi32, #tpu.memory_space<hbm>> -> memref<2000xi32, #tpu.memory_space<hbm>>
        %dma_wait3A_25 = tpu.memref_slice %arg7[%add3A_17] : memref<320000xi32, #tpu.memory_space<hbm>> -> memref<2000xi32, #tpu.memory_space<hbm>>
        tpu.wait_dma2 semaphore(%run_scoped3A : memref<!tpu.dma_semaphore, #tpu.memory_space<semaphore_mem>>) src(%dma_wait3A_25 : memref<2000xi32, #tpu.memory_space<hbm>>) dst(%arg13 : memref<2000xi32, #tpu.memory_space<vmem>>)
        tpu.yield
      }) : () -> ()
      %scan3A_18 = arith.constant 0 : i32
      %scan3A_19 = arith.constant 0 : i32
      %scan3A_20 = arith.constant 125 : i32
      %scan3A_21 = arith.addi %scan3A_19, %scan3A_20 : i32
      %scan3A_22 = arith.constant 1 : i32
      scf.for %scan3A_24 = %scan3A_19 to %scan3A_21 step %scan3A_22  : i32 {
        %mul3A_25 = arith.constant 16 : i32
        %mul3A_26 = arith.muli %scan3A_24, %mul3A_25 : i32
        %get3A = arith.index_cast %mul3A_26 : i32 to index
        %get3A_27 = tpu.vector_load %arg12[%get3A] {strides = array<i32>} : memref<2000xi32, #tpu.memory_space<vmem>>, vector<16xi32>,
        %mul3A_28 = arith.constant 16 : i32
        %mul3A_29 = arith.muli %scan3A_24, %mul3A_28 : i32
        %get3A_30 = arith.index_cast %mul3A_29 : i32 to index
        %get3A_31 = tpu.vector_load %arg13[%get3A_30] {strides = array<i32>} : memref<2000xi32, #tpu.memory_space<vmem>>, vector<16xi32>,
        %gather3A = tpu.vector_load_idx %arg10[%get3A_27] : memref<10000xf32, #tpu.memory_space<vmem>>[vector<16xi32>], vector<16xf32>,
        %gather3A_32 = tpu.vector_load_idx %arg11[%get3A_31] : memref<10000xf32, #tpu.memory_space<vmem>>[vector<16xi32>], vector<16xf32>,
        %add3A_33 = arith.addf %gather3A, %gather3A_32 : vector<16xf32>
        %mul3A_34 = arith.constant 16 : i32
        %mul3A_35 = arith.muli %scan3A_24, %mul3A_34 : i32
        %swap3A = arith.index_cast %mul3A_35 : i32 to index
        %swap3A_36 = tpu.vector_load %arg14[%swap3A] {strides = array<i32>} : memref<2000xf32, #tpu.memory_space<vmem>>, vector<16xf32>,
        tpu.vector_store %arg14[%swap3A], %add3A_33 {strides = array<i32>} : memref<2000xf32, #tpu.memory_space<vmem>>, vector<16xf32>,
      }
      %scan3A_23 = arith.constant 125 : i32
      "tpu.region"() ({
        %run_scoped3A = tpu.sem_alloc : memref<!tpu.dma_semaphore, #tpu.memory_space<semaphore_mem>>
        %dma_start3A = tpu.memref_slice %arg9[%add3A_17] : memref<320000xf32, #tpu.memory_space<hbm>> -> memref<2000xf32, #tpu.memory_space<hbm>>
        %dma_start3A_24 = tpu.memref_slice %arg9[%add3A_17] : memref<320000xf32, #tpu.memory_space<hbm>> -> memref<2000xf32, #tpu.memory_space<hbm>>
        tpu.enqueue_dma source(%arg14 : memref<2000xf32, #tpu.memory_space<vmem>>) target(%dma_start3A_24 : memref<2000xf32, #tpu.memory_space<hbm>>) target_semaphore(%run_scoped3A : memref<!tpu.dma_semaphore, #tpu.memory_space<semaphore_mem>>)
        %dma_wait3A = tpu.memref_slice %arg9[%add3A_17] : memref<320000xf32, #tpu.memory_space<hbm>> -> memref<2000xf32, #tpu.memory_space<hbm>>
        %dma_wait3A_25 = tpu.memref_slice %arg9[%add3A_17] : memref<320000xf32, #tpu.memory_space<hbm>> -> memref<2000xf32, #tpu.memory_space<hbm>>
        tpu.wait_dma2 semaphore(%run_scoped3A : memref<!tpu.dma_semaphore, #tpu.memory_space<semaphore_mem>>) src(%arg14 : memref<2000xf32, #tpu.memory_space<vmem>>) dst(%dma_wait3A_25 : memref<2000xf32, #tpu.memory_space<hbm>>)
        tpu.yield
      }) : () -> ()
    }
    %scan3A_13 = arith.constant 5 : i32
    return
  }
}

#map = affine_map<(d0, d1) -> (0, 0)>
module attributes {stable_mosaic.version = 14 : i64} {
  func.func @_sc_rows(%arg0: i32, %arg1: i32, %arg2: memref<10000x128xf32, #tpu.memory_space<hbm>>, %arg3: memref<5120x128xi32, #tpu.memory_space<hbm>>, %arg4: memref<20480x128xf32, #tpu.memory_space<hbm>>, %arg5: memref<80x128xi32, #tpu.memory_space<vmem>>, %arg6: memref<2x128x128xf32, #tpu.memory_space<vmem>>, %arg7: memref<10240x128xf32, #tpu.memory_space<vmem_shared>>, %arg8: memref<!tpu.dma_semaphore, #tpu.memory_space<semaphore_mem>>, %arg9: memref<!tpu.dma_semaphore, #tpu.memory_space<semaphore_mem>>, %arg10: memref<!tpu.dma_semaphore, #tpu.memory_space<semaphore_mem>>) attributes {dimension_semantics = [#tpu.dimension_semantics<core_parallel>, #tpu.dimension_semantics<subcore_parallel>], iteration_bounds = array<i64: 2, 16>, scalar_prefetch = 0 : i64, scratch_operands = 6 : i64, tpu.core_type = #tpu.core_type<sc_vector_subcore>, window_params = [{transform_indices = #map}, {transform_indices = #map}, {transform_indices = #map}]} {
    %mul3A = arith.constant 2 : i32
    %mul3A_0 = arith.muli %arg1, %mul3A : i32
    %add3A = arith.addi %mul3A_0, %arg0 : i32
    %broadcast_in_dim3A = arith.constant 0.000000e+00 : f32
    %broadcast_in_dim3A_1 = vector.broadcast %broadcast_in_dim3A : f32 to vector<16xf32>
    %scan3A = arith.constant 0 : i32
    %scan3A_2 = arith.constant 0 : i32
    %scan3A_3 = arith.constant 128 : i32
    %scan3A_4 = arith.addi %scan3A_2, %scan3A_3 : i32
    %scan3A_5 = arith.constant 1 : i32
    scf.for %scan3A_64 = %scan3A_2 to %scan3A_4 step %scan3A_5  : i32 {
      %swap3A = arith.constant 0 : i32
      %swap3A_65 = arith.index_cast %swap3A : i32 to index
      %swap3A_66 = arith.index_cast %scan3A_64 : i32 to index
      %swap3A_67 = arith.constant 0 : index
      %swap3A_68 = tpu.vector_load %arg6[%swap3A_65, %swap3A_66, %swap3A_67] {strides = array<i32>} : memref<2x128x128xf32, #tpu.memory_space<vmem>>, vector<1x1x16xf32>,
      %swap3A_69 = vector.shape_cast %swap3A_68 : vector<1x1x16xf32> to vector<16xf32>
      %swap3A_70 = vector.shape_cast %broadcast_in_dim3A_1 : vector<16xf32> to vector<1x1x16xf32>
      tpu.vector_store %arg6[%swap3A_65, %swap3A_66, %swap3A_67], %swap3A_70 {strides = array<i32>} : memref<2x128x128xf32, #tpu.memory_space<vmem>>, vector<1x1x16xf32>,
      %swap3A_71 = arith.constant 0 : i32
      %swap3A_72 = arith.index_cast %swap3A_71 : i32 to index
      %swap3A_73 = arith.index_cast %scan3A_64 : i32 to index
      %swap3A_74 = arith.constant 16 : index
      %swap3A_75 = tpu.vector_load %arg6[%swap3A_72, %swap3A_73, %swap3A_74] {strides = array<i32>} : memref<2x128x128xf32, #tpu.memory_space<vmem>>, vector<1x1x16xf32>,
      %swap3A_76 = vector.shape_cast %swap3A_75 : vector<1x1x16xf32> to vector<16xf32>
      %swap3A_77 = vector.shape_cast %broadcast_in_dim3A_1 : vector<16xf32> to vector<1x1x16xf32>
      tpu.vector_store %arg6[%swap3A_72, %swap3A_73, %swap3A_74], %swap3A_77 {strides = array<i32>} : memref<2x128x128xf32, #tpu.memory_space<vmem>>, vector<1x1x16xf32>,
      %swap3A_78 = arith.constant 0 : i32
      %swap3A_79 = arith.index_cast %swap3A_78 : i32 to index
      %swap3A_80 = arith.index_cast %scan3A_64 : i32 to index
      %swap3A_81 = arith.constant 32 : index
      %swap3A_82 = tpu.vector_load %arg6[%swap3A_79, %swap3A_80, %swap3A_81] {strides = array<i32>} : memref<2x128x128xf32, #tpu.memory_space<vmem>>, vector<1x1x16xf32>,
      %swap3A_83 = vector.shape_cast %swap3A_82 : vector<1x1x16xf32> to vector<16xf32>
      %swap3A_84 = vector.shape_cast %broadcast_in_dim3A_1 : vector<16xf32> to vector<1x1x16xf32>
      tpu.vector_store %arg6[%swap3A_79, %swap3A_80, %swap3A_81], %swap3A_84 {strides = array<i32>} : memref<2x128x128xf32, #tpu.memory_space<vmem>>, vector<1x1x16xf32>,
      %swap3A_85 = arith.constant 0 : i32
      %swap3A_86 = arith.index_cast %swap3A_85 : i32 to index
      %swap3A_87 = arith.index_cast %scan3A_64 : i32 to index
      %swap3A_88 = arith.constant 48 : index
      %swap3A_89 = tpu.vector_load %arg6[%swap3A_86, %swap3A_87, %swap3A_88] {strides = array<i32>} : memref<2x128x128xf32, #tpu.memory_space<vmem>>, vector<1x1x16xf32>,
      %swap3A_90 = vector.shape_cast %swap3A_89 : vector<1x1x16xf32> to vector<16xf32>
      %swap3A_91 = vector.shape_cast %broadcast_in_dim3A_1 : vector<16xf32> to vector<1x1x16xf32>
      tpu.vector_store %arg6[%swap3A_86, %swap3A_87, %swap3A_88], %swap3A_91 {strides = array<i32>} : memref<2x128x128xf32, #tpu.memory_space<vmem>>, vector<1x1x16xf32>,
      %swap3A_92 = arith.constant 0 : i32
      %swap3A_93 = arith.index_cast %swap3A_92 : i32 to index
      %swap3A_94 = arith.index_cast %scan3A_64 : i32 to index
      %swap3A_95 = arith.constant 64 : index
      %swap3A_96 = tpu.vector_load %arg6[%swap3A_93, %swap3A_94, %swap3A_95] {strides = array<i32>} : memref<2x128x128xf32, #tpu.memory_space<vmem>>, vector<1x1x16xf32>,
      %swap3A_97 = vector.shape_cast %swap3A_96 : vector<1x1x16xf32> to vector<16xf32>
      %swap3A_98 = vector.shape_cast %broadcast_in_dim3A_1 : vector<16xf32> to vector<1x1x16xf32>
      tpu.vector_store %arg6[%swap3A_93, %swap3A_94, %swap3A_95], %swap3A_98 {strides = array<i32>} : memref<2x128x128xf32, #tpu.memory_space<vmem>>, vector<1x1x16xf32>,
      %swap3A_99 = arith.constant 0 : i32
      %swap3A_100 = arith.index_cast %swap3A_99 : i32 to index
      %swap3A_101 = arith.index_cast %scan3A_64 : i32 to index
      %swap3A_102 = arith.constant 80 : index
      %swap3A_103 = tpu.vector_load %arg6[%swap3A_100, %swap3A_101, %swap3A_102] {strides = array<i32>} : memref<2x128x128xf32, #tpu.memory_space<vmem>>, vector<1x1x16xf32>,
      %swap3A_104 = vector.shape_cast %swap3A_103 : vector<1x1x16xf32> to vector<16xf32>
      %swap3A_105 = vector.shape_cast %broadcast_in_dim3A_1 : vector<16xf32> to vector<1x1x16xf32>
      tpu.vector_store %arg6[%swap3A_100, %swap3A_101, %swap3A_102], %swap3A_105 {strides = array<i32>} : memref<2x128x128xf32, #tpu.memory_space<vmem>>, vector<1x1x16xf32>,
      %swap3A_106 = arith.constant 0 : i32
      %swap3A_107 = arith.index_cast %swap3A_106 : i32 to index
      %swap3A_108 = arith.index_cast %scan3A_64 : i32 to index
      %swap3A_109 = arith.constant 96 : index
      %swap3A_110 = tpu.vector_load %arg6[%swap3A_107, %swap3A_108, %swap3A_109] {strides = array<i32>} : memref<2x128x128xf32, #tpu.memory_space<vmem>>, vector<1x1x16xf32>,
      %swap3A_111 = vector.shape_cast %swap3A_110 : vector<1x1x16xf32> to vector<16xf32>
      %swap3A_112 = vector.shape_cast %broadcast_in_dim3A_1 : vector<16xf32> to vector<1x1x16xf32>
      tpu.vector_store %arg6[%swap3A_107, %swap3A_108, %swap3A_109], %swap3A_112 {strides = array<i32>} : memref<2x128x128xf32, #tpu.memory_space<vmem>>, vector<1x1x16xf32>,
      %swap3A_113 = arith.constant 0 : i32
      %swap3A_114 = arith.index_cast %swap3A_113 : i32 to index
      %swap3A_115 = arith.index_cast %scan3A_64 : i32 to index
      %swap3A_116 = arith.constant 112 : index
      %swap3A_117 = tpu.vector_load %arg6[%swap3A_114, %swap3A_115, %swap3A_116] {strides = array<i32>} : memref<2x128x128xf32, #tpu.memory_space<vmem>>, vector<1x1x16xf32>,
      %swap3A_118 = vector.shape_cast %swap3A_117 : vector<1x1x16xf32> to vector<16xf32>
      %swap3A_119 = vector.shape_cast %broadcast_in_dim3A_1 : vector<16xf32> to vector<1x1x16xf32>
      tpu.vector_store %arg6[%swap3A_114, %swap3A_115, %swap3A_116], %swap3A_119 {strides = array<i32>} : memref<2x128x128xf32, #tpu.memory_space<vmem>>, vector<1x1x16xf32>,
    }
    %scan3A_6 = arith.constant 128 : i32
    %mul3A_7 = arith.constant 640 : i32
    %mul3A_8 = arith.muli %arg1, %mul3A_7 : i32
    %add3A_9 = arith.constant 0 : i32
    %add3A_10 = arith.addi %mul3A_8, %add3A_9 : i32
    %run_scoped3A = arith.constant 0 : i32
    "tpu.region"() ({
      %run_scoped3A_64 = tpu.sem_alloc : memref<!tpu.dma_semaphore, #tpu.memory_space<semaphore_mem>>
      %dma_start3A_65 = arith.constant 0 : i32
      %dma_start3A_66 = arith.constant 0 : i32
      %dma_start3A_67 = tpu.memref_slice %arg6[%run_scoped3A, %dma_start3A_65, %dma_start3A_66] : memref<2x128x128xf32, #tpu.memory_space<vmem>> -> memref<1x128x128xf32, #tpu.memory_space<vmem>>
      %dma_start3A_68 = tpu.memref_squeeze %dma_start3A_67 : memref<1x128x128xf32, #tpu.memory_space<vmem>> -> memref<128x128xf32, #tpu.memory_space<vmem>>
      %dma_start3A_69 = arith.constant 0 : i32
      %dma_start3A_70 = tpu.memref_slice %arg7[%add3A_10, %dma_start3A_69] : memref<10240x128xf32, #tpu.memory_space<vmem_shared>> -> memref<128x128xf32, #tpu.memory_space<vmem_shared>>
      %dma_start3A_71 = arith.constant 0 : i32
      %dma_start3A_72 = tpu.memref_slice %arg7[%add3A_10, %dma_start3A_71] : memref<10240x128xf32, #tpu.memory_space<vmem_shared>> -> memref<128x128xf32, #tpu.memory_space<vmem_shared>>
      %dma_start3A_73 = arith.constant 0 : i32
      %dma_start3A_74 = arith.constant 0 : i32
      %dma_start3A_75 = tpu.memref_slice %arg6[%run_scoped3A, %dma_start3A_73, %dma_start3A_74] : memref<2x128x128xf32, #tpu.memory_space<vmem>> -> memref<1x128x128xf32, #tpu.memory_space<vmem>>
      %dma_start3A_76 = tpu.memref_squeeze %dma_start3A_75 : memref<1x128x128xf32, #tpu.memory_space<vmem>> -> memref<128x128xf32, #tpu.memory_space<vmem>>
      tpu.enqueue_dma source(%dma_start3A_76 : memref<128x128xf32, #tpu.memory_space<vmem>>) target(%dma_start3A_72 : memref<128x128xf32, #tpu.memory_space<vmem_shared>>) target_semaphore(%run_scoped3A_64 : memref<!tpu.dma_semaphore, #tpu.memory_space<semaphore_mem>>)
      %dma_wait3A_77 = arith.constant 0 : i32
      %dma_wait3A_78 = arith.constant 0 : i32
      %dma_wait3A_79 = tpu.memref_slice %arg6[%run_scoped3A, %dma_wait3A_77, %dma_wait3A_78] : memref<2x128x128xf32, #tpu.memory_space<vmem>> -> memref<1x128x128xf32, #tpu.memory_space<vmem>>
      %dma_wait3A_80 = tpu.memref_squeeze %dma_wait3A_79 : memref<1x128x128xf32, #tpu.memory_space<vmem>> -> memref<128x128xf32, #tpu.memory_space<vmem>>
      %dma_wait3A_81 = arith.constant 0 : i32
      %dma_wait3A_82 = tpu.memref_slice %arg7[%add3A_10, %dma_wait3A_81] : memref<10240x128xf32, #tpu.memory_space<vmem_shared>> -> memref<128x128xf32, #tpu.memory_space<vmem_shared>>
      %dma_wait3A_83 = arith.constant 0 : i32
      %dma_wait3A_84 = tpu.memref_slice %arg7[%add3A_10, %dma_wait3A_83] : memref<10240x128xf32, #tpu.memory_space<vmem_shared>> -> memref<128x128xf32, #tpu.memory_space<vmem_shared>>
      %dma_wait3A_85 = arith.constant 0 : i32
      %dma_wait3A_86 = arith.constant 0 : i32
      %dma_wait3A_87 = tpu.memref_slice %arg6[%run_scoped3A, %dma_wait3A_85, %dma_wait3A_86] : memref<2x128x128xf32, #tpu.memory_space<vmem>> -> memref<1x128x128xf32, #tpu.memory_space<vmem>>
      %dma_wait3A_88 = tpu.memref_squeeze %dma_wait3A_87 : memref<1x128x128xf32, #tpu.memory_space<vmem>> -> memref<128x128xf32, #tpu.memory_space<vmem>>
      tpu.wait_dma2 semaphore(%run_scoped3A_64 : memref<!tpu.dma_semaphore, #tpu.memory_space<semaphore_mem>>) src(%dma_wait3A_88 : memref<128x128xf32, #tpu.memory_space<vmem>>) dst(%dma_wait3A_84 : memref<128x128xf32, #tpu.memory_space<vmem_shared>>)
      tpu.yield
    }) : () -> ()
    %add3A_11 = arith.constant 128 : i32
    %add3A_12 = arith.addi %mul3A_8, %add3A_11 : i32
    %run_scoped3A_13 = arith.constant 0 : i32
    "tpu.region"() ({
      %run_scoped3A_64 = tpu.sem_alloc : memref<!tpu.dma_semaphore, #tpu.memory_space<semaphore_mem>>
      %dma_start3A_65 = arith.constant 0 : i32
      %dma_start3A_66 = arith.constant 0 : i32
      %dma_start3A_67 = tpu.memref_slice %arg6[%run_scoped3A_13, %dma_start3A_65, %dma_start3A_66] : memref<2x128x128xf32, #tpu.memory_space<vmem>> -> memref<1x128x128xf32, #tpu.memory_space<vmem>>
      %dma_start3A_68 = tpu.memref_squeeze %dma_start3A_67 : memref<1x128x128xf32, #tpu.memory_space<vmem>> -> memref<128x128xf32, #tpu.memory_space<vmem>>
      %dma_start3A_69 = arith.constant 0 : i32
      %dma_start3A_70 = tpu.memref_slice %arg7[%add3A_12, %dma_start3A_69] : memref<10240x128xf32, #tpu.memory_space<vmem_shared>> -> memref<128x128xf32, #tpu.memory_space<vmem_shared>>
      %dma_start3A_71 = arith.constant 0 : i32
      %dma_start3A_72 = tpu.memref_slice %arg7[%add3A_12, %dma_start3A_71] : memref<10240x128xf32, #tpu.memory_space<vmem_shared>> -> memref<128x128xf32, #tpu.memory_space<vmem_shared>>
      %dma_start3A_73 = arith.constant 0 : i32
      %dma_start3A_74 = arith.constant 0 : i32
      %dma_start3A_75 = tpu.memref_slice %arg6[%run_scoped3A_13, %dma_start3A_73, %dma_start3A_74] : memref<2x128x128xf32, #tpu.memory_space<vmem>> -> memref<1x128x128xf32, #tpu.memory_space<vmem>>
      %dma_start3A_76 = tpu.memref_squeeze %dma_start3A_75 : memref<1x128x128xf32, #tpu.memory_space<vmem>> -> memref<128x128xf32, #tpu.memory_space<vmem>>
      tpu.enqueue_dma source(%dma_start3A_76 : memref<128x128xf32, #tpu.memory_space<vmem>>) target(%dma_start3A_72 : memref<128x128xf32, #tpu.memory_space<vmem_shared>>) target_semaphore(%run_scoped3A_64 : memref<!tpu.dma_semaphore, #tpu.memory_space<semaphore_mem>>)
      %dma_wait3A_77 = arith.constant 0 : i32
      %dma_wait3A_78 = arith.constant 0 : i32
      %dma_wait3A_79 = tpu.memref_slice %arg6[%run_scoped3A_13, %dma_wait3A_77, %dma_wait3A_78] : memref<2x128x128xf32, #tpu.memory_space<vmem>> -> memref<1x128x128xf32, #tpu.memory_space<vmem>>
      %dma_wait3A_80 = tpu.memref_squeeze %dma_wait3A_79 : memref<1x128x128xf32, #tpu.memory_space<vmem>> -> memref<128x128xf32, #tpu.memory_space<vmem>>
      %dma_wait3A_81 = arith.constant 0 : i32
      %dma_wait3A_82 = tpu.memref_slice %arg7[%add3A_12, %dma_wait3A_81] : memref<10240x128xf32, #tpu.memory_space<vmem_shared>> -> memref<128x128xf32, #tpu.memory_space<vmem_shared>>
      %dma_wait3A_83 = arith.constant 0 : i32
      %dma_wait3A_84 = tpu.memref_slice %arg7[%add3A_12, %dma_wait3A_83] : memref<10240x128xf32, #tpu.memory_space<vmem_shared>> -> memref<128x128xf32, #tpu.memory_space<vmem_shared>>
      %dma_wait3A_85 = arith.constant 0 : i32
      %dma_wait3A_86 = arith.constant 0 : i32
      %dma_wait3A_87 = tpu.memref_slice %arg6[%run_scoped3A_13, %dma_wait3A_85, %dma_wait3A_86] : memref<2x128x128xf32, #tpu.memory_space<vmem>> -> memref<1x128x128xf32, #tpu.memory_space<vmem>>
      %dma_wait3A_88 = tpu.memref_squeeze %dma_wait3A_87 : memref<1x128x128xf32, #tpu.memory_space<vmem>> -> memref<128x128xf32, #tpu.memory_space<vmem>>
      tpu.wait_dma2 semaphore(%run_scoped3A_64 : memref<!tpu.dma_semaphore, #tpu.memory_space<semaphore_mem>>) src(%dma_wait3A_88 : memref<128x128xf32, #tpu.memory_space<vmem>>) dst(%dma_wait3A_84 : memref<128x128xf32, #tpu.memory_space<vmem_shared>>)
      tpu.yield
    }) : () -> ()
    %add3A_14 = arith.constant 256 : i32
    %add3A_15 = arith.addi %mul3A_8, %add3A_14 : i32
    %run_scoped3A_16 = arith.constant 0 : i32
    "tpu.region"() ({
      %run_scoped3A_64 = tpu.sem_alloc : memref<!tpu.dma_semaphore, #tpu.memory_space<semaphore_mem>>
      %dma_start3A_65 = arith.constant 0 : i32
      %dma_start3A_66 = arith.constant 0 : i32
      %dma_start3A_67 = tpu.memref_slice %arg6[%run_scoped3A_16, %dma_start3A_65, %dma_start3A_66] : memref<2x128x128xf32, #tpu.memory_space<vmem>> -> memref<1x128x128xf32, #tpu.memory_space<vmem>>
      %dma_start3A_68 = tpu.memref_squeeze %dma_start3A_67 : memref<1x128x128xf32, #tpu.memory_space<vmem>> -> memref<128x128xf32, #tpu.memory_space<vmem>>
      %dma_start3A_69 = arith.constant 0 : i32
      %dma_start3A_70 = tpu.memref_slice %arg7[%add3A_15, %dma_start3A_69] : memref<10240x128xf32, #tpu.memory_space<vmem_shared>> -> memref<128x128xf32, #tpu.memory_space<vmem_shared>>
      %dma_start3A_71 = arith.constant 0 : i32
      %dma_start3A_72 = tpu.memref_slice %arg7[%add3A_15, %dma_start3A_71] : memref<10240x128xf32, #tpu.memory_space<vmem_shared>> -> memref<128x128xf32, #tpu.memory_space<vmem_shared>>
      %dma_start3A_73 = arith.constant 0 : i32
      %dma_start3A_74 = arith.constant 0 : i32
      %dma_start3A_75 = tpu.memref_slice %arg6[%run_scoped3A_16, %dma_start3A_73, %dma_start3A_74] : memref<2x128x128xf32, #tpu.memory_space<vmem>> -> memref<1x128x128xf32, #tpu.memory_space<vmem>>
      %dma_start3A_76 = tpu.memref_squeeze %dma_start3A_75 : memref<1x128x128xf32, #tpu.memory_space<vmem>> -> memref<128x128xf32, #tpu.memory_space<vmem>>
      tpu.enqueue_dma source(%dma_start3A_76 : memref<128x128xf32, #tpu.memory_space<vmem>>) target(%dma_start3A_72 : memref<128x128xf32, #tpu.memory_space<vmem_shared>>) target_semaphore(%run_scoped3A_64 : memref<!tpu.dma_semaphore, #tpu.memory_space<semaphore_mem>>)
      %dma_wait3A_77 = arith.constant 0 : i32
      %dma_wait3A_78 = arith.constant 0 : i32
      %dma_wait3A_79 = tpu.memref_slice %arg6[%run_scoped3A_16, %dma_wait3A_77, %dma_wait3A_78] : memref<2x128x128xf32, #tpu.memory_space<vmem>> -> memref<1x128x128xf32, #tpu.memory_space<vmem>>
      %dma_wait3A_80 = tpu.memref_squeeze %dma_wait3A_79 : memref<1x128x128xf32, #tpu.memory_space<vmem>> -> memref<128x128xf32, #tpu.memory_space<vmem>>
      %dma_wait3A_81 = arith.constant 0 : i32
      %dma_wait3A_82 = tpu.memref_slice %arg7[%add3A_15, %dma_wait3A_81] : memref<10240x128xf32, #tpu.memory_space<vmem_shared>> -> memref<128x128xf32, #tpu.memory_space<vmem_shared>>
      %dma_wait3A_83 = arith.constant 0 : i32
      %dma_wait3A_84 = tpu.memref_slice %arg7[%add3A_15, %dma_wait3A_83] : memref<10240x128xf32, #tpu.memory_space<vmem_shared>> -> memref<128x128xf32, #tpu.memory_space<vmem_shared>>
      %dma_wait3A_85 = arith.constant 0 : i32
      %dma_wait3A_86 = arith.constant 0 : i32
      %dma_wait3A_87 = tpu.memref_slice %arg6[%run_scoped3A_16, %dma_wait3A_85, %dma_wait3A_86] : memref<2x128x128xf32, #tpu.memory_space<vmem>> -> memref<1x128x128xf32, #tpu.memory_space<vmem>>
      %dma_wait3A_88 = tpu.memref_squeeze %dma_wait3A_87 : memref<1x128x128xf32, #tpu.memory_space<vmem>> -> memref<128x128xf32, #tpu.memory_space<vmem>>
      tpu.wait_dma2 semaphore(%run_scoped3A_64 : memref<!tpu.dma_semaphore, #tpu.memory_space<semaphore_mem>>) src(%dma_wait3A_88 : memref<128x128xf32, #tpu.memory_space<vmem>>) dst(%dma_wait3A_84 : memref<128x128xf32, #tpu.memory_space<vmem_shared>>)
      tpu.yield
    }) : () -> ()
    %add3A_17 = arith.constant 384 : i32
    %add3A_18 = arith.addi %mul3A_8, %add3A_17 : i32
    %run_scoped3A_19 = arith.constant 0 : i32
    "tpu.region"() ({
      %run_scoped3A_64 = tpu.sem_alloc : memref<!tpu.dma_semaphore, #tpu.memory_space<semaphore_mem>>
      %dma_start3A_65 = arith.constant 0 : i32
      %dma_start3A_66 = arith.constant 0 : i32
      %dma_start3A_67 = tpu.memref_slice %arg6[%run_scoped3A_19, %dma_start3A_65, %dma_start3A_66] : memref<2x128x128xf32, #tpu.memory_space<vmem>> -> memref<1x128x128xf32, #tpu.memory_space<vmem>>
      %dma_start3A_68 = tpu.memref_squeeze %dma_start3A_67 : memref<1x128x128xf32, #tpu.memory_space<vmem>> -> memref<128x128xf32, #tpu.memory_space<vmem>>
      %dma_start3A_69 = arith.constant 0 : i32
      %dma_start3A_70 = tpu.memref_slice %arg7[%add3A_18, %dma_start3A_69] : memref<10240x128xf32, #tpu.memory_space<vmem_shared>> -> memref<128x128xf32, #tpu.memory_space<vmem_shared>>
      %dma_start3A_71 = arith.constant 0 : i32
      %dma_start3A_72 = tpu.memref_slice %arg7[%add3A_18, %dma_start3A_71] : memref<10240x128xf32, #tpu.memory_space<vmem_shared>> -> memref<128x128xf32, #tpu.memory_space<vmem_shared>>
      %dma_start3A_73 = arith.constant 0 : i32
      %dma_start3A_74 = arith.constant 0 : i32
      %dma_start3A_75 = tpu.memref_slice %arg6[%run_scoped3A_19, %dma_start3A_73, %dma_start3A_74] : memref<2x128x128xf32, #tpu.memory_space<vmem>> -> memref<1x128x128xf32, #tpu.memory_space<vmem>>
      %dma_start3A_76 = tpu.memref_squeeze %dma_start3A_75 : memref<1x128x128xf32, #tpu.memory_space<vmem>> -> memref<128x128xf32, #tpu.memory_space<vmem>>
      tpu.enqueue_dma source(%dma_start3A_76 : memref<128x128xf32, #tpu.memory_space<vmem>>) target(%dma_start3A_72 : memref<128x128xf32, #tpu.memory_space<vmem_shared>>) target_semaphore(%run_scoped3A_64 : memref<!tpu.dma_semaphore, #tpu.memory_space<semaphore_mem>>)
      %dma_wait3A_77 = arith.constant 0 : i32
      %dma_wait3A_78 = arith.constant 0 : i32
      %dma_wait3A_79 = tpu.memref_slice %arg6[%run_scoped3A_19, %dma_wait3A_77, %dma_wait3A_78] : memref<2x128x128xf32, #tpu.memory_space<vmem>> -> memref<1x128x128xf32, #tpu.memory_space<vmem>>
      %dma_wait3A_80 = tpu.memref_squeeze %dma_wait3A_79 : memref<1x128x128xf32, #tpu.memory_space<vmem>> -> memref<128x128xf32, #tpu.memory_space<vmem>>
      %dma_wait3A_81 = arith.constant 0 : i32
      %dma_wait3A_82 = tpu.memref_slice %arg7[%add3A_18, %dma_wait3A_81] : memref<10240x128xf32, #tpu.memory_space<vmem_shared>> -> memref<128x128xf32, #tpu.memory_space<vmem_shared>>
      %dma_wait3A_83 = arith.constant 0 : i32
      %dma_wait3A_84 = tpu.memref_slice %arg7[%add3A_18, %dma_wait3A_83] : memref<10240x128xf32, #tpu.memory_space<vmem_shared>> -> memref<128x128xf32, #tpu.memory_space<vmem_shared>>
      %dma_wait3A_85 = arith.constant 0 : i32
      %dma_wait3A_86 = arith.constant 0 : i32
      %dma_wait3A_87 = tpu.memref_slice %arg6[%run_scoped3A_19, %dma_wait3A_85, %dma_wait3A_86] : memref<2x128x128xf32, #tpu.memory_space<vmem>> -> memref<1x128x128xf32, #tpu.memory_space<vmem>>
      %dma_wait3A_88 = tpu.memref_squeeze %dma_wait3A_87 : memref<1x128x128xf32, #tpu.memory_space<vmem>> -> memref<128x128xf32, #tpu.memory_space<vmem>>
      tpu.wait_dma2 semaphore(%run_scoped3A_64 : memref<!tpu.dma_semaphore, #tpu.memory_space<semaphore_mem>>) src(%dma_wait3A_88 : memref<128x128xf32, #tpu.memory_space<vmem>>) dst(%dma_wait3A_84 : memref<128x128xf32, #tpu.memory_space<vmem_shared>>)
      tpu.yield
    }) : () -> ()
    %add3A_20 = arith.constant 512 : i32
    %add3A_21 = arith.addi %mul3A_8, %add3A_20 : i32
    %run_scoped3A_22 = arith.constant 0 : i32
    "tpu.region"() ({
      %run_scoped3A_64 = tpu.sem_alloc : memref<!tpu.dma_semaphore, #tpu.memory_space<semaphore_mem>>
      %dma_start3A_65 = arith.constant 0 : i32
      %dma_start3A_66 = arith.constant 0 : i32
      %dma_start3A_67 = tpu.memref_slice %arg6[%run_scoped3A_22, %dma_start3A_65, %dma_start3A_66] : memref<2x128x128xf32, #tpu.memory_space<vmem>> -> memref<1x128x128xf32, #tpu.memory_space<vmem>>
      %dma_start3A_68 = tpu.memref_squeeze %dma_start3A_67 : memref<1x128x128xf32, #tpu.memory_space<vmem>> -> memref<128x128xf32, #tpu.memory_space<vmem>>
      %dma_start3A_69 = arith.constant 0 : i32
      %dma_start3A_70 = tpu.memref_slice %arg7[%add3A_21, %dma_start3A_69] : memref<10240x128xf32, #tpu.memory_space<vmem_shared>> -> memref<128x128xf32, #tpu.memory_space<vmem_shared>>
      %dma_start3A_71 = arith.constant 0 : i32
      %dma_start3A_72 = tpu.memref_slice %arg7[%add3A_21, %dma_start3A_71] : memref<10240x128xf32, #tpu.memory_space<vmem_shared>> -> memref<128x128xf32, #tpu.memory_space<vmem_shared>>
      %dma_start3A_73 = arith.constant 0 : i32
      %dma_start3A_74 = arith.constant 0 : i32
      %dma_start3A_75 = tpu.memref_slice %arg6[%run_scoped3A_22, %dma_start3A_73, %dma_start3A_74] : memref<2x128x128xf32, #tpu.memory_space<vmem>> -> memref<1x128x128xf32, #tpu.memory_space<vmem>>
      %dma_start3A_76 = tpu.memref_squeeze %dma_start3A_75 : memref<1x128x128xf32, #tpu.memory_space<vmem>> -> memref<128x128xf32, #tpu.memory_space<vmem>>
      tpu.enqueue_dma source(%dma_start3A_76 : memref<128x128xf32, #tpu.memory_space<vmem>>) target(%dma_start3A_72 : memref<128x128xf32, #tpu.memory_space<vmem_shared>>) target_semaphore(%run_scoped3A_64 : memref<!tpu.dma_semaphore, #tpu.memory_space<semaphore_mem>>)
      %dma_wait3A_77 = arith.constant 0 : i32
      %dma_wait3A_78 = arith.constant 0 : i32
      %dma_wait3A_79 = tpu.memref_slice %arg6[%run_scoped3A_22, %dma_wait3A_77, %dma_wait3A_78] : memref<2x128x128xf32, #tpu.memory_space<vmem>> -> memref<1x128x128xf32, #tpu.memory_space<vmem>>
      %dma_wait3A_80 = tpu.memref_squeeze %dma_wait3A_79 : memref<1x128x128xf32, #tpu.memory_space<vmem>> -> memref<128x128xf32, #tpu.memory_space<vmem>>
      %dma_wait3A_81 = arith.constant 0 : i32
      %dma_wait3A_82 = tpu.memref_slice %arg7[%add3A_21, %dma_wait3A_81] : memref<10240x128xf32, #tpu.memory_space<vmem_shared>> -> memref<128x128xf32, #tpu.memory_space<vmem_shared>>
      %dma_wait3A_83 = arith.constant 0 : i32
      %dma_wait3A_84 = tpu.memref_slice %arg7[%add3A_21, %dma_wait3A_83] : memref<10240x128xf32, #tpu.memory_space<vmem_shared>> -> memref<128x128xf32, #tpu.memory_space<vmem_shared>>
      %dma_wait3A_85 = arith.constant 0 : i32
      %dma_wait3A_86 = arith.constant 0 : i32
      %dma_wait3A_87 = tpu.memref_slice %arg6[%run_scoped3A_22, %dma_wait3A_85, %dma_wait3A_86] : memref<2x128x128xf32, #tpu.memory_space<vmem>> -> memref<1x128x128xf32, #tpu.memory_space<vmem>>
      %dma_wait3A_88 = tpu.memref_squeeze %dma_wait3A_87 : memref<1x128x128xf32, #tpu.memory_space<vmem>> -> memref<128x128xf32, #tpu.memory_space<vmem>>
      tpu.wait_dma2 semaphore(%run_scoped3A_64 : memref<!tpu.dma_semaphore, #tpu.memory_space<semaphore_mem>>) src(%dma_wait3A_88 : memref<128x128xf32, #tpu.memory_space<vmem>>) dst(%dma_wait3A_84 : memref<128x128xf32, #tpu.memory_space<vmem_shared>>)
      tpu.yield
    }) : () -> ()
    %barrier3A = arith.constant 0 : index
    tpu.barrier barrier_id(%barrier3A)
    %mul3A_23 = arith.constant 160 : i32
    %mul3A_24 = arith.muli %add3A, %mul3A_23 : i32
    %add3A_25 = arith.constant 0 : i32
    %add3A_26 = arith.addi %mul3A_24, %add3A_25 : i32
    %dma_start3A = arith.constant 0 : i32
    %dma_start3A_27 = tpu.memref_slice %arg3[%add3A_26, %dma_start3A] : memref<5120x128xi32, #tpu.memory_space<hbm>> -> memref<80x128xi32, #tpu.memory_space<hbm>>
    %dma_start3A_28 = arith.constant 0 : i32
    %dma_start3A_29 = tpu.memref_slice %arg3[%add3A_26, %dma_start3A_28] : memref<5120x128xi32, #tpu.memory_space<hbm>> -> memref<80x128xi32, #tpu.memory_space<hbm>>
    tpu.enqueue_dma source(%dma_start3A_29 : memref<80x128xi32, #tpu.memory_space<hbm>>) target(%arg5 : memref<80x128xi32, #tpu.memory_space<vmem>>) target_semaphore(%arg8 : memref<!tpu.dma_semaphore, #tpu.memory_space<semaphore_mem>>)
    %dma_wait3A = arith.constant 0 : i32
    %dma_wait3A_30 = tpu.memref_slice %arg3[%add3A_26, %dma_wait3A] : memref<5120x128xi32, #tpu.memory_space<hbm>> -> memref<80x128xi32, #tpu.memory_space<hbm>>
    %dma_wait3A_31 = arith.constant 0 : i32
    %dma_wait3A_32 = tpu.memref_slice %arg3[%add3A_26, %dma_wait3A_31] : memref<5120x128xi32, #tpu.memory_space<hbm>> -> memref<80x128xi32, #tpu.memory_space<hbm>>
    tpu.wait_dma2 semaphore(%arg8 : memref<!tpu.dma_semaphore, #tpu.memory_space<semaphore_mem>>) src(%dma_wait3A_32 : memref<80x128xi32, #tpu.memory_space<hbm>>) dst(%arg5 : memref<80x128xi32, #tpu.memory_space<vmem>>)
    %scan3A_33 = arith.constant 0 : i32
    %scan3A_34 = arith.constant 0 : i32
    %scan3A_35 = arith.constant 20 : i32
    %scan3A_36 = arith.addi %scan3A_34, %scan3A_35 : i32
    %scan3A_37 = arith.constant 1 : i32
    scf.for %scan3A_64 = %scan3A_34 to %scan3A_36 step %scan3A_37  : i32 {
      %mul3A_65 = arith.constant 4 : i32
      %mul3A_66 = arith.muli %scan3A_64, %mul3A_65 : i32
      %add3A_67 = arith.constant 0 : i32
      %add3A_68 = arith.addi %mul3A_66, %add3A_67 : i32
      %dma_start3A_69 = arith.constant 0 : i32
      %dma_start3A_70 = arith.constant 0 : i32
      %dma_start3A_71 = arith.constant 0 : i32
      %dma_start3A_72 = tpu.memref_slice %arg6[%dma_start3A_69, %dma_start3A_70, %dma_start3A_71] : memref<2x128x128xf32, #tpu.memory_space<vmem>> -> memref<1x128x128xf32, #tpu.memory_space<vmem>>
      %dma_start3A_73 = tpu.memref_squeeze %dma_start3A_72 : memref<1x128x128xf32, #tpu.memory_space<vmem>> -> memref<128x128xf32, #tpu.memory_space<vmem>>
      %dma_start3A_74 = arith.constant 0 : i32
      %dma_start3A_75 = tpu.memref_slice %arg5[%add3A_68, %dma_start3A_74] : memref<80x128xi32, #tpu.memory_space<vmem>> -> memref<1x128xi32, #tpu.memory_space<vmem>>
      %dma_start3A_76 = tpu.memref_squeeze %dma_start3A_75 : memref<1x128xi32, #tpu.memory_space<vmem>> -> memref<128xi32, #tpu.memory_space<vmem>>
      %dma_start3A_77 = arith.constant 0 : i32
      %dma_start3A_78 = arith.constant 0 : i32
      %dma_start3A_79 = tpu.memref_slice %arg2[%dma_start3A_77, %dma_start3A_78] : memref<10000x128xf32, #tpu.memory_space<hbm>> -> memref<10000x128xf32, #tpu.memory_space<hbm>>
      tpu.enqueue_indirect_dma source(%dma_start3A_79 : memref<10000x128xf32, #tpu.memory_space<hbm>>) target(%dma_start3A_73 : memref<128x128xf32, #tpu.memory_space<vmem>>) offsets(%dma_start3A_76 : memref<128xi32, #tpu.memory_space<vmem>>) semaphore(%arg9 : memref<!tpu.dma_semaphore, #tpu.memory_space<semaphore_mem>>)
      %add3A_80 = arith.constant 2 : i32
      %add3A_81 = arith.addi %mul3A_66, %add3A_80 : i32
      %dma_start3A_82 = arith.constant 1 : i32
      %dma_start3A_83 = arith.constant 0 : i32
      %dma_start3A_84 = arith.constant 0 : i32
      %dma_start3A_85 = tpu.memref_slice %arg6[%dma_start3A_82, %dma_start3A_83, %dma_start3A_84] : memref<2x128x128xf32, #tpu.memory_space<vmem>> -> memref<1x128x128xf32, #tpu.memory_space<vmem>>
      %dma_start3A_86 = tpu.memref_squeeze %dma_start3A_85 : memref<1x128x128xf32, #tpu.memory_space<vmem>> -> memref<128x128xf32, #tpu.memory_space<vmem>>
      %dma_start3A_87 = arith.constant 0 : i32
      %dma_start3A_88 = tpu.memref_slice %arg5[%add3A_81, %dma_start3A_87] : memref<80x128xi32, #tpu.memory_space<vmem>> -> memref<1x128xi32, #tpu.memory_space<vmem>>
      %dma_start3A_89 = tpu.memref_squeeze %dma_start3A_88 : memref<1x128xi32, #tpu.memory_space<vmem>> -> memref<128xi32, #tpu.memory_space<vmem>>
      %dma_start3A_90 = arith.constant 0 : i32
      %dma_start3A_91 = arith.constant 0 : i32
      %dma_start3A_92 = tpu.memref_slice %arg2[%dma_start3A_90, %dma_start3A_91] : memref<10000x128xf32, #tpu.memory_space<hbm>> -> memref<10000x128xf32, #tpu.memory_space<hbm>>
      tpu.enqueue_indirect_dma source(%dma_start3A_92 : memref<10000x128xf32, #tpu.memory_space<hbm>>) target(%dma_start3A_86 : memref<128x128xf32, #tpu.memory_space<vmem>>) offsets(%dma_start3A_89 : memref<128xi32, #tpu.memory_space<vmem>>) semaphore(%arg9 : memref<!tpu.dma_semaphore, #tpu.memory_space<semaphore_mem>>)
      %dma_wait3A_93 = arith.constant 0 : i32
      %dma_wait3A_94 = arith.constant 0 : i32
      %dma_wait3A_95 = arith.constant 0 : i32
      %dma_wait3A_96 = tpu.memref_slice %arg6[%dma_wait3A_93, %dma_wait3A_94, %dma_wait3A_95] : memref<2x128x128xf32, #tpu.memory_space<vmem>> -> memref<1x128x128xf32, #tpu.memory_space<vmem>>
      %dma_wait3A_97 = tpu.memref_squeeze %dma_wait3A_96 : memref<1x128x128xf32, #tpu.memory_space<vmem>> -> memref<128x128xf32, #tpu.memory_space<vmem>>
      %dma_wait3A_98 = arith.constant 0 : i32
      %dma_wait3A_99 = tpu.memref_slice %arg5[%add3A_68, %dma_wait3A_98] : memref<80x128xi32, #tpu.memory_space<vmem>> -> memref<1x128xi32, #tpu.memory_space<vmem>>
      %dma_wait3A_100 = tpu.memref_squeeze %dma_wait3A_99 : memref<1x128xi32, #tpu.memory_space<vmem>> -> memref<128xi32, #tpu.memory_space<vmem>>
      %dma_wait3A_101 = arith.constant 0 : i32
      %dma_wait3A_102 = arith.constant 0 : i32
      %dma_wait3A_103 = tpu.memref_slice %arg2[%dma_wait3A_101, %dma_wait3A_102] : memref<10000x128xf32, #tpu.memory_space<hbm>> -> memref<10000x128xf32, #tpu.memory_space<hbm>>
      tpu.wait_indirect_dma semaphore(%arg9 : memref<!tpu.dma_semaphore, #tpu.memory_space<semaphore_mem>>) src(%dma_wait3A_103 : memref<10000x128xf32, #tpu.memory_space<hbm>>) dst(%dma_wait3A_97 : memref<128x128xf32, #tpu.memory_space<vmem>>)
      %add3A_104 = arith.constant 0 : i32
      %add3A_105 = arith.addi %mul3A_66, %add3A_104 : i32
      %add3A_106 = arith.constant 1 : i32
      %add3A_107 = arith.addi %add3A_105, %add3A_106 : i32
      %dma_start3A_108 = arith.constant 0 : i32
      %dma_start3A_109 = arith.constant 0 : i32
      %dma_start3A_110 = arith.constant 0 : i32
      %dma_start3A_111 = tpu.memref_slice %arg6[%dma_start3A_108, %dma_start3A_109, %dma_start3A_110] : memref<2x128x128xf32, #tpu.memory_space<vmem>> -> memref<1x128x128xf32, #tpu.memory_space<vmem>>
      %dma_start3A_112 = tpu.memref_squeeze %dma_start3A_111 : memref<1x128x128xf32, #tpu.memory_space<vmem>> -> memref<128x128xf32, #tpu.memory_space<vmem>>
      %dma_start3A_113 = arith.constant 0 : i32
      %dma_start3A_114 = tpu.memref_slice %arg5[%add3A_107, %dma_start3A_113] : memref<80x128xi32, #tpu.memory_space<vmem>> -> memref<1x128xi32, #tpu.memory_space<vmem>>
      %dma_start3A_115 = tpu.memref_squeeze %dma_start3A_114 : memref<1x128xi32, #tpu.memory_space<vmem>> -> memref<128xi32, #tpu.memory_space<vmem>>
      %dma_start3A_116 = arith.constant 0 : i32
      %dma_start3A_117 = arith.constant 0 : i32
      %dma_start3A_118 = tpu.memref_slice %arg7[%dma_start3A_116, %dma_start3A_117] : memref<10240x128xf32, #tpu.memory_space<vmem_shared>> -> memref<10240x128xf32, #tpu.memory_space<vmem_shared>>
      tpu.enqueue_indirect_dma source(%dma_start3A_112 : memref<128x128xf32, #tpu.memory_space<vmem>>) target(%dma_start3A_118 : memref<10240x128xf32, #tpu.memory_space<vmem_shared>>) offsets(%dma_start3A_115 : memref<128xi32, #tpu.memory_space<vmem>>) semaphore(%arg10 : memref<!tpu.dma_semaphore, #tpu.memory_space<semaphore_mem>>) {add = true}
      %dma_wait3A_119 = arith.constant 1 : i32
      %dma_wait3A_120 = arith.constant 0 : i32
      %dma_wait3A_121 = arith.constant 0 : i32
      %dma_wait3A_122 = tpu.memref_slice %arg6[%dma_wait3A_119, %dma_wait3A_120, %dma_wait3A_121] : memref<2x128x128xf32, #tpu.memory_space<vmem>> -> memref<1x128x128xf32, #tpu.memory_space<vmem>>
      %dma_wait3A_123 = tpu.memref_squeeze %dma_wait3A_122 : memref<1x128x128xf32, #tpu.memory_space<vmem>> -> memref<128x128xf32, #tpu.memory_space<vmem>>
      %dma_wait3A_124 = arith.constant 0 : i32
      %dma_wait3A_125 = tpu.memref_slice %arg5[%add3A_81, %dma_wait3A_124] : memref<80x128xi32, #tpu.memory_space<vmem>> -> memref<1x128xi32, #tpu.memory_space<vmem>>
      %dma_wait3A_126 = tpu.memref_squeeze %dma_wait3A_125 : memref<1x128xi32, #tpu.memory_space<vmem>> -> memref<128xi32, #tpu.memory_space<vmem>>
      %dma_wait3A_127 = arith.constant 0 : i32
      %dma_wait3A_128 = arith.constant 0 : i32
      %dma_wait3A_129 = tpu.memref_slice %arg2[%dma_wait3A_127, %dma_wait3A_128] : memref<10000x128xf32, #tpu.memory_space<hbm>> -> memref<10000x128xf32, #tpu.memory_space<hbm>>
      tpu.wait_indirect_dma semaphore(%arg9 : memref<!tpu.dma_semaphore, #tpu.memory_space<semaphore_mem>>) src(%dma_wait3A_129 : memref<10000x128xf32, #tpu.memory_space<hbm>>) dst(%dma_wait3A_123 : memref<128x128xf32, #tpu.memory_space<vmem>>)
      %add3A_130 = arith.constant 2 : i32
      %add3A_131 = arith.addi %mul3A_66, %add3A_130 : i32
      %add3A_132 = arith.constant 1 : i32
      %add3A_133 = arith.addi %add3A_131, %add3A_132 : i32
      %dma_start3A_134 = arith.constant 1 : i32
      %dma_start3A_135 = arith.constant 0 : i32
      %dma_start3A_136 = arith.constant 0 : i32
      %dma_start3A_137 = tpu.memref_slice %arg6[%dma_start3A_134, %dma_start3A_135, %dma_start3A_136] : memref<2x128x128xf32, #tpu.memory_space<vmem>> -> memref<1x128x128xf32, #tpu.memory_space<vmem>>
      %dma_start3A_138 = tpu.memref_squeeze %dma_start3A_137 : memref<1x128x128xf32, #tpu.memory_space<vmem>> -> memref<128x128xf32, #tpu.memory_space<vmem>>
      %dma_start3A_139 = arith.constant 0 : i32
      %dma_start3A_140 = tpu.memref_slice %arg5[%add3A_133, %dma_start3A_139] : memref<80x128xi32, #tpu.memory_space<vmem>> -> memref<1x128xi32, #tpu.memory_space<vmem>>
      %dma_start3A_141 = tpu.memref_squeeze %dma_start3A_140 : memref<1x128xi32, #tpu.memory_space<vmem>> -> memref<128xi32, #tpu.memory_space<vmem>>
      %dma_start3A_142 = arith.constant 0 : i32
      %dma_start3A_143 = arith.constant 0 : i32
      %dma_start3A_144 = tpu.memref_slice %arg7[%dma_start3A_142, %dma_start3A_143] : memref<10240x128xf32, #tpu.memory_space<vmem_shared>> -> memref<10240x128xf32, #tpu.memory_space<vmem_shared>>
      tpu.enqueue_indirect_dma source(%dma_start3A_138 : memref<128x128xf32, #tpu.memory_space<vmem>>) target(%dma_start3A_144 : memref<10240x128xf32, #tpu.memory_space<vmem_shared>>) offsets(%dma_start3A_141 : memref<128xi32, #tpu.memory_space<vmem>>) semaphore(%arg10 : memref<!tpu.dma_semaphore, #tpu.memory_space<semaphore_mem>>) {add = true}
      %dma_wait3A_145 = arith.constant 0 : i32
      %dma_wait3A_146 = arith.constant 0 : i32
      %dma_wait3A_147 = arith.constant 0 : i32
      %dma_wait3A_148 = tpu.memref_slice %arg6[%dma_wait3A_145, %dma_wait3A_146, %dma_wait3A_147] : memref<2x128x128xf32, #tpu.memory_space<vmem>> -> memref<1x128x128xf32, #tpu.memory_space<vmem>>
      %dma_wait3A_149 = tpu.memref_squeeze %dma_wait3A_148 : memref<1x128x128xf32, #tpu.memory_space<vmem>> -> memref<128x128xf32, #tpu.memory_space<vmem>>
      %dma_wait3A_150 = arith.constant 0 : i32
      %dma_wait3A_151 = tpu.memref_slice %arg5[%add3A_107, %dma_wait3A_150] : memref<80x128xi32, #tpu.memory_space<vmem>> -> memref<1x128xi32, #tpu.memory_space<vmem>>
      %dma_wait3A_152 = tpu.memref_squeeze %dma_wait3A_151 : memref<1x128xi32, #tpu.memory_space<vmem>> -> memref<128xi32, #tpu.memory_space<vmem>>
      %dma_wait3A_153 = arith.constant 0 : i32
      %dma_wait3A_154 = arith.constant 0 : i32
      %dma_wait3A_155 = tpu.memref_slice %arg7[%dma_wait3A_153, %dma_wait3A_154] : memref<10240x128xf32, #tpu.memory_space<vmem_shared>> -> memref<10240x128xf32, #tpu.memory_space<vmem_shared>>
      tpu.wait_indirect_dma semaphore(%arg10 : memref<!tpu.dma_semaphore, #tpu.memory_space<semaphore_mem>>) src(%dma_wait3A_149 : memref<128x128xf32, #tpu.memory_space<vmem>>) dst(%dma_wait3A_155 : memref<10240x128xf32, #tpu.memory_space<vmem_shared>>)
      %dma_wait3A_156 = arith.constant 1 : i32
      %dma_wait3A_157 = arith.constant 0 : i32
      %dma_wait3A_158 = arith.constant 0 : i32
      %dma_wait3A_159 = tpu.memref_slice %arg6[%dma_wait3A_156, %dma_wait3A_157, %dma_wait3A_158] : memref<2x128x128xf32, #tpu.memory_space<vmem>> -> memref<1x128x128xf32, #tpu.memory_space<vmem>>
      %dma_wait3A_160 = tpu.memref_squeeze %dma_wait3A_159 : memref<1x128x128xf32, #tpu.memory_space<vmem>> -> memref<128x128xf32, #tpu.memory_space<vmem>>
      %dma_wait3A_161 = arith.constant 0 : i32
      %dma_wait3A_162 = tpu.memref_slice %arg5[%add3A_133, %dma_wait3A_161] : memref<80x128xi32, #tpu.memory_space<vmem>> -> memref<1x128xi32, #tpu.memory_space<vmem>>
      %dma_wait3A_163 = tpu.memref_squeeze %dma_wait3A_162 : memref<1x128xi32, #tpu.memory_space<vmem>> -> memref<128xi32, #tpu.memory_space<vmem>>
      %dma_wait3A_164 = arith.constant 0 : i32
      %dma_wait3A_165 = arith.constant 0 : i32
      %dma_wait3A_166 = tpu.memref_slice %arg7[%dma_wait3A_164, %dma_wait3A_165] : memref<10240x128xf32, #tpu.memory_space<vmem_shared>> -> memref<10240x128xf32, #tpu.memory_space<vmem_shared>>
      tpu.wait_indirect_dma semaphore(%arg10 : memref<!tpu.dma_semaphore, #tpu.memory_space<semaphore_mem>>) src(%dma_wait3A_160 : memref<128x128xf32, #tpu.memory_space<vmem>>) dst(%dma_wait3A_166 : memref<10240x128xf32, #tpu.memory_space<vmem_shared>>)
    }
    %scan3A_38 = arith.constant 20 : i32
    %mul3A_39 = arith.constant 160 : i32
    %mul3A_40 = arith.muli %add3A, %mul3A_39 : i32
    %add3A_41 = arith.constant 80 : i32
    %add3A_42 = arith.addi %mul3A_40, %add3A_41 : i32
    %dma_start3A_43 = arith.constant 0 : i32
    %dma_start3A_44 = tpu.memref_slice %arg3[%add3A_42, %dma_start3A_43] : memref<5120x128xi32, #tpu.memory_space<hbm>> -> memref<80x128xi32, #tpu.memory_space<hbm>>
    %dma_start3A_45 = arith.constant 0 : i32
    %dma_start3A_46 = tpu.memref_slice %arg3[%add3A_42, %dma_start3A_45] : memref<5120x128xi32, #tpu.memory_space<hbm>> -> memref<80x128xi32, #tpu.memory_space<hbm>>
    tpu.enqueue_dma source(%dma_start3A_46 : memref<80x128xi32, #tpu.memory_space<hbm>>) target(%arg5 : memref<80x128xi32, #tpu.memory_space<vmem>>) target_semaphore(%arg8 : memref<!tpu.dma_semaphore, #tpu.memory_space<semaphore_mem>>)
    %dma_wait3A_47 = arith.constant 0 : i32
    %dma_wait3A_48 = tpu.memref_slice %arg3[%add3A_42, %dma_wait3A_47] : memref<5120x128xi32, #tpu.memory_space<hbm>> -> memref<80x128xi32, #tpu.memory_space<hbm>>
    %dma_wait3A_49 = arith.constant 0 : i32
    %dma_wait3A_50 = tpu.memref_slice %arg3[%add3A_42, %dma_wait3A_49] : memref<5120x128xi32, #tpu.memory_space<hbm>> -> memref<80x128xi32, #tpu.memory_space<hbm>>
    tpu.wait_dma2 semaphore(%arg8 : memref<!tpu.dma_semaphore, #tpu.memory_space<semaphore_mem>>) src(%dma_wait3A_50 : memref<80x128xi32, #tpu.memory_space<hbm>>) dst(%arg5 : memref<80x128xi32, #tpu.memory_space<vmem>>)
    %scan3A_51 = arith.constant 0 : i32
    %scan3A_52 = arith.constant 0 : i32
    %scan3A_53 = arith.constant 20 : i32
    %scan3A_54 = arith.addi %scan3A_52, %scan3A_53 : i32
    %scan3A_55 = arith.constant 1 : i32
    scf.for %scan3A_64 = %scan3A_52 to %scan3A_54 step %scan3A_55  : i32 {
      %mul3A_65 = arith.constant 4 : i32
      %mul3A_66 = arith.muli %scan3A_64, %mul3A_65 : i32
      %add3A_67 = arith.constant 0 : i32
      %add3A_68 = arith.addi %mul3A_66, %add3A_67 : i32
      %dma_start3A_69 = arith.constant 0 : i32
      %dma_start3A_70 = arith.constant 0 : i32
      %dma_start3A_71 = arith.constant 0 : i32
      %dma_start3A_72 = tpu.memref_slice %arg6[%dma_start3A_69, %dma_start3A_70, %dma_start3A_71] : memref<2x128x128xf32, #tpu.memory_space<vmem>> -> memref<1x128x128xf32, #tpu.memory_space<vmem>>
      %dma_start3A_73 = tpu.memref_squeeze %dma_start3A_72 : memref<1x128x128xf32, #tpu.memory_space<vmem>> -> memref<128x128xf32, #tpu.memory_space<vmem>>
      %dma_start3A_74 = arith.constant 0 : i32
      %dma_start3A_75 = tpu.memref_slice %arg5[%add3A_68, %dma_start3A_74] : memref<80x128xi32, #tpu.memory_space<vmem>> -> memref<1x128xi32, #tpu.memory_space<vmem>>
      %dma_start3A_76 = tpu.memref_squeeze %dma_start3A_75 : memref<1x128xi32, #tpu.memory_space<vmem>> -> memref<128xi32, #tpu.memory_space<vmem>>
      %dma_start3A_77 = arith.constant 0 : i32
      %dma_start3A_78 = arith.constant 0 : i32
      %dma_start3A_79 = tpu.memref_slice %arg2[%dma_start3A_77, %dma_start3A_78] : memref<10000x128xf32, #tpu.memory_space<hbm>> -> memref<10000x128xf32, #tpu.memory_space<hbm>>
      tpu.enqueue_indirect_dma source(%dma_start3A_79 : memref<10000x128xf32, #tpu.memory_space<hbm>>) target(%dma_start3A_73 : memref<128x128xf32, #tpu.memory_space<vmem>>) offsets(%dma_start3A_76 : memref<128xi32, #tpu.memory_space<vmem>>) semaphore(%arg9 : memref<!tpu.dma_semaphore, #tpu.memory_space<semaphore_mem>>)
      %add3A_80 = arith.constant 2 : i32
      %add3A_81 = arith.addi %mul3A_66, %add3A_80 : i32
      %dma_start3A_82 = arith.constant 1 : i32
      %dma_start3A_83 = arith.constant 0 : i32
      %dma_start3A_84 = arith.constant 0 : i32
      %dma_start3A_85 = tpu.memref_slice %arg6[%dma_start3A_82, %dma_start3A_83, %dma_start3A_84] : memref<2x128x128xf32, #tpu.memory_space<vmem>> -> memref<1x128x128xf32, #tpu.memory_space<vmem>>
      %dma_start3A_86 = tpu.memref_squeeze %dma_start3A_85 : memref<1x128x128xf32, #tpu.memory_space<vmem>> -> memref<128x128xf32, #tpu.memory_space<vmem>>
      %dma_start3A_87 = arith.constant 0 : i32
      %dma_start3A_88 = tpu.memref_slice %arg5[%add3A_81, %dma_start3A_87] : memref<80x128xi32, #tpu.memory_space<vmem>> -> memref<1x128xi32, #tpu.memory_space<vmem>>
      %dma_start3A_89 = tpu.memref_squeeze %dma_start3A_88 : memref<1x128xi32, #tpu.memory_space<vmem>> -> memref<128xi32, #tpu.memory_space<vmem>>
      %dma_start3A_90 = arith.constant 0 : i32
      %dma_start3A_91 = arith.constant 0 : i32
      %dma_start3A_92 = tpu.memref_slice %arg2[%dma_start3A_90, %dma_start3A_91] : memref<10000x128xf32, #tpu.memory_space<hbm>> -> memref<10000x128xf32, #tpu.memory_space<hbm>>
      tpu.enqueue_indirect_dma source(%dma_start3A_92 : memref<10000x128xf32, #tpu.memory_space<hbm>>) target(%dma_start3A_86 : memref<128x128xf32, #tpu.memory_space<vmem>>) offsets(%dma_start3A_89 : memref<128xi32, #tpu.memory_space<vmem>>) semaphore(%arg9 : memref<!tpu.dma_semaphore, #tpu.memory_space<semaphore_mem>>)
      %dma_wait3A_93 = arith.constant 0 : i32
      %dma_wait3A_94 = arith.constant 0 : i32
      %dma_wait3A_95 = arith.constant 0 : i32
      %dma_wait3A_96 = tpu.memref_slice %arg6[%dma_wait3A_93, %dma_wait3A_94, %dma_wait3A_95] : memref<2x128x128xf32, #tpu.memory_space<vmem>> -> memref<1x128x128xf32, #tpu.memory_space<vmem>>
      %dma_wait3A_97 = tpu.memref_squeeze %dma_wait3A_96 : memref<1x128x128xf32, #tpu.memory_space<vmem>> -> memref<128x128xf32, #tpu.memory_space<vmem>>
      %dma_wait3A_98 = arith.constant 0 : i32
      %dma_wait3A_99 = tpu.memref_slice %arg5[%add3A_68, %dma_wait3A_98] : memref<80x128xi32, #tpu.memory_space<vmem>> -> memref<1x128xi32, #tpu.memory_space<vmem>>
      %dma_wait3A_100 = tpu.memref_squeeze %dma_wait3A_99 : memref<1x128xi32, #tpu.memory_space<vmem>> -> memref<128xi32, #tpu.memory_space<vmem>>
      %dma_wait3A_101 = arith.constant 0 : i32
      %dma_wait3A_102 = arith.constant 0 : i32
      %dma_wait3A_103 = tpu.memref_slice %arg2[%dma_wait3A_101, %dma_wait3A_102] : memref<10000x128xf32, #tpu.memory_space<hbm>> -> memref<10000x128xf32, #tpu.memory_space<hbm>>
      tpu.wait_indirect_dma semaphore(%arg9 : memref<!tpu.dma_semaphore, #tpu.memory_space<semaphore_mem>>) src(%dma_wait3A_103 : memref<10000x128xf32, #tpu.memory_space<hbm>>) dst(%dma_wait3A_97 : memref<128x128xf32, #tpu.memory_space<vmem>>)
      %add3A_104 = arith.constant 0 : i32
      %add3A_105 = arith.addi %mul3A_66, %add3A_104 : i32
      %add3A_106 = arith.constant 1 : i32
      %add3A_107 = arith.addi %add3A_105, %add3A_106 : i32
      %dma_start3A_108 = arith.constant 0 : i32
      %dma_start3A_109 = arith.constant 0 : i32
      %dma_start3A_110 = arith.constant 0 : i32
      %dma_start3A_111 = tpu.memref_slice %arg6[%dma_start3A_108, %dma_start3A_109, %dma_start3A_110] : memref<2x128x128xf32, #tpu.memory_space<vmem>> -> memref<1x128x128xf32, #tpu.memory_space<vmem>>
      %dma_start3A_112 = tpu.memref_squeeze %dma_start3A_111 : memref<1x128x128xf32, #tpu.memory_space<vmem>> -> memref<128x128xf32, #tpu.memory_space<vmem>>
      %dma_start3A_113 = arith.constant 0 : i32
      %dma_start3A_114 = tpu.memref_slice %arg5[%add3A_107, %dma_start3A_113] : memref<80x128xi32, #tpu.memory_space<vmem>> -> memref<1x128xi32, #tpu.memory_space<vmem>>
      %dma_start3A_115 = tpu.memref_squeeze %dma_start3A_114 : memref<1x128xi32, #tpu.memory_space<vmem>> -> memref<128xi32, #tpu.memory_space<vmem>>
      %dma_start3A_116 = arith.constant 0 : i32
      %dma_start3A_117 = arith.constant 0 : i32
      %dma_start3A_118 = tpu.memref_slice %arg7[%dma_start3A_116, %dma_start3A_117] : memref<10240x128xf32, #tpu.memory_space<vmem_shared>> -> memref<10240x128xf32, #tpu.memory_space<vmem_shared>>
      tpu.enqueue_indirect_dma source(%dma_start3A_112 : memref<128x128xf32, #tpu.memory_space<vmem>>) target(%dma_start3A_118 : memref<10240x128xf32, #tpu.memory_space<vmem_shared>>) offsets(%dma_start3A_115 : memref<128xi32, #tpu.memory_space<vmem>>) semaphore(%arg10 : memref<!tpu.dma_semaphore, #tpu.memory_space<semaphore_mem>>) {add = true}
      %dma_wait3A_119 = arith.constant 1 : i32
      %dma_wait3A_120 = arith.constant 0 : i32
      %dma_wait3A_121 = arith.constant 0 : i32
      %dma_wait3A_122 = tpu.memref_slice %arg6[%dma_wait3A_119, %dma_wait3A_120, %dma_wait3A_121] : memref<2x128x128xf32, #tpu.memory_space<vmem>> -> memref<1x128x128xf32, #tpu.memory_space<vmem>>
      %dma_wait3A_123 = tpu.memref_squeeze %dma_wait3A_122 : memref<1x128x128xf32, #tpu.memory_space<vmem>> -> memref<128x128xf32, #tpu.memory_space<vmem>>
      %dma_wait3A_124 = arith.constant 0 : i32
      %dma_wait3A_125 = tpu.memref_slice %arg5[%add3A_81, %dma_wait3A_124] : memref<80x128xi32, #tpu.memory_space<vmem>> -> memref<1x128xi32, #tpu.memory_space<vmem>>
      %dma_wait3A_126 = tpu.memref_squeeze %dma_wait3A_125 : memref<1x128xi32, #tpu.memory_space<vmem>> -> memref<128xi32, #tpu.memory_space<vmem>>
      %dma_wait3A_127 = arith.constant 0 : i32
      %dma_wait3A_128 = arith.constant 0 : i32
      %dma_wait3A_129 = tpu.memref_slice %arg2[%dma_wait3A_127, %dma_wait3A_128] : memref<10000x128xf32, #tpu.memory_space<hbm>> -> memref<10000x128xf32, #tpu.memory_space<hbm>>
      tpu.wait_indirect_dma semaphore(%arg9 : memref<!tpu.dma_semaphore, #tpu.memory_space<semaphore_mem>>) src(%dma_wait3A_129 : memref<10000x128xf32, #tpu.memory_space<hbm>>) dst(%dma_wait3A_123 : memref<128x128xf32, #tpu.memory_space<vmem>>)
      %add3A_130 = arith.constant 2 : i32
      %add3A_131 = arith.addi %mul3A_66, %add3A_130 : i32
      %add3A_132 = arith.constant 1 : i32
      %add3A_133 = arith.addi %add3A_131, %add3A_132 : i32
      %dma_start3A_134 = arith.constant 1 : i32
      %dma_start3A_135 = arith.constant 0 : i32
      %dma_start3A_136 = arith.constant 0 : i32
      %dma_start3A_137 = tpu.memref_slice %arg6[%dma_start3A_134, %dma_start3A_135, %dma_start3A_136] : memref<2x128x128xf32, #tpu.memory_space<vmem>> -> memref<1x128x128xf32, #tpu.memory_space<vmem>>
      %dma_start3A_138 = tpu.memref_squeeze %dma_start3A_137 : memref<1x128x128xf32, #tpu.memory_space<vmem>> -> memref<128x128xf32, #tpu.memory_space<vmem>>
      %dma_start3A_139 = arith.constant 0 : i32
      %dma_start3A_140 = tpu.memref_slice %arg5[%add3A_133, %dma_start3A_139] : memref<80x128xi32, #tpu.memory_space<vmem>> -> memref<1x128xi32, #tpu.memory_space<vmem>>
      %dma_start3A_141 = tpu.memref_squeeze %dma_start3A_140 : memref<1x128xi32, #tpu.memory_space<vmem>> -> memref<128xi32, #tpu.memory_space<vmem>>
      %dma_start3A_142 = arith.constant 0 : i32
      %dma_start3A_143 = arith.constant 0 : i32
      %dma_start3A_144 = tpu.memref_slice %arg7[%dma_start3A_142, %dma_start3A_143] : memref<10240x128xf32, #tpu.memory_space<vmem_shared>> -> memref<10240x128xf32, #tpu.memory_space<vmem_shared>>
      tpu.enqueue_indirect_dma source(%dma_start3A_138 : memref<128x128xf32, #tpu.memory_space<vmem>>) target(%dma_start3A_144 : memref<10240x128xf32, #tpu.memory_space<vmem_shared>>) offsets(%dma_start3A_141 : memref<128xi32, #tpu.memory_space<vmem>>) semaphore(%arg10 : memref<!tpu.dma_semaphore, #tpu.memory_space<semaphore_mem>>) {add = true}
      %dma_wait3A_145 = arith.constant 0 : i32
      %dma_wait3A_146 = arith.constant 0 : i32
      %dma_wait3A_147 = arith.constant 0 : i32
      %dma_wait3A_148 = tpu.memref_slice %arg6[%dma_wait3A_145, %dma_wait3A_146, %dma_wait3A_147] : memref<2x128x128xf32, #tpu.memory_space<vmem>> -> memref<1x128x128xf32, #tpu.memory_space<vmem>>
      %dma_wait3A_149 = tpu.memref_squeeze %dma_wait3A_148 : memref<1x128x128xf32, #tpu.memory_space<vmem>> -> memref<128x128xf32, #tpu.memory_space<vmem>>
      %dma_wait3A_150 = arith.constant 0 : i32
      %dma_wait3A_151 = tpu.memref_slice %arg5[%add3A_107, %dma_wait3A_150] : memref<80x128xi32, #tpu.memory_space<vmem>> -> memref<1x128xi32, #tpu.memory_space<vmem>>
      %dma_wait3A_152 = tpu.memref_squeeze %dma_wait3A_151 : memref<1x128xi32, #tpu.memory_space<vmem>> -> memref<128xi32, #tpu.memory_space<vmem>>
      %dma_wait3A_153 = arith.constant 0 : i32
      %dma_wait3A_154 = arith.constant 0 : i32
      %dma_wait3A_155 = tpu.memref_slice %arg7[%dma_wait3A_153, %dma_wait3A_154] : memref<10240x128xf32, #tpu.memory_space<vmem_shared>> -> memref<10240x128xf32, #tpu.memory_space<vmem_shared>>
      tpu.wait_indirect_dma semaphore(%arg10 : memref<!tpu.dma_semaphore, #tpu.memory_space<semaphore_mem>>) src(%dma_wait3A_149 : memref<128x128xf32, #tpu.memory_space<vmem>>) dst(%dma_wait3A_155 : memref<10240x128xf32, #tpu.memory_space<vmem_shared>>)
      %dma_wait3A_156 = arith.constant 1 : i32
      %dma_wait3A_157 = arith.constant 0 : i32
      %dma_wait3A_158 = arith.constant 0 : i32
      %dma_wait3A_159 = tpu.memref_slice %arg6[%dma_wait3A_156, %dma_wait3A_157, %dma_wait3A_158] : memref<2x128x128xf32, #tpu.memory_space<vmem>> -> memref<1x128x128xf32, #tpu.memory_space<vmem>>
      %dma_wait3A_160 = tpu.memref_squeeze %dma_wait3A_159 : memref<1x128x128xf32, #tpu.memory_space<vmem>> -> memref<128x128xf32, #tpu.memory_space<vmem>>
      %dma_wait3A_161 = arith.constant 0 : i32
      %dma_wait3A_162 = tpu.memref_slice %arg5[%add3A_133, %dma_wait3A_161] : memref<80x128xi32, #tpu.memory_space<vmem>> -> memref<1x128xi32, #tpu.memory_space<vmem>>
      %dma_wait3A_163 = tpu.memref_squeeze %dma_wait3A_162 : memref<1x128xi32, #tpu.memory_space<vmem>> -> memref<128xi32, #tpu.memory_space<vmem>>
      %dma_wait3A_164 = arith.constant 0 : i32
      %dma_wait3A_165 = arith.constant 0 : i32
      %dma_wait3A_166 = tpu.memref_slice %arg7[%dma_wait3A_164, %dma_wait3A_165] : memref<10240x128xf32, #tpu.memory_space<vmem_shared>> -> memref<10240x128xf32, #tpu.memory_space<vmem_shared>>
      tpu.wait_indirect_dma semaphore(%arg10 : memref<!tpu.dma_semaphore, #tpu.memory_space<semaphore_mem>>) src(%dma_wait3A_160 : memref<128x128xf32, #tpu.memory_space<vmem>>) dst(%dma_wait3A_166 : memref<10240x128xf32, #tpu.memory_space<vmem_shared>>)
    }
    %scan3A_56 = arith.constant 20 : i32
    %barrier3A_57 = arith.constant 0 : index
    tpu.barrier barrier_id(%barrier3A_57)
    %scan3A_58 = arith.constant 0 : i32
    %scan3A_59 = arith.constant 0 : i32
    %scan3A_60 = arith.constant 5 : i32
    %scan3A_61 = arith.addi %scan3A_59, %scan3A_60 : i32
    %scan3A_62 = arith.constant 1 : i32
    scf.for %scan3A_64 = %scan3A_59 to %scan3A_61 step %scan3A_62  : i32 {
      %mul3A_65 = arith.constant 128 : i32
      %mul3A_66 = arith.muli %scan3A_64, %mul3A_65 : i32
      %add3A_67 = arith.addi %mul3A_8, %mul3A_66 : i32
      %run_scoped3A_68 = arith.constant 0 : i32
      "tpu.region"() ({
        %run_scoped3A_73 = tpu.sem_alloc : memref<!tpu.dma_semaphore, #tpu.memory_space<semaphore_mem>>
        %dma_start3A_74 = arith.constant 0 : i32
        %dma_start3A_75 = arith.constant 0 : i32
        %dma_start3A_76 = tpu.memref_slice %arg6[%run_scoped3A_68, %dma_start3A_74, %dma_start3A_75] : memref<2x128x128xf32, #tpu.memory_space<vmem>> -> memref<1x128x128xf32, #tpu.memory_space<vmem>>
        %dma_start3A_77 = tpu.memref_squeeze %dma_start3A_76 : memref<1x128x128xf32, #tpu.memory_space<vmem>> -> memref<128x128xf32, #tpu.memory_space<vmem>>
        %dma_start3A_78 = arith.constant 0 : i32
        %dma_start3A_79 = tpu.memref_slice %arg7[%add3A_67, %dma_start3A_78] : memref<10240x128xf32, #tpu.memory_space<vmem_shared>> -> memref<128x128xf32, #tpu.memory_space<vmem_shared>>
        %dma_start3A_80 = arith.constant 0 : i32
        %dma_start3A_81 = arith.constant 0 : i32
        %dma_start3A_82 = tpu.memref_slice %arg6[%run_scoped3A_68, %dma_start3A_80, %dma_start3A_81] : memref<2x128x128xf32, #tpu.memory_space<vmem>> -> memref<1x128x128xf32, #tpu.memory_space<vmem>>
        %dma_start3A_83 = tpu.memref_squeeze %dma_start3A_82 : memref<1x128x128xf32, #tpu.memory_space<vmem>> -> memref<128x128xf32, #tpu.memory_space<vmem>>
        %dma_start3A_84 = arith.constant 0 : i32
        %dma_start3A_85 = tpu.memref_slice %arg7[%add3A_67, %dma_start3A_84] : memref<10240x128xf32, #tpu.memory_space<vmem_shared>> -> memref<128x128xf32, #tpu.memory_space<vmem_shared>>
        tpu.enqueue_dma source(%dma_start3A_85 : memref<128x128xf32, #tpu.memory_space<vmem_shared>>) target(%dma_start3A_83 : memref<128x128xf32, #tpu.memory_space<vmem>>) target_semaphore(%run_scoped3A_73 : memref<!tpu.dma_semaphore, #tpu.memory_space<semaphore_mem>>)
        %dma_wait3A_86 = arith.constant 0 : i32
        %dma_wait3A_87 = arith.constant 0 : i32
        %dma_wait3A_88 = tpu.memref_slice %arg6[%run_scoped3A_68, %dma_wait3A_86, %dma_wait3A_87] : memref<2x128x128xf32, #tpu.memory_space<vmem>> -> memref<1x128x128xf32, #tpu.memory_space<vmem>>
        %dma_wait3A_89 = tpu.memref_squeeze %dma_wait3A_88 : memref<1x128x128xf32, #tpu.memory_space<vmem>> -> memref<128x128xf32, #tpu.memory_space<vmem>>
        %dma_wait3A_90 = arith.constant 0 : i32
        %dma_wait3A_91 = tpu.memref_slice %arg7[%add3A_67, %dma_wait3A_90] : memref<10240x128xf32, #tpu.memory_space<vmem_shared>> -> memref<128x128xf32, #tpu.memory_space<vmem_shared>>
        %dma_wait3A_92 = arith.constant 0 : i32
        %dma_wait3A_93 = arith.constant 0 : i32
        %dma_wait3A_94 = tpu.memref_slice %arg6[%run_scoped3A_68, %dma_wait3A_92, %dma_wait3A_93] : memref<2x128x128xf32, #tpu.memory_space<vmem>> -> memref<1x128x128xf32, #tpu.memory_space<vmem>>
        %dma_wait3A_95 = tpu.memref_squeeze %dma_wait3A_94 : memref<1x128x128xf32, #tpu.memory_space<vmem>> -> memref<128x128xf32, #tpu.memory_space<vmem>>
        %dma_wait3A_96 = arith.constant 0 : i32
        %dma_wait3A_97 = tpu.memref_slice %arg7[%add3A_67, %dma_wait3A_96] : memref<10240x128xf32, #tpu.memory_space<vmem_shared>> -> memref<128x128xf32, #tpu.memory_space<vmem_shared>>
        tpu.wait_dma2 semaphore(%run_scoped3A_73 : memref<!tpu.dma_semaphore, #tpu.memory_space<semaphore_mem>>) src(%dma_wait3A_97 : memref<128x128xf32, #tpu.memory_space<vmem_shared>>) dst(%dma_wait3A_95 : memref<128x128xf32, #tpu.memory_space<vmem>>)
        tpu.yield
      }) : () -> ()
      %mul3A_69 = arith.constant 10240 : i32
      %mul3A_70 = arith.muli %arg0, %mul3A_69 : i32
      %add3A_71 = arith.addi %mul3A_70, %add3A_67 : i32
      %run_scoped3A_72 = arith.constant 0 : i32
      "tpu.region"() ({
        %run_scoped3A_73 = tpu.sem_alloc : memref<!tpu.dma_semaphore, #tpu.memory_space<semaphore_mem>>
        %dma_start3A_74 = arith.constant 0 : i32
        %dma_start3A_75 = arith.constant 0 : i32
        %dma_start3A_76 = tpu.memref_slice %arg6[%run_scoped3A_72, %dma_start3A_74, %dma_start3A_75] : memref<2x128x128xf32, #tpu.memory_space<vmem>> -> memref<1x128x128xf32, #tpu.memory_space<vmem>>
        %dma_start3A_77 = tpu.memref_squeeze %dma_start3A_76 : memref<1x128x128xf32, #tpu.memory_space<vmem>> -> memref<128x128xf32, #tpu.memory_space<vmem>>
        %dma_start3A_78 = arith.constant 0 : i32
        %dma_start3A_79 = tpu.memref_slice %arg4[%add3A_71, %dma_start3A_78] : memref<20480x128xf32, #tpu.memory_space<hbm>> -> memref<128x128xf32, #tpu.memory_space<hbm>>
        %dma_start3A_80 = arith.constant 0 : i32
        %dma_start3A_81 = tpu.memref_slice %arg4[%add3A_71, %dma_start3A_80] : memref<20480x128xf32, #tpu.memory_space<hbm>> -> memref<128x128xf32, #tpu.memory_space<hbm>>
        %dma_start3A_82 = arith.constant 0 : i32
        %dma_start3A_83 = arith.constant 0 : i32
        %dma_start3A_84 = tpu.memref_slice %arg6[%run_scoped3A_72, %dma_start3A_82, %dma_start3A_83] : memref<2x128x128xf32, #tpu.memory_space<vmem>> -> memref<1x128x128xf32, #tpu.memory_space<vmem>>
        %dma_start3A_85 = tpu.memref_squeeze %dma_start3A_84 : memref<1x128x128xf32, #tpu.memory_space<vmem>> -> memref<128x128xf32, #tpu.memory_space<vmem>>
        tpu.enqueue_dma source(%dma_start3A_85 : memref<128x128xf32, #tpu.memory_space<vmem>>) target(%dma_start3A_81 : memref<128x128xf32, #tpu.memory_space<hbm>>) target_semaphore(%run_scoped3A_73 : memref<!tpu.dma_semaphore, #tpu.memory_space<semaphore_mem>>)
        %dma_wait3A_86 = arith.constant 0 : i32
        %dma_wait3A_87 = arith.constant 0 : i32
        %dma_wait3A_88 = tpu.memref_slice %arg6[%run_scoped3A_72, %dma_wait3A_86, %dma_wait3A_87] : memref<2x128x128xf32, #tpu.memory_space<vmem>> -> memref<1x128x128xf32, #tpu.memory_space<vmem>>
        %dma_wait3A_89 = tpu.memref_squeeze %dma_wait3A_88 : memref<1x128x128xf32, #tpu.memory_space<vmem>> -> memref<128x128xf32, #tpu.memory_space<vmem>>
        %dma_wait3A_90 = arith.constant 0 : i32
        %dma_wait3A_91 = tpu.memref_slice %arg4[%add3A_71, %dma_wait3A_90] : memref<20480x128xf32, #tpu.memory_space<hbm>> -> memref<128x128xf32, #tpu.memory_space<hbm>>
        %dma_wait3A_92 = arith.constant 0 : i32
        %dma_wait3A_93 = tpu.memref_slice %arg4[%add3A_71, %dma_wait3A_92] : memref<20480x128xf32, #tpu.memory_space<hbm>> -> memref<128x128xf32, #tpu.memory_space<hbm>>
        %dma_wait3A_94 = arith.constant 0 : i32
        %dma_wait3A_95 = arith.constant 0 : i32
        %dma_wait3A_96 = tpu.memref_slice %arg6[%run_scoped3A_72, %dma_wait3A_94, %dma_wait3A_95] : memref<2x128x128xf32, #tpu.memory_space<vmem>> -> memref<1x128x128xf32, #tpu.memory_space<vmem>>
        %dma_wait3A_97 = tpu.memref_squeeze %dma_wait3A_96 : memref<1x128x128xf32, #tpu.memory_space<vmem>> -> memref<128x128xf32, #tpu.memory_space<vmem>>
        tpu.wait_dma2 semaphore(%run_scoped3A_73 : memref<!tpu.dma_semaphore, #tpu.memory_space<semaphore_mem>>) src(%dma_wait3A_97 : memref<128x128xf32, #tpu.memory_space<vmem>>) dst(%dma_wait3A_93 : memref<128x128xf32, #tpu.memory_space<hbm>>)
        tpu.yield
      }) : () -> ()
    }
    %scan3A_63 = arith.constant 5 : i32
    return
  }
}

module attributes {stable_mosaic.version = 14 : i64} {
  func.func @_tc_layer1(%arg0: i32, %arg1: memref<1000x128xf32, #tpu.memory_space<vmem>>, %arg2: memref<2x1000x128xf32, #tpu.memory_space<vmem>>, %arg3: memref<2x1000x1xf32, #tpu.memory_space<vmem>>, %arg4: memref<128x128xf32, #tpu.memory_space<vmem>>, %arg5: memref<128x128xf32, #tpu.memory_space<vmem>>, %arg6: memref<1x128xf32, #tpu.memory_space<vmem>>, %arg7: memref<1000x128xf32, #tpu.memory_space<vmem>>) attributes {dimension_semantics = [#tpu.dimension_semantics<arbitrary>], iteration_bounds = array<i64: 10>, scalar_prefetch = 0 : i64, scratch_operands = 0 : i64, tpu.core_type = #tpu.core_type<tc>, window_params = [{transform_indices = @transform_0, window_bounds = array<i64: 1000, 128>}, {transform_indices = @transform_1, window_bounds = array<i64: 2, 1000, 128>}, {transform_indices = @transform_2, window_bounds = array<i64: 2, 1000, 1>}, {pipeline_mode = #tpu.pipeline_mode<synchronous>, transform_indices = @transform_3, window_bounds = array<i64: 128, 128>}, {pipeline_mode = #tpu.pipeline_mode<synchronous>, transform_indices = @transform_4, window_bounds = array<i64: 128, 128>}, {pipeline_mode = #tpu.pipeline_mode<synchronous>, transform_indices = @transform_5, window_bounds = array<i64: 1, 128>}, {transform_indices = @transform_6, window_bounds = array<i64: 1000, 128>}]} {
    %get3A = arith.constant 0 : index
    %get3A_0 = arith.constant 0 : index
    %get3A_1 = arith.constant 0 : index
    %get3A_2 = vector.load %arg2[%get3A, %get3A_0, %get3A_1] : memref<2x1000x128xf32, #tpu.memory_space<vmem>>, vector<1x1000x128xf32>
    %get3A_3 = vector.shape_cast %get3A_2 : vector<1x1000x128xf32> to vector<1000x128xf32>
    %get3A_4 = arith.constant 1 : index
    %get3A_5 = arith.constant 0 : index
    %get3A_6 = arith.constant 0 : index
    %get3A_7 = vector.load %arg2[%get3A_4, %get3A_5, %get3A_6] : memref<2x1000x128xf32, #tpu.memory_space<vmem>>, vector<1x1000x128xf32>
    %get3A_8 = vector.shape_cast %get3A_7 : vector<1x1000x128xf32> to vector<1000x128xf32>
    %add3A = arith.addf %get3A_3, %get3A_8 : vector<1000x128xf32>
    %get3A_9 = arith.constant 0 : index
    %get3A_10 = arith.constant 0 : index
    %get3A_11 = arith.constant 0 : index
    %get3A_12 = vector.load %arg3[%get3A_9, %get3A_10, %get3A_11] : memref<2x1000x1xf32, #tpu.memory_space<vmem>>, vector<1x1000x1xf32>
    %get3A_13 = vector.shape_cast %get3A_12 : vector<1x1000x1xf32> to vector<1000x1xf32>
    %get3A_14 = arith.constant 1 : index
    %get3A_15 = arith.constant 0 : index
    %get3A_16 = arith.constant 0 : index
    %get3A_17 = vector.load %arg3[%get3A_14, %get3A_15, %get3A_16] : memref<2x1000x1xf32, #tpu.memory_space<vmem>>, vector<1x1000x1xf32>
    %get3A_18 = vector.shape_cast %get3A_17 : vector<1x1000x1xf32> to vector<1000x1xf32>
    %add3A_19 = arith.addf %get3A_13, %get3A_18 : vector<1000x1xf32>
    %max3A = arith.constant 1.000000e+00 : f32
    %max3A_20 = vector.broadcast %max3A : f32 to vector<1000x1xf32>
    %max3A_21 = arith.maximumf %add3A_19, %max3A_20 : vector<1000x1xf32>
    %div3A = arith.constant 1.000000e+00 : f32
    %div3A_22 = vector.broadcast %div3A : f32 to vector<1000x1xf32>
    %div3A_23 = arith.divf %div3A_22, %max3A_21 : vector<1000x1xf32>
    %mul3A = vector.broadcast %div3A_23 : vector<1000x1xf32> to vector<1000x128xf32>
    %mul3A_24 = arith.mulf %add3A, %mul3A : vector<1000x128xf32>
    %get3A_25 = arith.constant 0 : index
    %get3A_26 = arith.constant 0 : index
    %get3A_27 = vector.load %arg1[%get3A_25, %get3A_26] : memref<1000x128xf32, #tpu.memory_space<vmem>>, vector<1000x128xf32>
    %get3A_28 = arith.constant 0 : index
    %get3A_29 = arith.constant 0 : index
    %get3A_30 = vector.load %arg4[%get3A_28, %get3A_29] : memref<128x128xf32, #tpu.memory_space<vmem>>, vector<128x128xf32>
    %dot_general3A = arith.constant dense<0.000000e+00> : vector<1000x128xf32>
    %dot_general3A_31 = tpu.matmul %get3A_27, %get3A_30, %dot_general3A {dimension_numbers = #tpu.dot_dimension_numbers<[1], [0], [0], [1], [0, 0, 1, 1], [], []>, transpose_lhs_hint = false} : vector<1000x128xf32>, vector<128x128xf32>, vector<1000x128xf32> -> vector<1000x128xf32>
    %get3A_32 = arith.constant 0 : index
    %get3A_33 = arith.constant 0 : index
    %get3A_34 = vector.load %arg5[%get3A_32, %get3A_33] : memref<128x128xf32, #tpu.memory_space<vmem>>, vector<128x128xf32>
    %dot_general3A_35 = arith.constant dense<0.000000e+00> : vector<1000x128xf32>
    %dot_general3A_36 = tpu.matmul %mul3A_24, %get3A_34, %dot_general3A_35 {dimension_numbers = #tpu.dot_dimension_numbers<[1], [0], [0], [1], [0, 0, 1, 1], [], []>, transpose_lhs_hint = false} : vector<1000x128xf32>, vector<128x128xf32>, vector<1000x128xf32> -> vector<1000x128xf32>
    %add3A_37 = arith.addf %dot_general3A_31, %dot_general3A_36 : vector<1000x128xf32>
    %get3A_38 = arith.constant 0 : index
    %get3A_39 = arith.constant 0 : index
    %get3A_40 = vector.load %arg6[%get3A_38, %get3A_39] : memref<1x128xf32, #tpu.memory_space<vmem>>, vector<1x128xf32>
    %add3A_41 = vector.broadcast %get3A_40 : vector<1x128xf32> to vector<1000x128xf32>
    %add3A_42 = arith.addf %add3A_37, %add3A_41 : vector<1000x128xf32>
    %max3A_43 = arith.constant 0.000000e+00 : f32
    %max3A_44 = vector.broadcast %max3A_43 : f32 to vector<1000x128xf32>
    %max3A_45 = arith.maximumf %add3A_42, %max3A_44 : vector<1000x128xf32>
    %swap3A = arith.constant 0 : index
    %swap3A_46 = arith.constant 0 : index
    %swap3A_47 = vector.load %arg7[%swap3A, %swap3A_46] : memref<1000x128xf32, #tpu.memory_space<vmem>>, vector<1000x128xf32>
    tpu.vector_store %arg7[%swap3A, %swap3A_46], %max3A_45 {strides = array<i32>} : memref<1000x128xf32, #tpu.memory_space<vmem>>, vector<1000x128xf32>,
    return
  }
  func.func @transform_0(%arg0: i32) -> (i32, i32) {
    %c0_i32 = arith.constant 0 : i32
    %c0_i32_0 = arith.constant 0 : i32
    return %arg0, %c0_i32 : i32, i32
  }
  func.func @transform_1(%arg0: i32) -> (i32, i32, i32) {
    %c0_i32 = arith.constant 0 : i32
    %c0_i32_0 = arith.constant 0 : i32
    %c0_i32_1 = arith.constant 0 : i32
    return %c0_i32, %arg0, %c0_i32_0 : i32, i32, i32
  }
  func.func @transform_2(%arg0: i32) -> (i32, i32, i32) {
    %c0_i32 = arith.constant 0 : i32
    %c0_i32_0 = arith.constant 0 : i32
    %c0_i32_1 = arith.constant 0 : i32
    return %c0_i32, %arg0, %c0_i32_0 : i32, i32, i32
  }
  func.func @transform_3(%arg0: i32) -> (i32, i32) {
    %c0_i32 = arith.constant 0 : i32
    %c0_i32_0 = arith.constant 0 : i32
    %c0_i32_1 = arith.constant 0 : i32
    return %c0_i32, %c0_i32_0 : i32, i32
  }
  func.func @transform_4(%arg0: i32) -> (i32, i32) {
    %c0_i32 = arith.constant 0 : i32
    %c0_i32_0 = arith.constant 0 : i32
    %c0_i32_1 = arith.constant 0 : i32
    return %c0_i32, %c0_i32_0 : i32, i32
  }
  func.func @transform_5(%arg0: i32) -> (i32, i32) {
    %c0_i32 = arith.constant 0 : i32
    %c0_i32_0 = arith.constant 0 : i32
    %c0_i32_1 = arith.constant 0 : i32
    return %c0_i32, %c0_i32_0 : i32, i32
  }
  func.func @transform_6(%arg0: i32) -> (i32, i32) {
    %c0_i32 = arith.constant 0 : i32
    %c0_i32_0 = arith.constant 0 : i32
    return %arg0, %c0_i32 : i32, i32
  }
}

module attributes {stable_mosaic.version = 14 : i64} {
  func.func @_tc_layer2(%arg0: i32, %arg1: memref<1000x128xf32, #tpu.memory_space<vmem>>, %arg2: memref<2x1000x128xf32, #tpu.memory_space<vmem>>, %arg3: memref<2x1000x1xf32, #tpu.memory_space<vmem>>, %arg4: memref<128x128xf32, #tpu.memory_space<vmem>>, %arg5: memref<128x128xf32, #tpu.memory_space<vmem>>, %arg6: memref<1x128xf32, #tpu.memory_space<vmem>>, %arg7: memref<128x2xf32, #tpu.memory_space<vmem>>, %arg8: memref<1x2xf32, #tpu.memory_space<vmem>>, %arg9: memref<1000x2xf32, #tpu.memory_space<vmem>>) attributes {dimension_semantics = [#tpu.dimension_semantics<arbitrary>], iteration_bounds = array<i64: 10>, scalar_prefetch = 0 : i64, scratch_operands = 0 : i64, tpu.core_type = #tpu.core_type<tc>, window_params = [{transform_indices = @transform_0, window_bounds = array<i64: 1000, 128>}, {transform_indices = @transform_1, window_bounds = array<i64: 2, 1000, 128>}, {transform_indices = @transform_2, window_bounds = array<i64: 2, 1000, 1>}, {pipeline_mode = #tpu.pipeline_mode<synchronous>, transform_indices = @transform_3, window_bounds = array<i64: 128, 128>}, {pipeline_mode = #tpu.pipeline_mode<synchronous>, transform_indices = @transform_4, window_bounds = array<i64: 128, 128>}, {pipeline_mode = #tpu.pipeline_mode<synchronous>, transform_indices = @transform_5, window_bounds = array<i64: 1, 128>}, {pipeline_mode = #tpu.pipeline_mode<synchronous>, transform_indices = @transform_6, window_bounds = array<i64: 128, 2>}, {pipeline_mode = #tpu.pipeline_mode<synchronous>, transform_indices = @transform_7, window_bounds = array<i64: 1, 2>}, {transform_indices = @transform_8, window_bounds = array<i64: 1000, 2>}]} {
    %get3A = arith.constant 0 : index
    %get3A_0 = arith.constant 0 : index
    %get3A_1 = arith.constant 0 : index
    %get3A_2 = vector.load %arg2[%get3A, %get3A_0, %get3A_1] : memref<2x1000x128xf32, #tpu.memory_space<vmem>>, vector<1x1000x128xf32>
    %get3A_3 = vector.shape_cast %get3A_2 : vector<1x1000x128xf32> to vector<1000x128xf32>
    %get3A_4 = arith.constant 1 : index
    %get3A_5 = arith.constant 0 : index
    %get3A_6 = arith.constant 0 : index
    %get3A_7 = vector.load %arg2[%get3A_4, %get3A_5, %get3A_6] : memref<2x1000x128xf32, #tpu.memory_space<vmem>>, vector<1x1000x128xf32>
    %get3A_8 = vector.shape_cast %get3A_7 : vector<1x1000x128xf32> to vector<1000x128xf32>
    %add3A = arith.addf %get3A_3, %get3A_8 : vector<1000x128xf32>
    %get3A_9 = arith.constant 0 : index
    %get3A_10 = arith.constant 0 : index
    %get3A_11 = arith.constant 0 : index
    %get3A_12 = vector.load %arg3[%get3A_9, %get3A_10, %get3A_11] : memref<2x1000x1xf32, #tpu.memory_space<vmem>>, vector<1x1000x1xf32>
    %get3A_13 = vector.shape_cast %get3A_12 : vector<1x1000x1xf32> to vector<1000x1xf32>
    %get3A_14 = arith.constant 1 : index
    %get3A_15 = arith.constant 0 : index
    %get3A_16 = arith.constant 0 : index
    %get3A_17 = vector.load %arg3[%get3A_14, %get3A_15, %get3A_16] : memref<2x1000x1xf32, #tpu.memory_space<vmem>>, vector<1x1000x1xf32>
    %get3A_18 = vector.shape_cast %get3A_17 : vector<1x1000x1xf32> to vector<1000x1xf32>
    %add3A_19 = arith.addf %get3A_13, %get3A_18 : vector<1000x1xf32>
    %max3A = arith.constant 1.000000e+00 : f32
    %max3A_20 = vector.broadcast %max3A : f32 to vector<1000x1xf32>
    %max3A_21 = arith.maximumf %add3A_19, %max3A_20 : vector<1000x1xf32>
    %div3A = arith.constant 1.000000e+00 : f32
    %div3A_22 = vector.broadcast %div3A : f32 to vector<1000x1xf32>
    %div3A_23 = arith.divf %div3A_22, %max3A_21 : vector<1000x1xf32>
    %mul3A = vector.broadcast %div3A_23 : vector<1000x1xf32> to vector<1000x128xf32>
    %mul3A_24 = arith.mulf %add3A, %mul3A : vector<1000x128xf32>
    %get3A_25 = arith.constant 0 : index
    %get3A_26 = arith.constant 0 : index
    %get3A_27 = vector.load %arg1[%get3A_25, %get3A_26] : memref<1000x128xf32, #tpu.memory_space<vmem>>, vector<1000x128xf32>
    %get3A_28 = arith.constant 0 : index
    %get3A_29 = arith.constant 0 : index
    %get3A_30 = vector.load %arg4[%get3A_28, %get3A_29] : memref<128x128xf32, #tpu.memory_space<vmem>>, vector<128x128xf32>
    %dot_general3A = arith.constant dense<0.000000e+00> : vector<1000x128xf32>
    %dot_general3A_31 = tpu.matmul %get3A_27, %get3A_30, %dot_general3A {dimension_numbers = #tpu.dot_dimension_numbers<[1], [0], [0], [1], [0, 0, 1, 1], [], []>, transpose_lhs_hint = false} : vector<1000x128xf32>, vector<128x128xf32>, vector<1000x128xf32> -> vector<1000x128xf32>
    %get3A_32 = arith.constant 0 : index
    %get3A_33 = arith.constant 0 : index
    %get3A_34 = vector.load %arg5[%get3A_32, %get3A_33] : memref<128x128xf32, #tpu.memory_space<vmem>>, vector<128x128xf32>
    %dot_general3A_35 = arith.constant dense<0.000000e+00> : vector<1000x128xf32>
    %dot_general3A_36 = tpu.matmul %mul3A_24, %get3A_34, %dot_general3A_35 {dimension_numbers = #tpu.dot_dimension_numbers<[1], [0], [0], [1], [0, 0, 1, 1], [], []>, transpose_lhs_hint = false} : vector<1000x128xf32>, vector<128x128xf32>, vector<1000x128xf32> -> vector<1000x128xf32>
    %add3A_37 = arith.addf %dot_general3A_31, %dot_general3A_36 : vector<1000x128xf32>
    %get3A_38 = arith.constant 0 : index
    %get3A_39 = arith.constant 0 : index
    %get3A_40 = vector.load %arg6[%get3A_38, %get3A_39] : memref<1x128xf32, #tpu.memory_space<vmem>>, vector<1x128xf32>
    %add3A_41 = vector.broadcast %get3A_40 : vector<1x128xf32> to vector<1000x128xf32>
    %add3A_42 = arith.addf %add3A_37, %add3A_41 : vector<1000x128xf32>
    %get3A_43 = arith.constant 0 : index
    %get3A_44 = arith.constant 0 : index
    %get3A_45 = vector.load %arg7[%get3A_43, %get3A_44] : memref<128x2xf32, #tpu.memory_space<vmem>>, vector<128x2xf32>
    %dot_general3A_46 = arith.constant dense<0.000000e+00> : vector<1000x2xf32>
    %dot_general3A_47 = tpu.matmul %add3A_42, %get3A_45, %dot_general3A_46 {dimension_numbers = #tpu.dot_dimension_numbers<[1], [0], [0], [1], [0, 0, 1, 1], [], []>, transpose_lhs_hint = false} : vector<1000x128xf32>, vector<128x2xf32>, vector<1000x2xf32> -> vector<1000x2xf32>
    %get3A_48 = arith.constant 0 : index
    %get3A_49 = arith.constant 0 : index
    %get3A_50 = vector.load %arg8[%get3A_48, %get3A_49] : memref<1x2xf32, #tpu.memory_space<vmem>>, vector<1x2xf32>
    %add3A_51 = vector.broadcast %get3A_50 : vector<1x2xf32> to vector<1000x2xf32>
    %add3A_52 = arith.addf %dot_general3A_47, %add3A_51 : vector<1000x2xf32>
    %swap3A = arith.constant 0 : index
    %swap3A_53 = arith.constant 0 : index
    %swap3A_54 = vector.load %arg9[%swap3A, %swap3A_53] : memref<1000x2xf32, #tpu.memory_space<vmem>>, vector<1000x2xf32>
    tpu.vector_store %arg9[%swap3A, %swap3A_53], %add3A_52 {strides = array<i32>} : memref<1000x2xf32, #tpu.memory_space<vmem>>, vector<1000x2xf32>,
    return
  }
  func.func @transform_0(%arg0: i32) -> (i32, i32) {
    %c0_i32 = arith.constant 0 : i32
    %c0_i32_0 = arith.constant 0 : i32
    return %arg0, %c0_i32 : i32, i32
  }
  func.func @transform_1(%arg0: i32) -> (i32, i32, i32) {
    %c0_i32 = arith.constant 0 : i32
    %c0_i32_0 = arith.constant 0 : i32
    %c0_i32_1 = arith.constant 0 : i32
    return %c0_i32, %arg0, %c0_i32_0 : i32, i32, i32
  }
  func.func @transform_2(%arg0: i32) -> (i32, i32, i32) {
    %c0_i32 = arith.constant 0 : i32
    %c0_i32_0 = arith.constant 0 : i32
    %c0_i32_1 = arith.constant 0 : i32
    return %c0_i32, %arg0, %c0_i32_0 : i32, i32, i32
  }
  func.func @transform_3(%arg0: i32) -> (i32, i32) {
    %c0_i32 = arith.constant 0 : i32
    %c0_i32_0 = arith.constant 0 : i32
    %c0_i32_1 = arith.constant 0 : i32
    return %c0_i32, %c0_i32_0 : i32, i32
  }
  func.func @transform_4(%arg0: i32) -> (i32, i32) {
    %c0_i32 = arith.constant 0 : i32
    %c0_i32_0 = arith.constant 0 : i32
    %c0_i32_1 = arith.constant 0 : i32
    return %c0_i32, %c0_i32_0 : i32, i32
  }
  func.func @transform_5(%arg0: i32) -> (i32, i32) {
    %c0_i32 = arith.constant 0 : i32
    %c0_i32_0 = arith.constant 0 : i32
    %c0_i32_1 = arith.constant 0 : i32
    return %c0_i32, %c0_i32_0 : i32, i32
  }
  func.func @transform_6(%arg0: i32) -> (i32, i32) {
    %c0_i32 = arith.constant 0 : i32
    %c0_i32_0 = arith.constant 0 : i32
    %c0_i32_1 = arith.constant 0 : i32
    return %c0_i32, %c0_i32_0 : i32, i32
  }
  func.func @transform_7(%arg0: i32) -> (i32, i32) {
    %c0_i32 = arith.constant 0 : i32
    %c0_i32_0 = arith.constant 0 : i32
    %c0_i32_1 = arith.constant 0 : i32
    return %c0_i32, %c0_i32_0 : i32, i32
  }
  func.func @transform_8(%arg0: i32) -> (i32, i32) {
    %c0_i32 = arith.constant 0 : i32
    %c0_i32_0 = arith.constant 0 : i32
    return %arg0, %c0_i32 : i32, i32
  }
}

</mosaic_0001>

<sc_bundles>
// kernel: kernel.11.cloned.1.call-start
scs
__scs_entry_jumppad:
0x0: {  	(pc) =	sbr.rel $0x88, $3  }
0x1: {  	(tag) =	ssettag $0x0;
	lr =	simm.s32 $0x1  }
0x2: {  	[smem:$0x3F94] =	sst lr;
	_ =	strace $0xD0000000  }
0x3: {  	_ = 	snop  }
0x4: {  	_ = 	snop  }
0x5: {  	_ = 	snop  }
0x6: {  	_ = 	snop  }
0x7: {  	_ = 	snop  }
__scs_overlays_trampoline_lowered:
0x8: {  	[smem:$0x3FA3] =	sst s0  }
0x9: {  	[smem:$0x3FA4] =	sst s1  }
0xa: {  	[smem:$0x3FA5] =	sst s2  }
0xb: {  	[smem:$0x3FA6] =	sst s3  }
0xc: {  	[smem:$0x3FA7] =	sst s4  }
0xd: {  	[smem:$0x3FA8] =	sst s5  }
0xe: {  	[smem:$0x3FA9] =	sst s6  }
0xf: {  	[smem:$0x3FAA] =	sst s7  }
0x10: {  	[smem:$0x3FAB] =	sst s8  }
0x11: {  	[smem:$0x3FAC] =	sst s9;
	s0 =	simm.s32 @!p0 $0x0  }
0x12: {  	s1 =	sld [smem:$0x3F92];
	s0 =	simm.s32 @p0 $0x1  }
0x13: {  	[smem:$0x3FAD] =	sst s0;
	s0 =	simm.s32 @!p1 $0x0  }
0x14: {  	s2 =	sld [smem:$0x3F91];
	s0 =	simm.s32 @p1 $0x1  }
0x15: {  	[smem:$0x3FAE] =	sst s0;
	s0 =	simm.s32 @!p2 $0x0  }
0x16: {  	s3 =	sld [smem:$0x3FDB];
	s0 =	simm.s32 @p2 $0x1  }
0x17: {  	s4 =	simm.s32 $0x1BF5;
	[smem:$0x3FB0] =	sst s0  }
0x18: {  	s0 =	sld [smem:$0x3F93];
	_ =	swait.ge [sflag:s4], $0x0  }
0x19: {  	s7 =	sld [smem:$0x3F94]  }
0x1a: {  	s8 =	sadd.s32 $0xFFFFE003, lr  }
0x1b: {  	s9 =	sadd.s32 $0xFFFFFEF7, lr;
	s5 =	simm.s32 $0xFFFFFFFF;
	p2 =	slt.u32 s8, $0xFFFFF086  }
0x1c: {  	p1 =	slt.u32 s9, $0xF7A;
	s5 =	simm.s32 @!p2 $0x0  }
0x1d: {  	s5 =	simm.s32 @p1 $0x1;
	p0 =	seq.s32 s7, s2  }
0x1e: {  	s7 =	smul.u32 @!p0 $0xF7A, s2;
	p2 =	seq.s32 @!p0 s5, $0x0  }
0x1f: {  	s9 =	smul.u32 $0xF7A, s1;
	s8 =	simm.s32 @!p0 $0x1BF5;
	p2 =	por !p2, p0  }
0x20: {  	[sflag:s8] =	ssyncset.s32 @!p0 $0xFFFFF086;
	s6 =	sadd.s32 @!p0 s3, s7;
	s7 =	simm.s32 @!p0 $0x108  }
0x21: {  	s3 =	sadd.s32 s3, s9;
	s6 =	sadd.s32 @!p0 $0x88, s6;
	s7 =	simm.s32 @p2 $0x1082  }
0x22: {  	[simem:s7], [sflag:s8] =	dma.local @!p0 [hbm:s6], $0xF7A  }
0x23: {  	s9 =	sor.u32 $0xD0000000, s2;
	s6 =	simm.s32 $0x108;
	_ =	swait.ge @!p0 [sflag:s8], $0x0  }
0x24: {  	s3 =	sadd.s32 $0x88, s3;
	s6 =	simm.s32 @!p1 $0x1082;
	[sflag:s4] =	ssyncset.s32 $0xFFFFF086  }
0x25: {  	[simem:s6], [sflag:s4] =	dma.local [hbm:s3], $0xF7A  }
0x26: {  	[smem:$0x3F94] =	sst s1;
	(tag) =	ssettag s2;
	_ =	strace s9  }
0x27: {  	s1 =	sld [smem:$0x3FA4]  }
0x28: {  	s2 =	sld [smem:$0x3FA5]  }
0x29: {  	s4 =	sld [smem:$0x3FA7]  }
0x2a: {  	p0 =	seq.s32 s5, $0x0;
	s5 =	sld [smem:$0x3FA8]  }
0x2b: {  	s6 =	sld [smem:$0x3FA9]  }
0x2c: {  	s7 =	sld [smem:$0x3FAA]  }
0x2d: {  	s3 =	simm.s32 $0x108;
	s8 =	sld [smem:$0x3FAB]  }
0x2e: {  	s3 =	simm.s32 @!p0 $0x1082;
	s9 =	sld [smem:$0x3FAC]  }
0x2f: {  	lr =	sadd.s32 s0, s3;
	s0 =	sld [smem:$0x3FA3]  }
0x30: {  	s3 =	sld [smem:$0x3FA6]  }
0x31: {  	[smem:$0x3FAF] =	sst s10  }
0x32: {  	s10 =	sld [smem:$0x3FAD];
	_ =	sdelay $0x3  }
0x33: {  	p0 =	seq.s32 s10, $0x1;
	s10 =	sld [smem:$0x3FAF];
	_ =	sdelay $0x3  }
0x34: {  	[smem:$0x3FAF] =	sst s10  }
0x35: {  	s10 =	sld [smem:$0x3FAE];
	_ =	sdelay $0x3  }
0x36: {  	p1 =	seq.s32 s10, $0x1;
	s10 =	sld [smem:$0x3FAF];
	_ =	sdelay $0x3  }
0x37: {  	[smem:$0x3FAF] =	sst s10  }
0x38: {  	s10 =	sld [smem:$0x3FB0]  }
0x39: {  	_ = 	snop;
	(pc) =	sbr.ind lr, $3  }
0x3a: {  	_ = 	snop  }
0x3b: {  	_ = 	snop  }
0x3c: {  	p2 =	seq.s32 s10, $0x1;
	s10 =	sld [smem:$0x3FAF]  }
0x3d: {  	_ =	shalt  }
0x3e: {  	_ =	shalt  }
0x3f: {  	_ =	shalt  }
0x40: {  	_ =	shalt  }
0x41: {  	_ =	shalt  }
0x42: {  	_ =	shalt  }
0x43: {  	_ =	shalt  }
0x44: {  	_ =	shalt  }
0x45: {  	_ =	shalt  }
0x46: {  	_ =	shalt  }
0x47: {  	_ =	shalt  }
0x48: {  	_ =	shalt  }
0x49: {  	_ =	shalt  }
0x4a: {  	_ =	shalt  }
0x4b: {  	_ =	shalt  }
0x4c: {  	_ =	shalt  }
0x4d: {  	_ =	shalt  }
0x4e: {  	_ =	shalt  }
0x4f: {  	_ =	shalt  }
0x50: {  	_ =	shalt  }
0x51: {  	_ =	shalt  }
0x52: {  	_ =	shalt  }
0x53: {  	_ =	shalt  }
0x54: {  	_ =	shalt  }
0x55: {  	_ =	shalt  }
0x56: {  	_ =	shalt  }
0x57: {  	_ =	shalt  }
0x58: {  	_ =	shalt  }
0x59: {  	_ =	shalt  }
0x5a: {  	_ =	shalt  }
0x5b: {  	_ =	shalt  }
0x5c: {  	_ =	shalt  }
0x5d: {  	_ =	shalt  }
0x5e: {  	_ =	shalt  }
0x5f: {  	_ =	shalt  }
0x60: {  	_ =	shalt  }
0x61: {  	_ =	shalt  }
0x62: {  	_ =	shalt  }
0x63: {  	_ =	shalt  }
0x64: {  	_ =	shalt  }
0x65: {  	_ =	shalt  }
0x66: {  	_ =	shalt  }
0x67: {  	_ =	shalt  }
0x68: {  	_ =	shalt  }
0x69: {  	_ =	shalt  }
0x6a: {  	_ =	shalt  }
0x6b: {  	_ =	shalt  }
0x6c: {  	_ =	shalt  }
0x6d: {  	_ =	shalt  }
0x6e: {  	_ =	shalt  }
0x6f: {  	_ =	shalt  }
0x70: {  	_ =	shalt  }
0x71: {  	_ =	shalt  }
0x72: {  	_ =	shalt  }
0x73: {  	_ =	shalt  }
0x74: {  	_ =	shalt  }
0x75: {  	_ =	shalt  }
0x76: {  	_ =	shalt  }
0x77: {  	_ =	shalt  }
0x78: {  	_ =	shalt  }
0x79: {  	_ =	shalt  }
0x7a: {  	_ =	shalt  }
0x7b: {  	_ =	shalt  }
0x7c: {  	_ =	shalt  }
0x7d: {  	_ =	shalt  }
0x7e: {  	_ =	shalt  }
0x7f: {  	_ =	shalt  }
0x80: {  	_ =	shalt  }
0x81: {  	_ =	shalt  }
0x82: {  	_ =	shalt  }
0x83: {  	_ =	shalt  }
0x84: {  	_ =	shalt  }
0x85: {  	_ =	shalt  }
0x86: {  	_ =	shalt  }
0x87: {  	_ =	shalt  }
.Lfunc_end0:
.L_simem_size_0:
called_computation.1_lowered:
.L_overlay_start_0:
0x88: {  	s2 =	sld [smem:$0x3FD9]  }
0x89: {  	s3 =	sld [smem:$0x3FFE];
	_ =	sdelay $0x1  }
0x8a: {  	s1 =	srdreg.scid  }
0x8b: {  	s0 =	sand.u32 $0x1, s1  }
0x8c: {  	s17 =	sshll.u32 s0, $0xA;
	s2 =	sadd.s32 s3, s2  }
0x8d: {  	s2 =	sadd.s32 s2, s17  }
0x8e: {  	[smem:$0x3FBB] =	sst s2  }
0x8f: {  	_ = 	snop  }
0x90: {  	s18 =	sld [smem:$0x3FC9];
	(tm) =	ssettm $0x1  }
0x91: {  	s19 =	sld [smem:$0x3FFB];
	_ =	sdelay $0x3  }
0x92: {  	_ =	strace s19  }
0x93: {  	s2 =	sld [smem:$0x3FFC];
	_ =	sdelay $0x3  }
0x94: {  	_ =	strace s2  }
0x95: {  	s2 =	sld [smem:$0x3FFD];
	_ =	sdelay $0x3  }
0x96: {  	_ =	strace s2  }
0x97: {  	_ =	strace $0x8FFFFFFF  }
0x98: {  	s20 =	sld [smem:$0x3FDB];
	_ =	sdelay $0x1  }
0x99: {  	s4 =	simm.s32 $_scs_section_size  }
0x9a: {  	s5 =	simm.s32 $_size__tile_overlayer_lowered;
	s6 =	simm.s32 $_tile_overlayer_lowered  }
0x9b: {  	s7 =	simm.s32 $0x1BFF;
	s21 =	sshll.u32 s6, $0x1;
	s4 =	sadd.s32 s4, s20  }
0x9c: {  	s22 =	simm.s32 $0x0;
	s5 =	sshll.u32 s5, $0x1;
	s6 =	sadd.s32 s21, s4  }
0x9d: {  	[timem:s22], [sflag:s7] =	dma.local [hbm:s6], s5  }
0x9e: {  	_ =	swait.ge [sflag:s7], s5  }
0x9f: {  	s5 =	ssub.s32 $0x0, s5;
	[sflag:s7] =	ssyncset.done $0x0  }
0xa0: {  	[sflag:s7] =	ssyncadd.s32 s5;
	_ =	sdelay $0x1  }
0xa1: {  	s23 =	simm.s32 $0x1B8B  }
0xa2: {  	_ =	swait.ge [sflag:s23], $0x1  }
0xa3: {  	[sflag:s23] =	ssyncset.done $0x0  }
0xa4: {  	[sflag:s23] =	ssyncadd.s32 $0xFFFFFFFF  }
0xa5: {  	s5 =	sld [smem:$0x0]  }
0xa6: {  	s6 =	sand.u32 $0xFFFFFFFE, s1  }
0xa7: {  	p0 =	sne.s32 s1, s6  }
0xa8: {  	s6 =	sshll.u32 @p0 s6, $0xE  }
0xa9: {  	s6 =	sadd.s32 @p0 $0x11B8D, s6;
	s7 =	sshll.u32 @p0 s5, $0x11  }
0xaa: {  	s6 =	sor.u32 @p0 s7, s6  }
0xab: {  	[sflag:s6] =	ssyncadd.remote.s32 @p0 $0x1;
	_ =	sdelay $0x1  }
0xac: {  	s6 =	simm.s32 @p0 $0x1B8D  }
0xad: {  	_ =	swait.eq @p0 [sflag:s6], $0x1  }
0xae: {  	[sflag:s6] =	ssyncadd.s32 @p0 $0xFFFFFFFF  }
0xaf: {  	s7 =	sshll.u32 @!p0 s1, $0xE  }
0xb0: {  	s7 =	sor.u32 @!p0 $0x4000, s7;
	s6 =	simm.s32 @!p0 $0x1B8D  }
0xb1: {  	s5 =	sshll.u32 @!p0 s5, $0x11;
	s7 =	sadd.s32 @!p0 $0x11B8D, s7;
	_ =	swait.eq @!p0 [sflag:s6], $0x1  }
0xb2: {  	s5 =	sor.u32 @!p0 s5, s7;
	[sflag:s6] =	ssyncadd.s32 @!p0 $0xFFFFFFFF  }
0xb3: {  	s25 =	simm.s32 $0x1B8E;
	s24 =	sld [smem:$0x3FFE];
	[sflag:s5] =	ssyncadd.remote.s32 @!p0 $0x1  }
0xb4: {  	s26 =	simm.s32 $execute0_lowered;
	[smem:$0x3FD2] =	sst s25  }
0xb5: {  	s6 =	sshll.u32 s26, $0x1;
	_ =	strace $0x80000049;
	[dreg:$0x1] =	wrdreg $0xFFFFFFFF  }
0xb6: {  	s28 =	simm.s32 $_size_execute0_lowered;
	s4 =	sadd.s32 s4, s6;
	[dreg:$0x0] =	wrdreg $0x0  }
0xb7: {  	s6 =	sshll.u32 s28, $0x1;
	[dreg:$0x2] =	wrdreg s4  }
0xb8: {  	[dreg:$0x3] =	wrdreg s6  }
0xb9: {  	[dreg:$0x4] =	wrdreg $0xC0  }
0xba: {  	_ =	task [dreg:s22], $0x5FFFF  }
0xbb: {  	[dreg:$0x1] =	wrdreg $0xFFFFFFFF  }
0xbc: {  	[dreg:$0x0] =	wrdreg $0x60  }
0xbd: {  	[dreg:$0x2] =	wrdreg s18  }
0xbe: {  	[dreg:$0x3] =	wrdreg s24  }
0xbf: {  	[dreg:$0x4] =	wrdreg $0xA8000  }
0xc0: {  	[dreg:$0x5] =	wrdreg $0xA  }
0xc1: {  	_ =	task.clear_ibuf [dreg:s22], $0x6FFFF;
	_ =	strace $0x90000049  }
0xc2: {  	s29 =	simm.s32 $0xA;
	_ =	strace $0x8000004B  }
0xc3: {  	_ =	swait.ge [sflag:s29], $0x1  }
0xc4: {  	[sflag:s29] =	ssyncadd.s32 $0xFFFFFFFF  }
0xc5: {  	_ =	strace $0x9000004B  }
0xc6: {  	_ =	sfence  }
0xc7: {  	s30 =	sld [smem:$0x0];
	_ =	sdelay $0x2  }
0xc8: {  	s31 =	sshll.u32 s1, $0xD;
	s1 =	sshrl.u32 s1, $0x2  }
0xc9: {  	s4 =	sand.u32 $0x4000, s31;
	s1 =	sadd.s32 s1, s30  }
0xca: {  	s0 =	sor.u32 s4, s0;
	s1 =	sshll.u32 s1, $0x11  }
0xcb: {  	s0 =	sor.u32 s1, s0  }
0xcc: {  	s0 =	sadd.s32 $0x8F2B, s0  }
0xcd: {  	[sflag:s0] =	ssyncadd.remote.s32 $0x1  }
0xce: {  	_ =	sfence.sel $0xFFFF  }
0xcf: {  	[dreg:$0x0] =	wrdreg $0xFFFFFFFF;
	(pc) =	sbr.abs _section_cstart, $3  }
0xd0: {  	[dreg:$0x1] =	wrdreg $0xFFFFFFFF  }
0xd1: {  	_ =	task.clear_ibuf [dreg:s22], $0x2FFFF;
	_ =	strace $0x9FFFFFFF  }
0xd2: {  	(tm) =	ssettm $0x7FFFFFFF  }
0xd3: {  	_ =	shalt  }
tec
execute0_lowered:
.L_overlay_start_1:
0x0: {  	(tag) =	ssettag $0x1  }
0x1: {  	s1 =	rddreg [dreg:$0x0]  }
0x2: {  	s0 =	rddreg [dreg:$0x1]  }
0x3: {  	s2 =	rddreg [dreg:$0x2];
	s3 =	simm.s32 $0x0;
	s5 =	srdreg.scid  }
0x4: {  	s4 =	stileid.u32;
	s28 =	simm.s32 $0x2;
	s29 =	simm.s32 $0x3  }
0x5: {  	s30 =	simm.s32 $0x0;
	[smem:$0x7FF] =	sst s3;
	s11 =	sadd.s32 $0x15800, s0  }
0x6: {  	s0 =	sadd.s32 $0x3D800, s0;
	s8 =	sand.u32 $0x1, s5;
	s6 =	smul.u32 $0x50000, s4  }
0x7: {  	s23 =	sshll.u32 s4, $0x1;
	s19 =	smul.u32 $0x280, s4;
	_ =	strace $0x8000004A  }
0x8: {  	s7 =	ssub.s32 $0x2, s8;
	s9 =	sor.u32 s8, s23;
	s20 =	smul.u32 $0x2800, s8  }
0x9: {  	s24 =	sshrl.u32 s7, $0x1;
	s6 =	sshrl.u32 s6, $0x2;
	s10 =	smul.u32 $0xA00, s9  }
0xa: {  	s13 =	smul.u32 $0x5000, s9;
	s14 =	sadd.s32 $0x80, s19;
	s16 =	sadd.s32 $0x100, s19  }
0xb: {  	s21 =	sadd.s32 $0x180, s19;
	s12 =	ssub.s32 s7, s24;
	s5 =	sadd.s32 s6, s2  }
0xc: {  	s26 =	sadd.s32 s20, s19;
	s15 =	sadd.s32 s20, s14;
	s14 =	sshll.u32 s14, $0x7  }
0xd: {  	s17 =	sadd.s32 s20, s16;
	s16 =	sshll.u32 s16, $0x7;
	s18 =	sshll.u32 s21, $0x7  }
0xe: {  	s21 =	sadd.s32 s20, s21;
	s19 =	sadd.s32 $0x200, s19;
	s24 =	simm.s32 $0x1  }
0xf: {  	s25 =	sadd.s32 $0x4000, s5;
	s7 =	sadd.s32 $0x8000, s5;
	s8 =	sadd.s32 $0xC000, s5  }
0x10: {  	s9 =	sadd.s32 $0x10000, s5;
	s13 =	sshrl.u32 s13, $0x3;
	s10 =	sadd.s32 s11, s10  }
0x11: {  	s12 =	smax.u32 s12, $0x1;
	s15 =	sshll.u32 s15, $0x4;
	s14 =	sadd.s32 s14, s2  }
0x12: {  	s17 =	sshll.u32 s17, $0x4;
	s16 =	sadd.s32 s16, s2;
	s18 =	sadd.s32 s18, s2  }
0x13: {  	s21 =	sshll.u32 s21, $0x4;
	s22 =	sshll.u32 s19, $0x7;
	s23 =	sadd.s32 s20, s19  }
0x14: {  	[dreg:$0x4] =	wrdreg s25;
	s11 =	sadd.s32 s11, s13;
	s13 =	sshll.u32 s26, $0x4  }
0x15: {  	s15 =	sadd.s32 s0, s15;
	s17 =	sadd.s32 s0, s17;
	s19 =	sadd.s32 s0, s21  }
0x16: {  	s20 =	sadd.s32 s22, s2;
	s31 =	sshll.u32 s23, $0x4;
	s22 =	simm.s32 $0x2800  }
0x17: {  	s23 =	simm.s32 $0x4;
	s25 =	simm.s32 $0x80;
	s26 =	simm.s32 $0x6800  }
0x18: {  	v0 =	vimm.f32 $0.0e+00;
	s11 =	sadd.s32 $0x500, s11;
	s13 =	sadd.s32 s0, s13;
	s21 =	sadd.s32 s0, s31  }
.LBB2_1:
0x19: {  	s31 =	simm.s32 $0x0;
	s0 =	simm.s32 $0x200  }
.LBB2_2:
0x1a: {  	p0 =	sne.s32 s0, $0xFE00;
	[tilespmem:s31+$0x2870] =	vst v0  }
0x1b: {  	[tilespmem:s31+$0x2800] =	vst v0  }
0x1c: {  	[tilespmem:s31+$0x2810] =	vst v0  }
.Ltmp0:
0x1d: {  	[tilespmem:s31+$0x2820] =	vst v0;
	(pc) =	sbr.rel @p0 .LBB2_2-.Ltmp0, $4  }
0x1e: {  	[tilespmem:s31+$0x2830] =	vst v0  }
0x1f: {  	[tilespmem:s31+$0x2840] =	vst v0  }
0x20: {  	[tilespmem:s31+$0x2850] =	vst v0  }
0x21: {  	[tilespmem:s31+$0x2860] =	vst v0;
	s31 =	sshra.s32 s0, $0x2;
	s0 =	sadd.s32 $0x200, s0  }
0x22: {  	[tilespmem:s31+$0x2870] =	vst v0  }
0x23: {  	[tilespmem:s31+$0x2800] =	vst v0  }
0x24: {  	[tilespmem:s31+$0x2810] =	vst v0  }
0x25: {  	[tilespmem:s31+$0x2820] =	vst v0  }
0x26: {  	[tilespmem:s31+$0x2830] =	vst v0  }
0x27: {  	[tilespmem:s31+$0x2840] =	vst v0  }
0x28: {  	[tilespmem:s31+$0x2850] =	vst v0  }
0x29: {  	[tilespmem:s31+$0x2860] =	vst v0  }
0x2a: {  	[spmem:s5] =	stream.linear.scatter [tilespmem:s22], [sflag:$0x4], $0x4000, $0x38;
	[tilespmem:$0x1E800] =	vst v63  }
0x2b: {  	_ =	swait.ge [sflag:s23], $0x4000  }
0x2c: {  	[sflag:s23] =	ssyncset.done $0x0  }
0x2d: {  	s0 =	rddreg [dreg:$0x4];
	[sflag:s23] =	ssyncadd.s32 $0xFFFFC000  }
0x2e: {  	[spmem:s0] =	stream.linear.scatter [tilespmem:s22], [sflag:$0x4], $0x4000, $0x38;
	[tilespmem:$0x1E800] =	vst v63  }
0x2f: {  	_ =	swait.ge [sflag:s23], $0x4000  }
0x30: {  	[sflag:s23] =	ssyncset.done $0x0  }
0x31: {  	[sflag:s23] =	ssyncadd.s32 $0xFFFFC000  }
0x32: {  	[spmem:s7] =	stream.linear.scatter [tilespmem:s22], [sflag:$0x4], $0x4000, $0x38;
	[tilespmem:$0x1E800] =	vst v63  }
0x33: {  	_ =	swait.ge [sflag:s23], $0x4000  }
0x34: {  	[sflag:s23] =	ssyncset.done $0x0  }
0x35: {  	[sflag:s23] =	ssyncadd.s32 $0xFFFFC000  }
0x36: {  	[spmem:s8] =	stream.linear.scatter [tilespmem:s22], [sflag:$0x4], $0x4000, $0x38;
	[tilespmem:$0x1E800] =	vst v63  }
0x37: {  	_ =	swait.ge [sflag:s23], $0x4000  }
0x38: {  	[sflag:s23] =	ssyncset.done $0x0  }
0x39: {  	[sflag:s23] =	ssyncadd.s32 $0xFFFFC000  }
0x3a: {  	[spmem:s9] =	stream.linear.scatter [tilespmem:s22], [sflag:$0x4], $0x4000, $0x38;
	[tilespmem:$0x1E800] =	vst v63  }
0x3b: {  	_ =	swait.ge [sflag:s23], $0x4000  }
0x3c: {  	[sflag:s23] =	ssyncset.done $0x0  }
0x3d: {  	[sflag:s23] =	ssyncadd.s32 $0xFFFFC000  }
0x3e: {  	s6 =	simm.s32 $0x0;
	[bflag:$0x0] =	sbarrier.arrive $0xFFFF  }
0x3f: {  	[tilespmem:s6], [sflag:$0x1] =	stream.linear.gather [hbm4b:s10+s6], $0x2800, $0x38;
	[tilespmem:$0x1E800] =	vst v63  }
0x40: {  	_ =	swait.ge [sflag:s24], $0x2800  }
0x41: {  	[sflag:s24] =	ssyncset.done $0x0  }
0x42: {  	s4 =	simm.s32 $0x0;
	[sflag:s24] =	ssyncadd.s32 $0xFFFFD800  }
0x43: {  	[tilespmem:s22], [sflag:$0x2] =	stream.indirect.gather [hbm4b:s1+s25], $0x80, s4, s25, $0xb8;
	[tilespmem:$0x1E800] =	vst v63  }
0x44: {  	s6 =	simm.s32 $0x100  }
0x45: {  	[tilespmem:s26], [sflag:$0x2] =	stream.indirect.gather [hbm4b:s1+s25], $0x80, s6, s25, $0xb8;
	[tilespmem:$0x1E800] =	vst v63  }
0x46: {  	_ =	swait.ge [sflag:s28], $0x4000  }
0x47: {  	[sflag:s28] =	ssyncset.done $0x0  }
0x48: {  	s4 =	simm.s32 $0x80;
	[sflag:s28] =	ssyncadd.s32 $0xFFFFC000  }
0x49: {  	[spmem:s2] =	stream.indirect.scatter.add.f32 [tilespmem:s22], [sflag:$0x3], $0x80, s4, s25, $0xb8;
	[tilespmem:$0x1E800] =	vst v63  }
0x4a: {  	_ =	swait.ge [sflag:s28], $0x4000  }
0x4b: {  	[sflag:s28] =	ssyncset.done $0x0  }
0x4c: {  	s6 =	simm.s32 $0x180;
	[sflag:s28] =	ssyncadd.s32 $0xFFFFC000  }
0x4d: {  	[spmem:s2] =	stream.indirect.scatter.add.f32 [tilespmem:s26], [sflag:$0x3], $0x80, s6, s25, $0xb8;
	[tilespmem:$0x1E800] =	vst v63  }
0x4e: {  	_ =	swait.ge [sflag:s29], $0x4000  }
0x4f: {  	[sflag:s29] =	ssyncset.done $0x0  }
0x50: {  	[sflag:s29] =	ssyncadd.s32 $0xFFFFC000  }
0x51: {  	_ =	swait.ge [sflag:s29], $0x4000  }
0x52: {  	s31 =	simm.s32 $0x800;
	s0 =	simm.s32 $0x1000;
	[sflag:s29] =	ssyncset.done $0x0  }
.LBB2_4:
0x53: {  	s4 =	sshra.s32 s31, $0x2  }
0x54: {  	[sflag:s29] =	ssyncadd.s32 $0xFFFFC000;
	s31 =	smov.u32 s0;
	s6 =	sadd.s32 $0x800, s0  }
0x55: {  	[tilespmem:s22], [sflag:$0x2] =	stream.indirect.gather [hbm4b:s1+s25], $0x80, s4, s25, $0xb8;
	[tilespmem:$0x1E800] =	vst v63  }
0x56: {  	p0 =	sne.s32 s0, $0x9800;
	s0 =	sadd.s32 $0x100, s4  }
0x57: {  	[tilespmem:s26], [sflag:$0x2] =	stream.indirect.gather [hbm4b:s1+s25], $0x80, s0, s25, $0xb8;
	[tilespmem:$0x1E800] =	vst v63  }
0x58: {  	_ =	swait.ge [sflag:s28], $0x4000  }
0x59: {  	[sflag:s28] =	ssyncset.done $0x0  }
0x5a: {  	s0 =	sadd.s32 $0x80, s4;
	[sflag:s28] =	ssyncadd.s32 $0xFFFFC000  }
0x5b: {  	[spmem:s2] =	stream.indirect.scatter.add.f32 [tilespmem:s22], [sflag:$0x3], $0x80, s0, s25, $0xb8;
	[tilespmem:$0x1E800] =	vst v63  }
0x5c: {  	_ =	swait.ge [sflag:s28], $0x4000  }
0x5d: {  	[sflag:s28] =	ssyncset.done $0x0  }
0x5e: {  	s0 =	sadd.s32 $0x180, s4;
	[sflag:s28] =	ssyncadd.s32 $0xFFFFC000  }
0x5f: {  	[spmem:s2] =	stream.indirect.scatter.add.f32 [tilespmem:s26], [sflag:$0x3], $0x80, s0, s25, $0xb8;
	[tilespmem:$0x1E800] =	vst v63  }
.Ltmp1:
0x60: {  	_ =	swait.ge [sflag:s29], $0x4000;
	(pc) =	sbr.rel @p0 .LBB2_4-.Ltmp1, $4  }
0x61: {  	[sflag:s29] =	ssyncset.done $0x0  }
0x62: {  	[sflag:s29] =	ssyncadd.s32 $0xFFFFC000  }
0x63: {  	_ =	swait.ge [sflag:s29], $0x4000  }
0x64: {  	s0 =	smov.u32 s6;
	[sflag:s29] =	ssyncset.done $0x0  }
0x65: {  	s0 =	sshra.s32 s31, $0x2;
	[sflag:s29] =	ssyncadd.s32 $0xFFFFC000  }
0x66: {  	[tilespmem:s22], [sflag:$0x2] =	stream.indirect.gather [hbm4b:s1+s25], $0x80, s0, s25, $0xb8;
	[tilespmem:$0x1E800] =	vst v63  }
0x67: {  	s4 =	sadd.s32 $0x100, s0  }
0x68: {  	[tilespmem:s26], [sflag:$0x2] =	stream.indirect.gather [hbm4b:s1+s25], $0x80, s4, s25, $0xb8;
	[tilespmem:$0x1E800] =	vst v63  }
0x69: {  	_ =	swait.ge [sflag:s28], $0x4000  }
0x6a: {  	[sflag:s28] =	ssyncset.done $0x0  }
0x6b: {  	s6 =	sadd.s32 $0x80, s0;
	[sflag:s28] =	ssyncadd.s32 $0xFFFFC000  }
0x6c: {  	[spmem:s2] =	stream.indirect.scatter.add.f32 [tilespmem:s22], [sflag:$0x3], $0x80, s6, s25, $0xb8;
	[tilespmem:$0x1E800] =	vst v63  }
0x6d: {  	_ =	swait.ge [sflag:s28], $0x4000  }
0x6e: {  	[sflag:s28] =	ssyncset.done $0x0  }
0x6f: {  	s0 =	sadd.s32 $0x180, s0;
	[sflag:s28] =	ssyncadd.s32 $0xFFFFC000  }
0x70: {  	[spmem:s2] =	stream.indirect.scatter.add.f32 [tilespmem:s26], [sflag:$0x3], $0x80, s0, s25, $0xb8;
	[tilespmem:$0x1E800] =	vst v63  }
0x71: {  	_ =	swait.ge [sflag:s29], $0x4000  }
0x72: {  	[sflag:s29] =	ssyncset.done $0x0  }
0x73: {  	[sflag:s29] =	ssyncadd.s32 $0xFFFFC000  }
0x74: {  	_ =	swait.ge [sflag:s29], $0x4000  }
0x75: {  	[sflag:s29] =	ssyncset.done $0x0  }
0x76: {  	s6 =	simm.s32 $0x0;
	[sflag:s29] =	ssyncadd.s32 $0xFFFFC000  }
0x77: {  	[tilespmem:s6], [sflag:$0x1] =	stream.linear.gather [hbm4b:s11+s6], $0x2800, $0x38;
	[tilespmem:$0x1E800] =	vst v63  }
0x78: {  	_ =	swait.ge [sflag:s24], $0x2800  }
0x79: {  	[sflag:s24] =	ssyncset.done $0x0  }
0x7a: {  	s4 =	simm.s32 $0x0;
	[sflag:s24] =	ssyncadd.s32 $0xFFFFD800  }
0x7b: {  	[tilespmem:s22], [sflag:$0x2] =	stream.indirect.gather [hbm4b:s1+s25], $0x80, s4, s25, $0xb8;
	[tilespmem:$0x1E800] =	vst v63  }
0x7c: {  	s6 =	simm.s32 $0x100  }
0x7d: {  	[tilespmem:s26], [sflag:$0x2] =	stream.indirect.gather [hbm4b:s1+s25], $0x80, s6, s25, $0xb8;
	[tilespmem:$0x1E800] =	vst v63  }
0x7e: {  	_ =	swait.ge [sflag:s28], $0x4000  }
0x7f: {  	[sflag:s28] =	ssyncset.done $0x0  }
0x80: {  	s4 =	simm.s32 $0x80;
	[sflag:s28] =	ssyncadd.s32 $0xFFFFC000  }
0x81: {  	[spmem:s2] =	stream.indirect.scatter.add.f32 [tilespmem:s22], [sflag:$0x3], $0x80, s4, s25, $0xb8;
	[tilespmem:$0x1E800] =	vst v63  }
0x82: {  	_ =	swait.ge [sflag:s28], $0x4000  }
0x83: {  	[sflag:s28] =	ssyncset.done $0x0  }
0x84: {  	s6 =	simm.s32 $0x180;
	[sflag:s28] =	ssyncadd.s32 $0xFFFFC000  }
0x85: {  	[spmem:s2] =	stream.indirect.scatter.add.f32 [tilespmem:s26], [sflag:$0x3], $0x80, s6, s25, $0xb8;
	[tilespmem:$0x1E800] =	vst v63  }
0x86: {  	_ =	swait.ge [sflag:s29], $0x4000  }
0x87: {  	[sflag:s29] =	ssyncset.done $0x0  }
0x88: {  	[sflag:s29] =	ssyncadd.s32 $0xFFFFC000  }
0x89: {  	_ =	swait.ge [sflag:s29], $0x4000  }
0x8a: {  	s31 =	simm.s32 $0x800;
	s0 =	simm.s32 $0x1000;
	[sflag:s29] =	ssyncset.done $0x0  }
.LBB2_6:
0x8b: {  	s4 =	sshra.s32 s31, $0x2  }
0x8c: {  	[sflag:s29] =	ssyncadd.s32 $0xFFFFC000;
	s31 =	smov.u32 s0;
	s6 =	sadd.s32 $0x800, s0  }
0x8d: {  	[tilespmem:s22], [sflag:$0x2] =	stream.indirect.gather [hbm4b:s1+s25], $0x80, s4, s25, $0xb8;
	[tilespmem:$0x1E800] =	vst v63  }
0x8e: {  	p0 =	sne.s32 s0, $0x9800;
	s0 =	sadd.s32 $0x100, s4  }
0x8f: {  	[tilespmem:s26], [sflag:$0x2] =	stream.indirect.gather [hbm4b:s1+s25], $0x80, s0, s25, $0xb8;
	[tilespmem:$0x1E800] =	vst v63  }
0x90: {  	_ =	swait.ge [sflag:s28], $0x4000  }
0x91: {  	[sflag:s28] =	ssyncset.done $0x0  }
0x92: {  	s0 =	sadd.s32 $0x80, s4;
	[sflag:s28] =	ssyncadd.s32 $0xFFFFC000  }
0x93: {  	[spmem:s2] =	stream.indirect.scatter.add.f32 [tilespmem:s22], [sflag:$0x3], $0x80, s0, s25, $0xb8;
	[tilespmem:$0x1E800] =	vst v63  }
0x94: {  	_ =	swait.ge [sflag:s28], $0x4000  }
0x95: {  	[sflag:s28] =	ssyncset.done $0x0  }
0x96: {  	s0 =	sadd.s32 $0x180, s4;
	[sflag:s28] =	ssyncadd.s32 $0xFFFFC000  }
0x97: {  	[spmem:s2] =	stream.indirect.scatter.add.f32 [tilespmem:s26], [sflag:$0x3], $0x80, s0, s25, $0xb8;
	[tilespmem:$0x1E800] =	vst v63  }
.Ltmp2:
0x98: {  	_ =	swait.ge [sflag:s29], $0x4000;
	(pc) =	sbr.rel @p0 .LBB2_6-.Ltmp2, $4  }
0x99: {  	[sflag:s29] =	ssyncset.done $0x0  }
0x9a: {  	[sflag:s29] =	ssyncadd.s32 $0xFFFFC000  }
0x9b: {  	_ =	swait.ge [sflag:s29], $0x4000  }
0x9c: {  	s0 =	smov.u32 s6;
	[sflag:s29] =	ssyncset.done $0x0  }
0x9d: {  	s0 =	sshra.s32 s31, $0x2;
	[sflag:s29] =	ssyncadd.s32 $0xFFFFC000  }
0x9e: {  	[tilespmem:s22], [sflag:$0x2] =	stream.indirect.gather [hbm4b:s1+s25], $0x80, s0, s25, $0xb8;
	[tilespmem:$0x1E800] =	vst v63  }
0x9f: {  	s4 =	sadd.s32 $0x100, s0  }
0xa0: {  	[tilespmem:s26], [sflag:$0x2] =	stream.indirect.gather [hbm4b:s1+s25], $0x80, s4, s25, $0xb8;
	[tilespmem:$0x1E800] =	vst v63  }
0xa1: {  	_ =	swait.ge [sflag:s28], $0x4000  }
0xa2: {  	[sflag:s28] =	ssyncset.done $0x0  }
0xa3: {  	s31 =	sadd.s32 $0x80, s0;
	[sflag:s28] =	ssyncadd.s32 $0xFFFFC000  }
0xa4: {  	[spmem:s2] =	stream.indirect.scatter.add.f32 [tilespmem:s22], [sflag:$0x3], $0x80, s31, s25, $0xb8;
	[tilespmem:$0x1E800] =	vst v63  }
0xa5: {  	_ =	swait.ge [sflag:s28], $0x4000  }
0xa6: {  	[sflag:s28] =	ssyncset.done $0x0  }
0xa7: {  	s0 =	sadd.s32 $0x180, s0;
	[sflag:s28] =	ssyncadd.s32 $0xFFFFC000  }
0xa8: {  	[spmem:s2] =	stream.indirect.scatter.add.f32 [tilespmem:s26], [sflag:$0x3], $0x80, s0, s25, $0xb8;
	[tilespmem:$0x1E800] =	vst v63  }
0xa9: {  	_ =	swait.ge [sflag:s29], $0x4000  }
0xaa: {  	[sflag:s29] =	ssyncset.done $0x0  }
0xab: {  	[sflag:s29] =	ssyncadd.s32 $0xFFFFC000  }
0xac: {  	_ =	swait.ge [sflag:s29], $0x4000  }
0xad: {  	[sflag:s29] =	ssyncset.done $0x0  }
0xae: {  	[sflag:s29] =	ssyncadd.s32 $0xFFFFC000  }
0xaf: {  	[bflag:$0x0] =	sbarrier.arrive $0xFFFF  }
0xb0: {  	[tilespmem:s22], [sflag:$0x4] =	stream.linear.gather [spmem:s5], $0x4000, $0x38;
	[tilespmem:$0x1E800] =	vst v63  }
0xb1: {  	_ =	swait.ge [sflag:s23], $0x4000  }
0xb2: {  	[sflag:s23] =	ssyncset.done $0x0  }
0xb3: {  	[sflag:s23] =	ssyncadd.s32 $0xFFFFC000  }
0xb4: {  	[hbm4b:s13+s3] =	stream.linear.scatter [tilespmem:s22], [sflag:$0x4], $0x4000, $0x38;
	[tilespmem:$0x1E800] =	vst v63  }
0xb5: {  	_ =	swait.ge [sflag:s23], $0x4000  }
0xb6: {  	[sflag:s23] =	ssyncset.done $0x0  }
0xb7: {  	[sflag:s23] =	ssyncadd.s32 $0xFFFFC000  }
0xb8: {  	[tilespmem:s22], [sflag:$0x4] =	stream.linear.gather [spmem:s14], $0x4000, $0x38;
	[tilespmem:$0x1E800] =	vst v63  }
0xb9: {  	_ =	swait.ge [sflag:s23], $0x4000  }
0xba: {  	[sflag:s23] =	ssyncset.done $0x0  }
0xbb: {  	[sflag:s23] =	ssyncadd.s32 $0xFFFFC000  }
0xbc: {  	[hbm4b:s15+s3] =	stream.linear.scatter [tilespmem:s22], [sflag:$0x4], $0x4000, $0x38;
	[tilespmem:$0x1E800] =	vst v63  }
0xbd: {  	_ =	swait.ge [sflag:s23], $0x4000  }
0xbe: {  	[sflag:s23] =	ssyncset.done $0x0  }
0xbf: {  	[sflag:s23] =	ssyncadd.s32 $0xFFFFC000  }
0xc0: {  	[tilespmem:s22], [sflag:$0x4] =	stream.linear.gather [spmem:s16], $0x4000, $0x38;
	[tilespmem:$0x1E800] =	vst v63  }
0xc1: {  	_ =	swait.ge [sflag:s23], $0x4000  }
0xc2: {  	[sflag:s23] =	ssyncset.done $0x0  }
0xc3: {  	[sflag:s23] =	ssyncadd.s32 $0xFFFFC000  }
0xc4: {  	[hbm4b:s17+s3] =	stream.linear.scatter [tilespmem:s22], [sflag:$0x4], $0x4000, $0x38;
	[tilespmem:$0x1E800] =	vst v63  }
0xc5: {  	_ =	swait.ge [sflag:s23], $0x4000  }
0xc6: {  	[sflag:s23] =	ssyncset.done $0x0  }
0xc7: {  	[sflag:s23] =	ssyncadd.s32 $0xFFFFC000  }
0xc8: {  	[tilespmem:s22], [sflag:$0x4] =	stream.linear.gather [spmem:s18], $0x4000, $0x38;
	[tilespmem:$0x1E800] =	vst v63  }
0xc9: {  	_ =	swait.ge [sflag:s23], $0x4000  }
0xca: {  	[sflag:s23] =	ssyncset.done $0x0  }
0xcb: {  	[sflag:s23] =	ssyncadd.s32 $0xFFFFC000  }
0xcc: {  	[hbm4b:s19+s3] =	stream.linear.scatter [tilespmem:s22], [sflag:$0x4], $0x4000, $0x38;
	[tilespmem:$0x1E800] =	vst v63  }
0xcd: {  	_ =	swait.ge [sflag:s23], $0x4000  }
0xce: {  	[sflag:s23] =	ssyncset.done $0x0  }
0xcf: {  	[sflag:s23] =	ssyncadd.s32 $0xFFFFC000  }
0xd0: {  	[tilespmem:s22], [sflag:$0x4] =	stream.linear.gather [spmem:s20], $0x4000, $0x38;
	[tilespmem:$0x1E800] =	vst v63  }
0xd1: {  	s30 =	sadd.s32 $0x1, s30;
	_ =	swait.ge [sflag:s23], $0x4000  }
0xd2: {  	p0 =	sne.s32 s30, s12;
	[sflag:s23] =	ssyncset.done $0x0  }
.Ltmp3:
0xd3: {  	[sflag:s23] =	ssyncadd.s32 $0xFFFFC000;
	(pc) =	sbr.rel @p0 .LBB2_1-.Ltmp3, $4  }
0xd4: {  	[hbm4b:s21+s3] =	stream.linear.scatter [tilespmem:s22], [sflag:$0x4], $0x4000, $0x38;
	[tilespmem:$0x1E800] =	vst v63  }
0xd5: {  	_ =	swait.ge [sflag:s23], $0x4000  }
0xd6: {  	[sflag:s23] =	ssyncset.done $0x0  }
0xd7: {  	[sflag:s23] =	ssyncadd.s32 $0xFFFFC000  }
0xd8: {  	_ =	sfence.sel $0x180000  }
0xd9: {  	[bflag:$0x0] =	sbarrier.arrive $0xFFFF  }
0xda: {  	_ =	strace $0x9000004A  }
0xdb: {  	s0 =	stileid.u32;
	[bflag:$0x2] =	sbarrier.arrive $0xFFFF  }
0xdc: {  	p0 =	sne.s32 s0, $0x0;
	s0 =	rddreg [dreg:$0x3]  }
0xdd: {  	s0 =	sadd.s32 @!p0 $0x100000, s0  }
0xde: {  	[sflag:s0] =	ssyncadd.tile.s32 @!p0 $0x1;
	_ =	shalt  }
.Lfunc_end2:
_tile_overlayer_lowered:
.L_overlay_start_2:
0xdf: {  	(tag) =	ssettag $0x2  }
0xe0: {  	s0 =	rddreg [dreg:$0x0];
	s2 =	stileid.u32  }
0xe1: {  	s1 =	rddreg [dreg:$0x1];
	p0 =	sne.s32 s2, $0x0  }
0xe2: {  	s3 =	rddreg [dreg:$0x2];
	[bflag:$0x3] =	sbarrier.arrive $0xFFFF;
	s2 =	simm.s32 @!p0 $0x1C04  }
0xe3: {  	[timem:s3], [sflag:s2] =	dma.local @!p0 [hbm:s0], s1  }
0xe4: {  	s0 =	simm.s32 @!p0 $0x4  }
0xe5: {  	_ =	swait.ge @!p0 [sflag:s0], s1  }
0xe6: {  	s1 =	ssub.s32 @!p0 $0x0, s1;
	[sflag:s0] =	ssyncset.done @!p0 $0x0  }
0xe7: {  	[sflag:s0] =	ssyncadd.s32 @!p0 s1  }
0xe8: {  	[bflag:$0x3] =	sbarrier.arrive $0xFFFF  }
0xe9: {  	_ =	shalt  }

// kernel: kernel.14.cloned.1.call-start
scs
__scs_entry_jumppad:
0x0: {  	(pc) =	sbr.rel $0x88, $3  }
0x1: {  	(tag) =	ssettag $0x0;
	lr =	simm.s32 $0x1  }
0x2: {  	[smem:$0x3F94] =	sst lr;
	_ =	strace $0xD0000000  }
0x3: {  	_ = 	snop  }
0x4: {  	_ = 	snop  }
0x5: {  	_ = 	snop  }
0x6: {  	_ = 	snop  }
0x7: {  	_ = 	snop  }
__scs_overlays_trampoline_lowered:
0x8: {  	[smem:$0x3FA3] =	sst s0  }
0x9: {  	[smem:$0x3FA4] =	sst s1  }
0xa: {  	[smem:$0x3FA5] =	sst s2  }
0xb: {  	[smem:$0x3FA6] =	sst s3  }
0xc: {  	[smem:$0x3FA7] =	sst s4  }
0xd: {  	[smem:$0x3FA8] =	sst s5  }
0xe: {  	[smem:$0x3FA9] =	sst s6  }
0xf: {  	[smem:$0x3FAA] =	sst s7  }
0x10: {  	[smem:$0x3FAB] =	sst s8  }
0x11: {  	[smem:$0x3FAC] =	sst s9;
	s0 =	simm.s32 @!p0 $0x0  }
0x12: {  	s1 =	sld [smem:$0x3F92];
	s0 =	simm.s32 @p0 $0x1  }
0x13: {  	[smem:$0x3FAD] =	sst s0;
	s0 =	simm.s32 @!p1 $0x0  }
0x14: {  	s2 =	sld [smem:$0x3F91];
	s0 =	simm.s32 @p1 $0x1  }
0x15: {  	[smem:$0x3FAE] =	sst s0;
	s0 =	simm.s32 @!p2 $0x0  }
0x16: {  	s3 =	sld [smem:$0x3FDB];
	s0 =	simm.s32 @p2 $0x1  }
0x17: {  	s4 =	simm.s32 $0x1BF5;
	[smem:$0x3FB0] =	sst s0  }
0x18: {  	s0 =	sld [smem:$0x3F93];
	_ =	swait.ge [sflag:s4], $0x0  }
0x19: {  	s7 =	sld [smem:$0x3F94]  }
0x1a: {  	s8 =	sadd.s32 $0xFFFFE003, lr  }
0x1b: {  	s9 =	sadd.s32 $0xFFFFFEF7, lr;
	s5 =	simm.s32 $0xFFFFFFFF;
	p2 =	slt.u32 s8, $0xFFFFF086  }
0x1c: {  	p1 =	slt.u32 s9, $0xF7A;
	s5 =	simm.s32 @!p2 $0x0  }
0x1d: {  	s5 =	simm.s32 @p1 $0x1;
	p0 =	seq.s32 s7, s2  }
0x1e: {  	s7 =	smul.u32 @!p0 $0xF7A, s2;
	p2 =	seq.s32 @!p0 s5, $0x0  }
0x1f: {  	s9 =	smul.u32 $0xF7A, s1;
	s8 =	simm.s32 @!p0 $0x1BF5;
	p2 =	por !p2, p0  }
0x20: {  	[sflag:s8] =	ssyncset.s32 @!p0 $0xFFFFF086;
	s6 =	sadd.s32 @!p0 s3, s7;
	s7 =	simm.s32 @!p0 $0x108  }
0x21: {  	s3 =	sadd.s32 s3, s9;
	s6 =	sadd.s32 @!p0 $0x88, s6;
	s7 =	simm.s32 @p2 $0x1082  }
0x22: {  	[simem:s7], [sflag:s8] =	dma.local @!p0 [hbm:s6], $0xF7A  }
0x23: {  	s9 =	sor.u32 $0xD0000000, s2;
	s6 =	simm.s32 $0x108;
	_ =	swait.ge @!p0 [sflag:s8], $0x0  }
0x24: {  	s3 =	sadd.s32 $0x88, s3;
	s6 =	simm.s32 @!p1 $0x1082;
	[sflag:s4] =	ssyncset.s32 $0xFFFFF086  }
0x25: {  	[simem:s6], [sflag:s4] =	dma.local [hbm:s3], $0xF7A  }
0x26: {  	[smem:$0x3F94] =	sst s1;
	(tag) =	ssettag s2;
	_ =	strace s9  }
0x27: {  	s1 =	sld [smem:$0x3FA4]  }
0x28: {  	s2 =	sld [smem:$0x3FA5]  }
0x29: {  	s4 =	sld [smem:$0x3FA7]  }
0x2a: {  	p0 =	seq.s32 s5, $0x0;
	s5 =	sld [smem:$0x3FA8]  }
0x2b: {  	s6 =	sld [smem:$0x3FA9]  }
0x2c: {  	s7 =	sld [smem:$0x3FAA]  }
0x2d: {  	s3 =	simm.s32 $0x108;
	s8 =	sld [smem:$0x3FAB]  }
0x2e: {  	s3 =	simm.s32 @!p0 $0x1082;
	s9 =	sld [smem:$0x3FAC]  }
0x2f: {  	lr =	sadd.s32 s0, s3;
	s0 =	sld [smem:$0x3FA3]  }
0x30: {  	s3 =	sld [smem:$0x3FA6]  }
0x31: {  	[smem:$0x3FAF] =	sst s10  }
0x32: {  	s10 =	sld [smem:$0x3FAD];
	_ =	sdelay $0x3  }
0x33: {  	p0 =	seq.s32 s10, $0x1;
	s10 =	sld [smem:$0x3FAF];
	_ =	sdelay $0x3  }
0x34: {  	[smem:$0x3FAF] =	sst s10  }
0x35: {  	s10 =	sld [smem:$0x3FAE];
	_ =	sdelay $0x3  }
0x36: {  	p1 =	seq.s32 s10, $0x1;
	s10 =	sld [smem:$0x3FAF];
	_ =	sdelay $0x3  }
0x37: {  	[smem:$0x3FAF] =	sst s10  }
0x38: {  	s10 =	sld [smem:$0x3FB0]  }
0x39: {  	_ = 	snop;
	(pc) =	sbr.ind lr, $3  }
0x3a: {  	_ = 	snop  }
0x3b: {  	_ = 	snop  }
0x3c: {  	p2 =	seq.s32 s10, $0x1;
	s10 =	sld [smem:$0x3FAF]  }
0x3d: {  	_ =	shalt  }
0x3e: {  	_ =	shalt  }
0x3f: {  	_ =	shalt  }
0x40: {  	_ =	shalt  }
0x41: {  	_ =	shalt  }
0x42: {  	_ =	shalt  }
0x43: {  	_ =	shalt  }
0x44: {  	_ =	shalt  }
0x45: {  	_ =	shalt  }
0x46: {  	_ =	shalt  }
0x47: {  	_ =	shalt  }
0x48: {  	_ =	shalt  }
0x49: {  	_ =	shalt  }
0x4a: {  	_ =	shalt  }
0x4b: {  	_ =	shalt  }
0x4c: {  	_ =	shalt  }
0x4d: {  	_ =	shalt  }
0x4e: {  	_ =	shalt  }
0x4f: {  	_ =	shalt  }
0x50: {  	_ =	shalt  }
0x51: {  	_ =	shalt  }
0x52: {  	_ =	shalt  }
0x53: {  	_ =	shalt  }
0x54: {  	_ =	shalt  }
0x55: {  	_ =	shalt  }
0x56: {  	_ =	shalt  }
0x57: {  	_ =	shalt  }
0x58: {  	_ =	shalt  }
0x59: {  	_ =	shalt  }
0x5a: {  	_ =	shalt  }
0x5b: {  	_ =	shalt  }
0x5c: {  	_ =	shalt  }
0x5d: {  	_ =	shalt  }
0x5e: {  	_ =	shalt  }
0x5f: {  	_ =	shalt  }
0x60: {  	_ =	shalt  }
0x61: {  	_ =	shalt  }
0x62: {  	_ =	shalt  }
0x63: {  	_ =	shalt  }
0x64: {  	_ =	shalt  }
0x65: {  	_ =	shalt  }
0x66: {  	_ =	shalt  }
0x67: {  	_ =	shalt  }
0x68: {  	_ =	shalt  }
0x69: {  	_ =	shalt  }
0x6a: {  	_ =	shalt  }
0x6b: {  	_ =	shalt  }
0x6c: {  	_ =	shalt  }
0x6d: {  	_ =	shalt  }
0x6e: {  	_ =	shalt  }
0x6f: {  	_ =	shalt  }
0x70: {  	_ =	shalt  }
0x71: {  	_ =	shalt  }
0x72: {  	_ =	shalt  }
0x73: {  	_ =	shalt  }
0x74: {  	_ =	shalt  }
0x75: {  	_ =	shalt  }
0x76: {  	_ =	shalt  }
0x77: {  	_ =	shalt  }
0x78: {  	_ =	shalt  }
0x79: {  	_ =	shalt  }
0x7a: {  	_ =	shalt  }
0x7b: {  	_ =	shalt  }
0x7c: {  	_ =	shalt  }
0x7d: {  	_ =	shalt  }
0x7e: {  	_ =	shalt  }
0x7f: {  	_ =	shalt  }
0x80: {  	_ =	shalt  }
0x81: {  	_ =	shalt  }
0x82: {  	_ =	shalt  }
0x83: {  	_ =	shalt  }
0x84: {  	_ =	shalt  }
0x85: {  	_ =	shalt  }
0x86: {  	_ =	shalt  }
0x87: {  	_ =	shalt  }
.Lfunc_end0:
.L_simem_size_0:
called_computation.2_lowered:
.L_overlay_start_0:
0x88: {  	s2 =	sld [smem:$0x3FD9]  }
0x89: {  	s3 =	sld [smem:$0x3FFE];
	_ =	sdelay $0x1  }
0x8a: {  	s1 =	srdreg.scid  }
0x8b: {  	s0 =	sand.u32 $0x1, s1  }
0x8c: {  	s16 =	sshll.u32 s0, $0xA;
	s2 =	sadd.s32 s3, s2  }
0x8d: {  	s2 =	sadd.s32 s2, s16  }
0x8e: {  	[smem:$0x3FBB] =	sst s2  }
0x8f: {  	_ = 	snop  }
0x90: {  	(tm) =	ssettm $0x1  }
0x91: {  	s17 =	sld [smem:$0x3FFB];
	_ =	sdelay $0x3  }
0x92: {  	_ =	strace s17  }
0x93: {  	s2 =	sld [smem:$0x3FFC];
	_ =	sdelay $0x3  }
0x94: {  	_ =	strace s2  }
0x95: {  	s2 =	sld [smem:$0x3FFD];
	_ =	sdelay $0x3  }
0x96: {  	_ =	strace s2  }
0x97: {  	_ =	strace $0x8FFFFFFF  }
0x98: {  	s18 =	sld [smem:$0x3FDB];
	_ =	sdelay $0x1  }
0x99: {  	s19 =	simm.s32 $_scs_section_size  }
0x9a: {  	s4 =	simm.s32 $_size__tile_overlayer_lowered;
	s5 =	simm.s32 $_tile_overlayer_lowered  }
0x9b: {  	s22 =	simm.s32 $0x1BFF;
	s21 =	sshll.u32 s5, $0x1;
	s2 =	sadd.s32 s19, s18  }
0x9c: {  	s6 =	simm.s32 $0x0;
	s20 =	sshll.u32 s4, $0x1;
	s4 =	sadd.s32 s21, s2  }
0x9d: {  	[timem:s6], [sflag:s22] =	dma.local [hbm:s4], s20  }
0x9e: {  	_ =	swait.ge [sflag:s22], s20  }
0x9f: {  	s3 =	ssub.s32 $0x0, s20;
	[sflag:s22] =	ssyncset.done $0x0  }
0xa0: {  	[sflag:s22] =	ssyncadd.s32 s3;
	_ =	sdelay $0x1  }
0xa1: {  	s23 =	simm.s32 $0x1B8B  }
0xa2: {  	_ =	swait.ge [sflag:s23], $0x1  }
0xa3: {  	[sflag:s23] =	ssyncset.done $0x0  }
0xa4: {  	s25 =	simm.s32 $0x1B8E;
	s24 =	sld [smem:$0x3FFE];
	[sflag:s23] =	ssyncadd.s32 $0xFFFFFFFF  }
0xa5: {  	s26 =	simm.s32 $execute0_lowered;
	[smem:$0x3FD2] =	sst s25  }
0xa6: {  	s4 =	sshll.u32 s26, $0x1;
	_ =	strace $0x8000004C;
	[dreg:$0x1] =	wrdreg $0xFFFFFFFF  }
0xa7: {  	s28 =	simm.s32 $_size_execute0_lowered;
	s2 =	sadd.s32 s2, s4;
	[dreg:$0x0] =	wrdreg $0x0  }
0xa8: {  	s4 =	sshll.u32 s28, $0x1;
	[dreg:$0x2] =	wrdreg s2  }
0xa9: {  	[dreg:$0x3] =	wrdreg s4  }
0xaa: {  	[dreg:$0x4] =	wrdreg $0xC0  }
0xab: {  	_ =	task [dreg:s6], $0x5FFFF  }
0xac: {  	[dreg:$0x1] =	wrdreg $0xFFFFFFFF  }
0xad: {  	[dreg:$0x0] =	wrdreg $0x60  }
0xae: {  	[dreg:$0x2] =	wrdreg s24  }
0xaf: {  	[dreg:$0x3] =	wrdreg $0xA8000  }
0xb0: {  	[dreg:$0x4] =	wrdreg $0x9  }
0xb1: {  	_ =	task.clear_ibuf [dreg:s6], $0x5FFFF;
	_ =	strace $0x9000004C  }
0xb2: {  	s29 =	simm.s32 $0x9;
	_ =	strace $0x8000004E  }
0xb3: {  	_ =	swait.ge [sflag:s29], $0x1  }
0xb4: {  	[sflag:s29] =	ssyncadd.s32 $0xFFFFFFFF  }
0xb5: {  	_ =	strace $0x9000004E  }
0xb6: {  	_ =	sfence  }
0xb7: {  	s30 =	sld [smem:$0x0];
	_ =	sdelay $0x2  }
0xb8: {  	s31 =	sshll.u32 s1, $0xD;
	s1 =	sshrl.u32 s1, $0x2  }
0xb9: {  	s3 =	sand.u32 $0x4000, s31;
	s1 =	sadd.s32 s1, s30  }
0xba: {  	s0 =	sor.u32 s3, s0;
	s1 =	sshll.u32 s1, $0x11  }
0xbb: {  	s0 =	sor.u32 s1, s0  }
0xbc: {  	s0 =	sadd.s32 $0x8F2B, s0  }
0xbd: {  	[sflag:s0] =	ssyncadd.remote.s32 $0x1  }
0xbe: {  	_ =	sfence.sel $0xFFFF  }
0xbf: {  	[dreg:$0x0] =	wrdreg $0xFFFFFFFF;
	(pc) =	sbr.abs _section_cstart, $3  }
0xc0: {  	[dreg:$0x1] =	wrdreg $0xFFFFFFFF  }
0xc1: {  	_ =	task.clear_ibuf [dreg:s6], $0x2FFFF;
	_ =	strace $0x9FFFFFFF  }
0xc2: {  	(tm) =	ssettm $0x7FFFFFFF  }
0xc3: {  	_ =	shalt  }
tec
execute0_lowered:
.L_overlay_start_1:
0x0: {  	(tag) =	ssettag $0x1  }
0x1: {  	s0 =	rddreg [dreg:$0x0]  }
0x2: {  	s1 =	rddreg [dreg:$0x1]  }
0x3: {  	s2 =	simm.s32 $0x0;
	s5 =	srdreg.scid;
	s3 =	stileid.u32  }
0x4: {  	s28 =	simm.s32 $0x2;
	s29 =	simm.s32 $0x3;
	s30 =	simm.s32 $0x0  }
0x5: {  	[smem:$0x7FF] =	sst s2;
	s4 =	sadd.s32 $0x1800, s0;
	s11 =	sadd.s32 $0x29800, s0  }
0x6: {  	s0 =	sadd.s32 $0x3D800, s0;
	s8 =	sand.u32 $0x1, s5;
	s6 =	smul.u32 $0x50000, s3  }
0x7: {  	s23 =	sshll.u32 s3, $0x1;
	s19 =	smul.u32 $0x280, s3;
	_ =	strace $0x8000004D  }
0x8: {  	s7 =	ssub.s32 $0x2, s8;
	s9 =	sor.u32 s8, s23;
	s20 =	smul.u32 $0x2800, s8  }
0x9: {  	s24 =	sshrl.u32 s7, $0x1;
	s6 =	sshrl.u32 s6, $0x2;
	s10 =	smul.u32 $0xA00, s9  }
0xa: {  	s13 =	smul.u32 $0x5000, s9;
	s14 =	sadd.s32 $0x80, s19;
	s16 =	sadd.s32 $0x100, s19  }
0xb: {  	s21 =	sadd.s32 $0x180, s19;
	s12 =	ssub.s32 s7, s24;
	s5 =	sadd.s32 s6, s1  }
0xc: {  	s26 =	sadd.s32 s20, s19;
	s15 =	sadd.s32 s20, s14;
	s14 =	sshll.u32 s14, $0x7  }
0xd: {  	s17 =	sadd.s32 s20, s16;
	s16 =	sshll.u32 s16, $0x7;
	s18 =	sshll.u32 s21, $0x7  }
0xe: {  	s21 =	sadd.s32 s20, s21;
	s19 =	sadd.s32 $0x200, s19;
	s24 =	simm.s32 $0x1  }
0xf: {  	s25 =	sadd.s32 $0x4000, s5;
	s7 =	sadd.s32 $0x8000, s5;
	s8 =	sadd.s32 $0xC000, s5  }
0x10: {  	s9 =	sadd.s32 $0x10000, s5;
	s13 =	sshrl.u32 s13, $0x3;
	s10 =	sadd.s32 s11, s10  }
0x11: {  	s12 =	smax.u32 s12, $0x1;
	s15 =	sshll.u32 s15, $0x4;
	s14 =	sadd.s32 s14, s1  }
0x12: {  	s17 =	sshll.u32 s17, $0x4;
	s16 =	sadd.s32 s16, s1;
	s18 =	sadd.s32 s18, s1  }
0x13: {  	s21 =	sshll.u32 s21, $0x4;
	s22 =	sshll.u32 s19, $0x7;
	s23 =	sadd.s32 s20, s19  }
0x14: {  	[dreg:$0x3] =	wrdreg s25;
	s11 =	sadd.s32 s11, s13;
	s13 =	sshll.u32 s26, $0x4  }
0x15: {  	s15 =	sadd.s32 s0, s15;
	s17 =	sadd.s32 s0, s17;
	s19 =	sadd.s32 s0, s21  }
0x16: {  	s20 =	sadd.s32 s22, s1;
	s31 =	sshll.u32 s23, $0x4;
	s22 =	simm.s32 $0x2800  }
0x17: {  	s23 =	simm.s32 $0x4;
	s25 =	simm.s32 $0x80;
	s26 =	simm.s32 $0x6800  }
0x18: {  	v0 =	vimm.f32 $0.0e+00;
	s11 =	sadd.s32 $0x500, s11;
	s13 =	sadd.s32 s0, s13;
	s21 =	sadd.s32 s0, s31  }
.LBB2_1:
0x19: {  	s31 =	simm.s32 $0x0;
	s0 =	simm.s32 $0x200  }
.LBB2_2:
0x1a: {  	p0 =	sne.s32 s0, $0xFE00;
	[tilespmem:s31+$0x2870] =	vst v0  }
0x1b: {  	[tilespmem:s31+$0x2800] =	vst v0  }
0x1c: {  	[tilespmem:s31+$0x2810] =	vst v0  }
.Ltmp0:
0x1d: {  	[tilespmem:s31+$0x2820] =	vst v0;
	(pc) =	sbr.rel @p0 .LBB2_2-.Ltmp0, $4  }
0x1e: {  	[tilespmem:s31+$0x2830] =	vst v0  }
0x1f: {  	[tilespmem:s31+$0x2840] =	vst v0  }
0x20: {  	[tilespmem:s31+$0x2850] =	vst v0  }
0x21: {  	[tilespmem:s31+$0x2860] =	vst v0;
	s31 =	sshra.s32 s0, $0x2;
	s0 =	sadd.s32 $0x200, s0  }
0x22: {  	[tilespmem:s31+$0x2870] =	vst v0  }
0x23: {  	[tilespmem:s31+$0x2800] =	vst v0  }
0x24: {  	[tilespmem:s31+$0x2810] =	vst v0  }
0x25: {  	[tilespmem:s31+$0x2820] =	vst v0  }
0x26: {  	[tilespmem:s31+$0x2830] =	vst v0  }
0x27: {  	[tilespmem:s31+$0x2840] =	vst v0  }
0x28: {  	[tilespmem:s31+$0x2850] =	vst v0  }
0x29: {  	[tilespmem:s31+$0x2860] =	vst v0  }
0x2a: {  	[spmem:s5] =	stream.linear.scatter [tilespmem:s22], [sflag:$0x4], $0x4000, $0x38;
	[tilespmem:$0x1E800] =	vst v63  }
0x2b: {  	_ =	swait.ge [sflag:s23], $0x4000  }
0x2c: {  	[sflag:s23] =	ssyncset.done $0x0  }
0x2d: {  	s0 =	rddreg [dreg:$0x3];
	[sflag:s23] =	ssyncadd.s32 $0xFFFFC000  }
0x2e: {  	[spmem:s0] =	stream.linear.scatter [tilespmem:s22], [sflag:$0x4], $0x4000, $0x38;
	[tilespmem:$0x1E800] =	vst v63  }
0x2f: {  	_ =	swait.ge [sflag:s23], $0x4000  }
0x30: {  	[sflag:s23] =	ssyncset.done $0x0  }
0x31: {  	[sflag:s23] =	ssyncadd.s32 $0xFFFFC000  }
0x32: {  	[spmem:s7] =	stream.linear.scatter [tilespmem:s22], [sflag:$0x4], $0x4000, $0x38;
	[tilespmem:$0x1E800] =	vst v63  }
0x33: {  	_ =	swait.ge [sflag:s23], $0x4000  }
0x34: {  	[sflag:s23] =	ssyncset.done $0x0  }
0x35: {  	[sflag:s23] =	ssyncadd.s32 $0xFFFFC000  }
0x36: {  	[spmem:s8] =	stream.linear.scatter [tilespmem:s22], [sflag:$0x4], $0x4000, $0x38;
	[tilespmem:$0x1E800] =	vst v63  }
0x37: {  	_ =	swait.ge [sflag:s23], $0x4000  }
0x38: {  	[sflag:s23] =	ssyncset.done $0x0  }
0x39: {  	[sflag:s23] =	ssyncadd.s32 $0xFFFFC000  }
0x3a: {  	[spmem:s9] =	stream.linear.scatter [tilespmem:s22], [sflag:$0x4], $0x4000, $0x38;
	[tilespmem:$0x1E800] =	vst v63  }
0x3b: {  	_ =	swait.ge [sflag:s23], $0x4000  }
0x3c: {  	[sflag:s23] =	ssyncset.done $0x0  }
0x3d: {  	[sflag:s23] =	ssyncadd.s32 $0xFFFFC000  }
0x3e: {  	s6 =	simm.s32 $0x0;
	[bflag:$0x0] =	sbarrier.arrive $0xFFFF  }
0x3f: {  	[tilespmem:s6], [sflag:$0x1] =	stream.linear.gather [hbm4b:s10+s6], $0x2800, $0x38;
	[tilespmem:$0x1E800] =	vst v63  }
0x40: {  	_ =	swait.ge [sflag:s24], $0x2800  }
0x41: {  	[sflag:s24] =	ssyncset.done $0x0  }
0x42: {  	s3 =	simm.s32 $0x0;
	[sflag:s24] =	ssyncadd.s32 $0xFFFFD800  }
0x43: {  	[tilespmem:s22], [sflag:$0x2] =	stream.indirect.gather [hbm4b:s4+s25], $0x80, s3, s25, $0xb8;
	[tilespmem:$0x1E800] =	vst v63  }
0x44: {  	s6 =	simm.s32 $0x100  }
0x45: {  	[tilespmem:s26], [sflag:$0x2] =	stream.indirect.gather [hbm4b:s4+s25], $0x80, s6, s25, $0xb8;
	[tilespmem:$0x1E800] =	vst v63  }
0x46: {  	_ =	swait.ge [sflag:s28], $0x4000  }
0x47: {  	[sflag:s28] =	ssyncset.done $0x0  }
0x48: {  	s3 =	simm.s32 $0x80;
	[sflag:s28] =	ssyncadd.s32 $0xFFFFC000  }
0x49: {  	[spmem:s1] =	stream.indirect.scatter.add.f32 [tilespmem:s22], [sflag:$0x3], $0x80, s3, s25, $0xb8;
	[tilespmem:$0x1E800] =	vst v63  }
0x4a: {  	_ =	swait.ge [sflag:s28], $0x4000  }
0x4b: {  	[sflag:s28] =	ssyncset.done $0x0  }
0x4c: {  	s6 =	simm.s32 $0x180;
	[sflag:s28] =	ssyncadd.s32 $0xFFFFC000  }
0x4d: {  	[spmem:s1] =	stream.indirect.scatter.add.f32 [tilespmem:s26], [sflag:$0x3], $0x80, s6, s25, $0xb8;
	[tilespmem:$0x1E800] =	vst v63  }
0x4e: {  	_ =	swait.ge [sflag:s29], $0x4000  }
0x4f: {  	[sflag:s29] =	ssyncset.done $0x0  }
0x50: {  	[sflag:s29] =	ssyncadd.s32 $0xFFFFC000  }
0x51: {  	_ =	swait.ge [sflag:s29], $0x4000  }
0x52: {  	s31 =	simm.s32 $0x800;
	s0 =	simm.s32 $0x1000;
	[sflag:s29] =	ssyncset.done $0x0  }
.LBB2_4:
0x53: {  	s3 =	sshra.s32 s31, $0x2  }
0x54: {  	[sflag:s29] =	ssyncadd.s32 $0xFFFFC000;
	s31 =	smov.u32 s0;
	s6 =	sadd.s32 $0x800, s0  }
0x55: {  	[tilespmem:s22], [sflag:$0x2] =	stream.indirect.gather [hbm4b:s4+s25], $0x80, s3, s25, $0xb8;
	[tilespmem:$0x1E800] =	vst v63  }
0x56: {  	p0 =	sne.s32 s0, $0x9800;
	s0 =	sadd.s32 $0x100, s3  }
0x57: {  	[tilespmem:s26], [sflag:$0x2] =	stream.indirect.gather [hbm4b:s4+s25], $0x80, s0, s25, $0xb8;
	[tilespmem:$0x1E800] =	vst v63  }
0x58: {  	_ =	swait.ge [sflag:s28], $0x4000  }
0x59: {  	[sflag:s28] =	ssyncset.done $0x0  }
0x5a: {  	s0 =	sadd.s32 $0x80, s3;
	[sflag:s28] =	ssyncadd.s32 $0xFFFFC000  }
0x5b: {  	[spmem:s1] =	stream.indirect.scatter.add.f32 [tilespmem:s22], [sflag:$0x3], $0x80, s0, s25, $0xb8;
	[tilespmem:$0x1E800] =	vst v63  }
0x5c: {  	_ =	swait.ge [sflag:s28], $0x4000  }
0x5d: {  	[sflag:s28] =	ssyncset.done $0x0  }
0x5e: {  	s0 =	sadd.s32 $0x180, s3;
	[sflag:s28] =	ssyncadd.s32 $0xFFFFC000  }
0x5f: {  	[spmem:s1] =	stream.indirect.scatter.add.f32 [tilespmem:s26], [sflag:$0x3], $0x80, s0, s25, $0xb8;
	[tilespmem:$0x1E800] =	vst v63  }
.Ltmp1:
0x60: {  	_ =	swait.ge [sflag:s29], $0x4000;
	(pc) =	sbr.rel @p0 .LBB2_4-.Ltmp1, $4  }
0x61: {  	[sflag:s29] =	ssyncset.done $0x0  }
0x62: {  	[sflag:s29] =	ssyncadd.s32 $0xFFFFC000  }
0x63: {  	_ =	swait.ge [sflag:s29], $0x4000  }
0x64: {  	s0 =	smov.u32 s6;
	[sflag:s29] =	ssyncset.done $0x0  }
0x65: {  	s0 =	sshra.s32 s31, $0x2;
	[sflag:s29] =	ssyncadd.s32 $0xFFFFC000  }
0x66: {  	[tilespmem:s22], [sflag:$0x2] =	stream.indirect.gather [hbm4b:s4+s25], $0x80, s0, s25, $0xb8;
	[tilespmem:$0x1E800] =	vst v63  }
0x67: {  	s3 =	sadd.s32 $0x100, s0  }
0x68: {  	[tilespmem:s26], [sflag:$0x2] =	stream.indirect.gather [hbm4b:s4+s25], $0x80, s3, s25, $0xb8;
	[tilespmem:$0x1E800] =	vst v63  }
0x69: {  	_ =	swait.ge [sflag:s28], $0x4000  }
0x6a: {  	[sflag:s28] =	ssyncset.done $0x0  }
0x6b: {  	s6 =	sadd.s32 $0x80, s0;
	[sflag:s28] =	ssyncadd.s32 $0xFFFFC000  }
0x6c: {  	[spmem:s1] =	stream.indirect.scatter.add.f32 [tilespmem:s22], [sflag:$0x3], $0x80, s6, s25, $0xb8;
	[tilespmem:$0x1E800] =	vst v63  }
0x6d: {  	_ =	swait.ge [sflag:s28], $0x4000  }
0x6e: {  	[sflag:s28] =	ssyncset.done $0x0  }
0x6f: {  	s0 =	sadd.s32 $0x180, s0;
	[sflag:s28] =	ssyncadd.s32 $0xFFFFC000  }
0x70: {  	[spmem:s1] =	stream.indirect.scatter.add.f32 [tilespmem:s26], [sflag:$0x3], $0x80, s0, s25, $0xb8;
	[tilespmem:$0x1E800] =	vst v63  }
0x71: {  	_ =	swait.ge [sflag:s29], $0x4000  }
0x72: {  	[sflag:s29] =	ssyncset.done $0x0  }
0x73: {  	[sflag:s29] =	ssyncadd.s32 $0xFFFFC000  }
0x74: {  	_ =	swait.ge [sflag:s29], $0x4000  }
0x75: {  	[sflag:s29] =	ssyncset.done $0x0  }
0x76: {  	s6 =	simm.s32 $0x0;
	[sflag:s29] =	ssyncadd.s32 $0xFFFFC000  }
0x77: {  	[tilespmem:s6], [sflag:$0x1] =	stream.linear.gather [hbm4b:s11+s6], $0x2800, $0x38;
	[tilespmem:$0x1E800] =	vst v63  }
0x78: {  	_ =	swait.ge [sflag:s24], $0x2800  }
0x79: {  	[sflag:s24] =	ssyncset.done $0x0  }
0x7a: {  	s3 =	simm.s32 $0x0;
	[sflag:s24] =	ssyncadd.s32 $0xFFFFD800  }
0x7b: {  	[tilespmem:s22], [sflag:$0x2] =	stream.indirect.gather [hbm4b:s4+s25], $0x80, s3, s25, $0xb8;
	[tilespmem:$0x1E800] =	vst v63  }
0x7c: {  	s6 =	simm.s32 $0x100  }
0x7d: {  	[tilespmem:s26], [sflag:$0x2] =	stream.indirect.gather [hbm4b:s4+s25], $0x80, s6, s25, $0xb8;
	[tilespmem:$0x1E800] =	vst v63  }
0x7e: {  	_ =	swait.ge [sflag:s28], $0x4000  }
0x7f: {  	[sflag:s28] =	ssyncset.done $0x0  }
0x80: {  	s3 =	simm.s32 $0x80;
	[sflag:s28] =	ssyncadd.s32 $0xFFFFC000  }
0x81: {  	[spmem:s1] =	stream.indirect.scatter.add.f32 [tilespmem:s22], [sflag:$0x3], $0x80, s3, s25, $0xb8;
	[tilespmem:$0x1E800] =	vst v63  }
0x82: {  	_ =	swait.ge [sflag:s28], $0x4000  }
0x83: {  	[sflag:s28] =	ssyncset.done $0x0  }
0x84: {  	s6 =	simm.s32 $0x180;
	[sflag:s28] =	ssyncadd.s32 $0xFFFFC000  }
0x85: {  	[spmem:s1] =	stream.indirect.scatter.add.f32 [tilespmem:s26], [sflag:$0x3], $0x80, s6, s25, $0xb8;
	[tilespmem:$0x1E800] =	vst v63  }
0x86: {  	_ =	swait.ge [sflag:s29], $0x4000  }
0x87: {  	[sflag:s29] =	ssyncset.done $0x0  }
0x88: {  	[sflag:s29] =	ssyncadd.s32 $0xFFFFC000  }
0x89: {  	_ =	swait.ge [sflag:s29], $0x4000  }
0x8a: {  	s31 =	simm.s32 $0x800;
	s0 =	simm.s32 $0x1000;
	[sflag:s29] =	ssyncset.done $0x0  }
.LBB2_6:
0x8b: {  	s3 =	sshra.s32 s31, $0x2  }
0x8c: {  	[sflag:s29] =	ssyncadd.s32 $0xFFFFC000;
	s31 =	smov.u32 s0;
	s6 =	sadd.s32 $0x800, s0  }
0x8d: {  	[tilespmem:s22], [sflag:$0x2] =	stream.indirect.gather [hbm4b:s4+s25], $0x80, s3, s25, $0xb8;
	[tilespmem:$0x1E800] =	vst v63  }
0x8e: {  	p0 =	sne.s32 s0, $0x9800;
	s0 =	sadd.s32 $0x100, s3  }
0x8f: {  	[tilespmem:s26], [sflag:$0x2] =	stream.indirect.gather [hbm4b:s4+s25], $0x80, s0, s25, $0xb8;
	[tilespmem:$0x1E800] =	vst v63  }
0x90: {  	_ =	swait.ge [sflag:s28], $0x4000  }
0x91: {  	[sflag:s28] =	ssyncset.done $0x0  }
0x92: {  	s0 =	sadd.s32 $0x80, s3;
	[sflag:s28] =	ssyncadd.s32 $0xFFFFC000  }
0x93: {  	[spmem:s1] =	stream.indirect.scatter.add.f32 [tilespmem:s22], [sflag:$0x3], $0x80, s0, s25, $0xb8;
	[tilespmem:$0x1E800] =	vst v63  }
0x94: {  	_ =	swait.ge [sflag:s28], $0x4000  }
0x95: {  	[sflag:s28] =	ssyncset.done $0x0  }
0x96: {  	s0 =	sadd.s32 $0x180, s3;
	[sflag:s28] =	ssyncadd.s32 $0xFFFFC000  }
0x97: {  	[spmem:s1] =	stream.indirect.scatter.add.f32 [tilespmem:s26], [sflag:$0x3], $0x80, s0, s25, $0xb8;
	[tilespmem:$0x1E800] =	vst v63  }
.Ltmp2:
0x98: {  	_ =	swait.ge [sflag:s29], $0x4000;
	(pc) =	sbr.rel @p0 .LBB2_6-.Ltmp2, $4  }
0x99: {  	[sflag:s29] =	ssyncset.done $0x0  }
0x9a: {  	[sflag:s29] =	ssyncadd.s32 $0xFFFFC000  }
0x9b: {  	_ =	swait.ge [sflag:s29], $0x4000  }
0x9c: {  	s0 =	smov.u32 s6;
	[sflag:s29] =	ssyncset.done $0x0  }
0x9d: {  	s0 =	sshra.s32 s31, $0x2;
	[sflag:s29] =	ssyncadd.s32 $0xFFFFC000  }
0x9e: {  	[tilespmem:s22], [sflag:$0x2] =	stream.indirect.gather [hbm4b:s4+s25], $0x80, s0, s25, $0xb8;
	[tilespmem:$0x1E800] =	vst v63  }
0x9f: {  	s3 =	sadd.s32 $0x100, s0  }
0xa0: {  	[tilespmem:s26], [sflag:$0x2] =	stream.indirect.gather [hbm4b:s4+s25], $0x80, s3, s25, $0xb8;
	[tilespmem:$0x1E800] =	vst v63  }
0xa1: {  	_ =	swait.ge [sflag:s28], $0x4000  }
0xa2: {  	[sflag:s28] =	ssyncset.done $0x0  }
0xa3: {  	s31 =	sadd.s32 $0x80, s0;
	[sflag:s28] =	ssyncadd.s32 $0xFFFFC000  }
0xa4: {  	[spmem:s1] =	stream.indirect.scatter.add.f32 [tilespmem:s22], [sflag:$0x3], $0x80, s31, s25, $0xb8;
	[tilespmem:$0x1E800] =	vst v63  }
0xa5: {  	_ =	swait.ge [sflag:s28], $0x4000  }
0xa6: {  	[sflag:s28] =	ssyncset.done $0x0  }
0xa7: {  	s0 =	sadd.s32 $0x180, s0;
	[sflag:s28] =	ssyncadd.s32 $0xFFFFC000  }
0xa8: {  	[spmem:s1] =	stream.indirect.scatter.add.f32 [tilespmem:s26], [sflag:$0x3], $0x80, s0, s25, $0xb8;
	[tilespmem:$0x1E800] =	vst v63  }
0xa9: {  	_ =	swait.ge [sflag:s29], $0x4000  }
0xaa: {  	[sflag:s29] =	ssyncset.done $0x0  }
0xab: {  	[sflag:s29] =	ssyncadd.s32 $0xFFFFC000  }
0xac: {  	_ =	swait.ge [sflag:s29], $0x4000  }
0xad: {  	[sflag:s29] =	ssyncset.done $0x0  }
0xae: {  	[sflag:s29] =	ssyncadd.s32 $0xFFFFC000  }
0xaf: {  	[bflag:$0x0] =	sbarrier.arrive $0xFFFF  }
0xb0: {  	[tilespmem:s22], [sflag:$0x4] =	stream.linear.gather [spmem:s5], $0x4000, $0x38;
	[tilespmem:$0x1E800] =	vst v63  }
0xb1: {  	_ =	swait.ge [sflag:s23], $0x4000  }
0xb2: {  	[sflag:s23] =	ssyncset.done $0x0  }
0xb3: {  	[sflag:s23] =	ssyncadd.s32 $0xFFFFC000  }
0xb4: {  	[hbm4b:s13+s2] =	stream.linear.scatter [tilespmem:s22], [sflag:$0x4], $0x4000, $0x38;
	[tilespmem:$0x1E800] =	vst v63  }
0xb5: {  	_ =	swait.ge [sflag:s23], $0x4000  }
0xb6: {  	[sflag:s23] =	ssyncset.done $0x0  }
0xb7: {  	[sflag:s23] =	ssyncadd.s32 $0xFFFFC000  }
0xb8: {  	[tilespmem:s22], [sflag:$0x4] =	stream.linear.gather [spmem:s14], $0x4000, $0x38;
	[tilespmem:$0x1E800] =	vst v63  }
0xb9: {  	_ =	swait.ge [sflag:s23], $0x4000  }
0xba: {  	[sflag:s23] =	ssyncset.done $0x0  }
0xbb: {  	[sflag:s23] =	ssyncadd.s32 $0xFFFFC000  }
0xbc: {  	[hbm4b:s15+s2] =	stream.linear.scatter [tilespmem:s22], [sflag:$0x4], $0x4000, $0x38;
	[tilespmem:$0x1E800] =	vst v63  }
0xbd: {  	_ =	swait.ge [sflag:s23], $0x4000  }
0xbe: {  	[sflag:s23] =	ssyncset.done $0x0  }
0xbf: {  	[sflag:s23] =	ssyncadd.s32 $0xFFFFC000  }
0xc0: {  	[tilespmem:s22], [sflag:$0x4] =	stream.linear.gather [spmem:s16], $0x4000, $0x38;
	[tilespmem:$0x1E800] =	vst v63  }
0xc1: {  	_ =	swait.ge [sflag:s23], $0x4000  }
0xc2: {  	[sflag:s23] =	ssyncset.done $0x0  }
0xc3: {  	[sflag:s23] =	ssyncadd.s32 $0xFFFFC000  }
0xc4: {  	[hbm4b:s17+s2] =	stream.linear.scatter [tilespmem:s22], [sflag:$0x4], $0x4000, $0x38;
	[tilespmem:$0x1E800] =	vst v63  }
0xc5: {  	_ =	swait.ge [sflag:s23], $0x4000  }
0xc6: {  	[sflag:s23] =	ssyncset.done $0x0  }
0xc7: {  	[sflag:s23] =	ssyncadd.s32 $0xFFFFC000  }
0xc8: {  	[tilespmem:s22], [sflag:$0x4] =	stream.linear.gather [spmem:s18], $0x4000, $0x38;
	[tilespmem:$0x1E800] =	vst v63  }
0xc9: {  	_ =	swait.ge [sflag:s23], $0x4000  }
0xca: {  	[sflag:s23] =	ssyncset.done $0x0  }
0xcb: {  	[sflag:s23] =	ssyncadd.s32 $0xFFFFC000  }
0xcc: {  	[hbm4b:s19+s2] =	stream.linear.scatter [tilespmem:s22], [sflag:$0x4], $0x4000, $0x38;
	[tilespmem:$0x1E800] =	vst v63  }
0xcd: {  	_ =	swait.ge [sflag:s23], $0x4000  }
0xce: {  	[sflag:s23] =	ssyncset.done $0x0  }
0xcf: {  	[sflag:s23] =	ssyncadd.s32 $0xFFFFC000  }
0xd0: {  	[tilespmem:s22], [sflag:$0x4] =	stream.linear.gather [spmem:s20], $0x4000, $0x38;
	[tilespmem:$0x1E800] =	vst v63  }
0xd1: {  	s30 =	sadd.s32 $0x1, s30;
	_ =	swait.ge [sflag:s23], $0x4000  }
0xd2: {  	p0 =	sne.s32 s30, s12;
	[sflag:s23] =	ssyncset.done $0x0  }
.Ltmp3:
0xd3: {  	[sflag:s23] =	ssyncadd.s32 $0xFFFFC000;
	(pc) =	sbr.rel @p0 .LBB2_1-.Ltmp3, $4  }
0xd4: {  	[hbm4b:s21+s2] =	stream.linear.scatter [tilespmem:s22], [sflag:$0x4], $0x4000, $0x38;
	[tilespmem:$0x1E800] =	vst v63  }
0xd5: {  	_ =	swait.ge [sflag:s23], $0x4000  }
0xd6: {  	[sflag:s23] =	ssyncset.done $0x0  }
0xd7: {  	[sflag:s23] =	ssyncadd.s32 $0xFFFFC000  }
0xd8: {  	_ =	sfence.sel $0x180000  }
0xd9: {  	[bflag:$0x0] =	sbarrier.arrive $0xFFFF  }
0xda: {  	_ =	strace $0x9000004D  }
0xdb: {  	s0 =	stileid.u32;
	[bflag:$0x2] =	sbarrier.arrive $0xFFFF  }
0xdc: {  	p0 =	sne.s32 s0, $0x0;
	s0 =	rddreg [dreg:$0x2]  }
0xdd: {  	s0 =	sadd.s32 @!p0 $0x100000, s0  }
0xde: {  	[sflag:s0] =	ssyncadd.tile.s32 @!p0 $0x1;
	_ =	shalt  }
.Lfunc_end2:
_tile_overlayer_lowered:
.L_overlay_start_2:
0xdf: {  	(tag) =	ssettag $0x2  }
0xe0: {  	s0 =	rddreg [dreg:$0x0];
	s2 =	stileid.u32  }
0xe1: {  	s1 =	rddreg [dreg:$0x1];
	p0 =	sne.s32 s2, $0x0  }
0xe2: {  	s3 =	rddreg [dreg:$0x2];
	[bflag:$0x3] =	sbarrier.arrive $0xFFFF;
	s2 =	simm.s32 @!p0 $0x1C04  }
0xe3: {  	[timem:s3], [sflag:s2] =	dma.local @!p0 [hbm:s0], s1  }
0xe4: {  	s0 =	simm.s32 @!p0 $0x4  }
0xe5: {  	_ =	swait.ge @!p0 [sflag:s0], s1  }
0xe6: {  	s1 =	ssub.s32 @!p0 $0x0, s1;
	[sflag:s0] =	ssyncset.done @!p0 $0x0  }
0xe7: {  	[sflag:s0] =	ssyncadd.s32 @!p0 s1  }
0xe8: {  	[bflag:$0x3] =	sbarrier.arrive $0xFFFF  }
0xe9: {  	_ =	shalt  }

// kernel: kernel.17.cloned.1.call-start
scs
__scs_entry_jumppad:
0x0: {  	(pc) =	sbr.rel $0x88, $3  }
0x1: {  	(tag) =	ssettag $0x0;
	lr =	simm.s32 $0x1  }
0x2: {  	[smem:$0x3F94] =	sst lr;
	_ =	strace $0xD0000000  }
0x3: {  	_ = 	snop  }
0x4: {  	_ = 	snop  }
0x5: {  	_ = 	snop  }
0x6: {  	_ = 	snop  }
0x7: {  	_ = 	snop  }
__scs_overlays_trampoline_lowered:
0x8: {  	[smem:$0x3FA3] =	sst s0  }
0x9: {  	[smem:$0x3FA4] =	sst s1  }
0xa: {  	[smem:$0x3FA5] =	sst s2  }
0xb: {  	[smem:$0x3FA6] =	sst s3  }
0xc: {  	[smem:$0x3FA7] =	sst s4  }
0xd: {  	[smem:$0x3FA8] =	sst s5  }
0xe: {  	[smem:$0x3FA9] =	sst s6  }
0xf: {  	[smem:$0x3FAA] =	sst s7  }
0x10: {  	[smem:$0x3FAB] =	sst s8  }
0x11: {  	[smem:$0x3FAC] =	sst s9;
	s0 =	simm.s32 @!p0 $0x0  }
0x12: {  	s1 =	sld [smem:$0x3F92];
	s0 =	simm.s32 @p0 $0x1  }
0x13: {  	[smem:$0x3FAD] =	sst s0;
	s0 =	simm.s32 @!p1 $0x0  }
0x14: {  	s2 =	sld [smem:$0x3F91];
	s0 =	simm.s32 @p1 $0x1  }
0x15: {  	[smem:$0x3FAE] =	sst s0;
	s0 =	simm.s32 @!p2 $0x0  }
0x16: {  	s3 =	sld [smem:$0x3FDB];
	s0 =	simm.s32 @p2 $0x1  }
0x17: {  	s4 =	simm.s32 $0x1BF5;
	[smem:$0x3FB0] =	sst s0  }
0x18: {  	s0 =	sld [smem:$0x3F93];
	_ =	swait.ge [sflag:s4], $0x0  }
0x19: {  	s7 =	sld [smem:$0x3F94]  }
0x1a: {  	s8 =	sadd.s32 $0xFFFFE003, lr  }
0x1b: {  	s9 =	sadd.s32 $0xFFFFFEF7, lr;
	s5 =	simm.s32 $0xFFFFFFFF;
	p2 =	slt.u32 s8, $0xFFFFF086  }
0x1c: {  	p1 =	slt.u32 s9, $0xF7A;
	s5 =	simm.s32 @!p2 $0x0  }
0x1d: {  	s5 =	simm.s32 @p1 $0x1;
	p0 =	seq.s32 s7, s2  }
0x1e: {  	s7 =	smul.u32 @!p0 $0xF7A, s2;
	p2 =	seq.s32 @!p0 s5, $0x0  }
0x1f: {  	s9 =	smul.u32 $0xF7A, s1;
	s8 =	simm.s32 @!p0 $0x1BF5;
	p2 =	por !p2, p0  }
0x20: {  	[sflag:s8] =	ssyncset.s32 @!p0 $0xFFFFF086;
	s6 =	sadd.s32 @!p0 s3, s7;
	s7 =	simm.s32 @!p0 $0x108  }
0x21: {  	s3 =	sadd.s32 s3, s9;
	s6 =	sadd.s32 @!p0 $0x88, s6;
	s7 =	simm.s32 @p2 $0x1082  }
0x22: {  	[simem:s7], [sflag:s8] =	dma.local @!p0 [hbm:s6], $0xF7A  }
0x23: {  	s9 =	sor.u32 $0xD0000000, s2;
	s6 =	simm.s32 $0x108;
	_ =	swait.ge @!p0 [sflag:s8], $0x0  }
0x24: {  	s3 =	sadd.s32 $0x88, s3;
	s6 =	simm.s32 @!p1 $0x1082;
	[sflag:s4] =	ssyncset.s32 $0xFFFFF086  }
0x25: {  	[simem:s6], [sflag:s4] =	dma.local [hbm:s3], $0xF7A  }
0x26: {  	[smem:$0x3F94] =	sst s1;
	(tag) =	ssettag s2;
	_ =	strace s9  }
0x27: {  	s1 =	sld [smem:$0x3FA4]  }
0x28: {  	s2 =	sld [smem:$0x3FA5]  }
0x29: {  	s4 =	sld [smem:$0x3FA7]  }
0x2a: {  	p0 =	seq.s32 s5, $0x0;
	s5 =	sld [smem:$0x3FA8]  }
0x2b: {  	s6 =	sld [smem:$0x3FA9]  }
0x2c: {  	s7 =	sld [smem:$0x3FAA]  }
0x2d: {  	s3 =	simm.s32 $0x108;
	s8 =	sld [smem:$0x3FAB]  }
0x2e: {  	s3 =	simm.s32 @!p0 $0x1082;
	s9 =	sld [smem:$0x3FAC]  }
0x2f: {  	lr =	sadd.s32 s0, s3;
	s0 =	sld [smem:$0x3FA3]  }
0x30: {  	s3 =	sld [smem:$0x3FA6]  }
0x31: {  	[smem:$0x3FAF] =	sst s10  }
0x32: {  	s10 =	sld [smem:$0x3FAD];
	_ =	sdelay $0x3  }
0x33: {  	p0 =	seq.s32 s10, $0x1;
	s10 =	sld [smem:$0x3FAF];
	_ =	sdelay $0x3  }
0x34: {  	[smem:$0x3FAF] =	sst s10  }
0x35: {  	s10 =	sld [smem:$0x3FAE];
	_ =	sdelay $0x3  }
0x36: {  	p1 =	seq.s32 s10, $0x1;
	s10 =	sld [smem:$0x3FAF];
	_ =	sdelay $0x3  }
0x37: {  	[smem:$0x3FAF] =	sst s10  }
0x38: {  	s10 =	sld [smem:$0x3FB0]  }
0x39: {  	_ = 	snop;
	(pc) =	sbr.ind lr, $3  }
0x3a: {  	_ = 	snop  }
0x3b: {  	_ = 	snop  }
0x3c: {  	p2 =	seq.s32 s10, $0x1;
	s10 =	sld [smem:$0x3FAF]  }
0x3d: {  	_ =	shalt  }
0x3e: {  	_ =	shalt  }
0x3f: {  	_ =	shalt  }
0x40: {  	_ =	shalt  }
0x41: {  	_ =	shalt  }
0x42: {  	_ =	shalt  }
0x43: {  	_ =	shalt  }
0x44: {  	_ =	shalt  }
0x45: {  	_ =	shalt  }
0x46: {  	_ =	shalt  }
0x47: {  	_ =	shalt  }
0x48: {  	_ =	shalt  }
0x49: {  	_ =	shalt  }
0x4a: {  	_ =	shalt  }
0x4b: {  	_ =	shalt  }
0x4c: {  	_ =	shalt  }
0x4d: {  	_ =	shalt  }
0x4e: {  	_ =	shalt  }
0x4f: {  	_ =	shalt  }
0x50: {  	_ =	shalt  }
0x51: {  	_ =	shalt  }
0x52: {  	_ =	shalt  }
0x53: {  	_ =	shalt  }
0x54: {  	_ =	shalt  }
0x55: {  	_ =	shalt  }
0x56: {  	_ =	shalt  }
0x57: {  	_ =	shalt  }
0x58: {  	_ =	shalt  }
0x59: {  	_ =	shalt  }
0x5a: {  	_ =	shalt  }
0x5b: {  	_ =	shalt  }
0x5c: {  	_ =	shalt  }
0x5d: {  	_ =	shalt  }
0x5e: {  	_ =	shalt  }
0x5f: {  	_ =	shalt  }
0x60: {  	_ =	shalt  }
0x61: {  	_ =	shalt  }
0x62: {  	_ =	shalt  }
0x63: {  	_ =	shalt  }
0x64: {  	_ =	shalt  }
0x65: {  	_ =	shalt  }
0x66: {  	_ =	shalt  }
0x67: {  	_ =	shalt  }
0x68: {  	_ =	shalt  }
0x69: {  	_ =	shalt  }
0x6a: {  	_ =	shalt  }
0x6b: {  	_ =	shalt  }
0x6c: {  	_ =	shalt  }
0x6d: {  	_ =	shalt  }
0x6e: {  	_ =	shalt  }
0x6f: {  	_ =	shalt  }
0x70: {  	_ =	shalt  }
0x71: {  	_ =	shalt  }
0x72: {  	_ =	shalt  }
0x73: {  	_ =	shalt  }
0x74: {  	_ =	shalt  }
0x75: {  	_ =	shalt  }
0x76: {  	_ =	shalt  }
0x77: {  	_ =	shalt  }
0x78: {  	_ =	shalt  }
0x79: {  	_ =	shalt  }
0x7a: {  	_ =	shalt  }
0x7b: {  	_ =	shalt  }
0x7c: {  	_ =	shalt  }
0x7d: {  	_ =	shalt  }
0x7e: {  	_ =	shalt  }
0x7f: {  	_ =	shalt  }
0x80: {  	_ =	shalt  }
0x81: {  	_ =	shalt  }
0x82: {  	_ =	shalt  }
0x83: {  	_ =	shalt  }
0x84: {  	_ =	shalt  }
0x85: {  	_ =	shalt  }
0x86: {  	_ =	shalt  }
0x87: {  	_ =	shalt  }
.Lfunc_end0:
.L_simem_size_0:
called_computation.3_lowered:
.L_overlay_start_0:
0x88: {  	s2 =	sld [smem:$0x3FD9]  }
0x89: {  	s3 =	sld [smem:$0x3FFE];
	_ =	sdelay $0x1  }
0x8a: {  	s1 =	srdreg.scid  }
0x8b: {  	s0 =	sand.u32 $0x1, s1  }
0x8c: {  	s14 =	sshll.u32 s0, $0xA;
	s2 =	sadd.s32 s3, s2  }
0x8d: {  	s2 =	sadd.s32 s2, s14  }
0x8e: {  	[smem:$0x3FBB] =	sst s2  }
0x8f: {  	_ = 	snop  }
0x90: {  	s2 =	sld [smem:$0x3FD0];
	_ =	sdelay $0x2  }
0x91: {  	s15 =	simm.s32 $0xB;
	s4 =	simm.s32 $0x10  }
0x92: {  	[smem:s4], [sflag:s15] =	dma.local [hbm:s2], $0x1  }
0x93: {  	_ =	swait.eq [sflag:s15], $0x1  }
0x94: {  	[sflag:s15] =	ssyncset.done $0x0  }
0x95: {  	s16 =	sld [smem:$0x10];
	[sflag:s15] =	ssyncadd.s32 $0xFFFFFFFF  }
0x96: {  	s17 =	sld [smem:$0x11];
	(tm) =	ssettm $0x1  }
0x97: {  	s18 =	sld [smem:$0x3FFB];
	_ =	sdelay $0x3  }
0x98: {  	_ =	strace s18  }
0x99: {  	s4 =	sld [smem:$0x3FFC];
	_ =	sdelay $0x3  }
0x9a: {  	_ =	strace s4  }
0x9b: {  	s4 =	sld [smem:$0x3FFD];
	_ =	sdelay $0x3  }
0x9c: {  	_ =	strace s4  }
0x9d: {  	_ =	strace $0x8FFFFFFF  }
0x9e: {  	s19 =	sld [smem:$0x3FDB];
	_ =	sdelay $0x1  }
0x9f: {  	s5 =	simm.s32 $_scs_section_size  }
0xa0: {  	s6 =	simm.s32 $_size__tile_overlayer_lowered;
	s7 =	simm.s32 $_tile_overlayer_lowered  }
0xa1: {  	s22 =	simm.s32 $0x1BFF;
	s21 =	sshll.u32 s7, $0x1;
	s4 =	sadd.s32 s5, s19  }
0xa2: {  	s8 =	simm.s32 $0x0;
	s20 =	sshll.u32 s6, $0x1;
	s6 =	sadd.s32 s21, s4  }
0xa3: {  	[timem:s8], [sflag:s22] =	dma.local [hbm:s6], s20  }
0xa4: {  	_ =	swait.ge [sflag:s22], s20  }
0xa5: {  	s5 =	ssub.s32 $0x0, s20;
	[sflag:s22] =	ssyncset.done $0x0  }
0xa6: {  	[sflag:s22] =	ssyncadd.s32 s5;
	_ =	sdelay $0x1  }
0xa7: {  	s23 =	simm.s32 $0x1B8B  }
0xa8: {  	_ =	swait.ge [sflag:s23], $0x1  }
0xa9: {  	[sflag:s23] =	ssyncset.done $0x0  }
0xaa: {  	s25 =	simm.s32 $0x1B8E;
	s24 =	sld [smem:$0x3FFE];
	[sflag:s23] =	ssyncadd.s32 $0xFFFFFFFF  }
0xab: {  	s26 =	simm.s32 $execute0_lowered;
	[smem:$0x3FD2] =	sst s25  }
0xac: {  	s6 =	sshll.u32 s26, $0x1;
	_ =	strace $0x8000004F;
	[dreg:$0x1] =	wrdreg $0xFFFFFFFF  }
0xad: {  	s28 =	simm.s32 $_size_execute0_lowered;
	s4 =	sadd.s32 s4, s6;
	[dreg:$0x0] =	wrdreg $0x0  }
0xae: {  	s6 =	sshll.u32 s28, $0x1;
	[dreg:$0x2] =	wrdreg s4  }
0xaf: {  	[dreg:$0x3] =	wrdreg s6  }
0xb0: {  	[dreg:$0x4] =	wrdreg $0xC0  }
0xb1: {  	_ =	task [dreg:s8], $0x5FFFF  }
0xb2: {  	[dreg:$0x1] =	wrdreg $0xFFFFFFFF  }
0xb3: {  	[dreg:$0x0] =	wrdreg $0x60  }
0xb4: {  	[dreg:$0x2] =	wrdreg s16  }
0xb5: {  	[dreg:$0x3] =	wrdreg s17  }
0xb6: {  	[dreg:$0x4] =	wrdreg s24  }
0xb7: {  	[dreg:$0x5] =	wrdreg $0x9  }
0xb8: {  	_ =	task.clear_ibuf [dreg:s8], $0x6FFFF;
	_ =	strace $0x9000004F  }
0xb9: {  	s29 =	simm.s32 $0x9;
	_ =	strace $0x80000051  }
0xba: {  	_ =	swait.ge [sflag:s29], $0x1  }
0xbb: {  	[sflag:s29] =	ssyncadd.s32 $0xFFFFFFFF  }
0xbc: {  	_ =	strace $0x90000051  }
0xbd: {  	_ =	sfence  }
0xbe: {  	s30 =	sld [smem:$0x0];
	_ =	sdelay $0x2  }
0xbf: {  	s31 =	sshll.u32 s1, $0xD;
	s1 =	sshrl.u32 s1, $0x2  }
0xc0: {  	s3 =	sand.u32 $0x4000, s31;
	s1 =	sadd.s32 s1, s30  }
0xc1: {  	s0 =	sor.u32 s3, s0;
	s1 =	sshll.u32 s1, $0x11  }
0xc2: {  	s0 =	sor.u32 s1, s0  }
0xc3: {  	s0 =	sadd.s32 $0x8F2B, s0  }
0xc4: {  	[sflag:s0] =	ssyncadd.remote.s32 $0x1  }
0xc5: {  	_ =	sfence.sel $0xFFFF  }
0xc6: {  	[dreg:$0x0] =	wrdreg $0xFFFFFFFF;
	(pc) =	sbr.abs _section_cstart, $3  }
0xc7: {  	[dreg:$0x1] =	wrdreg $0xFFFFFFFF  }
0xc8: {  	_ =	task.clear_ibuf [dreg:s8], $0x2FFFF;
	_ =	strace $0x9FFFFFFF  }
0xc9: {  	(tm) =	ssettm $0x7FFFFFFF  }
tec
execute0_lowered:
.L_overlay_start_1:
0x0: {  	(tag) =	ssettag $0x1  }
0x1: {  	s1 =	rddreg [dreg:$0x0]  }
0x2: {  	s2 =	rddreg [dreg:$0x1]  }
0x3: {  	s10 =	rddreg [dreg:$0x2]  }
0x4: {  	s0 =	rddreg [dreg:$0x3];
	s3 =	simm.s32 $0x0  }
0x5: {  	s4 =	srdreg.scid;
	s15 =	simm.s32 $0x4F00;
	s16 =	simm.s32 $0x5700  }
0x6: {  	s17 =	simm.s32 $0x5F00;
	s18 =	simm.s32 $0x0;
	[smem:$0x7FF] =	sst s3  }
0x7: {  	s5 =	sadd.s32 $0xA1400, s10;
	s6 =	sadd.s32 $0xAB200, s10;
	s11 =	sand.u32 $0x1, s4  }
0x8: {  	s7 =	sadd.s32 $0x97600, s10;
	s4 =	stileid.u32;
	s8 =	sadd.s32 $0x8D800, s10  }
0x9: {  	s9 =	sadd.s32 $0x1800, s10;
	s10 =	sadd.s32 $0xB600, s10;
	s12 =	ssub.s32 $0x2, s11  }
0xa: {  	_ =	strace $0x80000050;
	s14 =	sshll.u32 s4, $0x1;
	s13 =	sshrl.u32 s12, $0x1  }
0xb: {  	s11 =	sor.u32 s11, s14;
	s14 =	simm.s32 $0x2780;
	s12 =	ssub.s32 s12, s13  }
0xc: {  	s11 =	smul.u32 $0x2710, s11;
	s13 =	simm.s32 $0x1;
	s12 =	smax.u32 s12, $0x1  }
.LBB2_1:
0xd: {  	[tilespmem:s3], [sflag:$0x1] =	stream.linear.gather [hbm4b:s1+s3], $0x2780, $0x38;
	[tilespmem:$0x6700] =	vst v63  }
0xe: {  	_ =	swait.ge [sflag:s13], $0x2780  }
0xf: {  	[sflag:s13] =	ssyncset.done $0x0  }
0x10: {  	[sflag:s13] =	ssyncadd.s32 $0xFFFFD880  }
0x11: {  	[tilespmem:s14], [sflag:$0x1] =	stream.linear.gather [hbm4b:s2+s3], $0x2780, $0x38;
	[tilespmem:$0x6700] =	vst v63  }
0x12: {  	_ =	swait.ge [sflag:s13], $0x2780  }
0x13: {  	[sflag:s13] =	ssyncset.done $0x0  }
0x14: {  	s20 =	simm.s32 $0x0;
	[sflag:s13] =	ssyncadd.s32 $0xFFFFD880  }
.LBB2_2:
0x15: {  	s19 =	smul.u32 $0x7D0, s20;
	_ =	sdelay $0x1  }
0x16: {  	s19 =	sadd.s32 s11, s19  }
0x17: {  	s19 =	sshrl.u32 s19, $0x3  }
0x18: {  	s22 =	simm.s32 $0x0;
	s21 =	sadd.s32 s5, s19  }
0x19: {  	[tilespmem:s15], [sflag:$0x1] =	stream.linear.gather [hbm4b:s21+s22], $0x7D0, $0x38;
	[tilespmem:$0x6700] =	vst v63  }
0x1a: {  	_ =	swait.ge [sflag:s13], $0x7D0  }
0x1b: {  	[sflag:s13] =	ssyncset.done $0x0  }
0x1c: {  	s31 =	sadd.s32 s6, s19;
	[sflag:s13] =	ssyncadd.s32 $0xFFFFF830  }
0x1d: {  	[tilespmem:s16], [sflag:$0x1] =	stream.linear.gather [hbm4b:s31+s22], $0x7D0, $0x38;
	[tilespmem:$0x6700] =	vst v63  }
0x1e: {  	_ =	swait.ge [sflag:s13], $0x7D0  }
0x1f: {  	[sflag:s13] =	ssyncset.done $0x0  }
0x20: {  	s21 =	simm.s32 $0x0;
	[sflag:s13] =	ssyncadd.s32 $0xFFFFF830  }
0x21: {  	v0 =	vld [tilespmem:s21+$0x5700]  }
0x22: {  	v1 =	vld [tilespmem:s21+$0x4F00];
	_ =	sdelay $0x6  }
0x23: {  	v0 =	vld.idx.msk [tilespmem:v0+s14+$0x0], $0xffff  }
0x24: {  	s22 =	simm.s32 $0x10;
	v2 =	vld.idx.msk [tilespmem:v1+s3+$0x0], $0xffff  }
0x25: {  	s23 =	simm.s32 $0x80;
	v1 =	vld [tilespmem:s22+$0x5700]  }
.LBB2_3:
0x26: {  	p0 =	sne.s32 s23, $0x1F00;
	v3 =	vld [tilespmem:s22+$0x4F00];
	_ =	sdelay $0x3  }
0x27: {  	v0 =	vadd.f32 v0, v2  }
.Ltmp0:
0x28: {  	(pc) =	sbr.rel @p0 .LBB2_3-.Ltmp0, $4  }
0x29: {  	[tilespmem:s21+$0x5F00] =	vst v0;
	s21 =	smov.u32 s22  }
0x2a: {  	v0 =	vld.idx.msk [tilespmem:v1+s14+$0x0], $0xffff  }
0x2b: {  	s22 =	sshra.s32 s23, $0x2;
	v2 =	vld.idx.msk [tilespmem:v3+s3+$0x0], $0xffff  }
0x2c: {  	s23 =	sadd.s32 $0x40, s23;
	v1 =	vld [tilespmem:s22+$0x5700]  }
0x2d: {  	_ = 	snop  }
0x2e: {  	v3 =	vld [tilespmem:s22+$0x4F00];
	_ =	sdelay $0x3  }
0x2f: {  	v0 =	vadd.f32 v0, v2;
	_ =	sdelay $0x1  }
0x30: {  	[tilespmem:s21+$0x5F00] =	vst v0  }
0x31: {  	v0 =	vld.idx.msk [tilespmem:v1+s14+$0x0], $0xffff  }
0x32: {  	v63 =	vld.idx.msk [tilespmem:v3+s3+$0x0], $0xffff;
	_ =	sdelay $0x4  }
0x33: {  	s20 =	sadd.s32 $0x1, s20;
	v0 =	vadd.f32 v0, v63  }
0x34: {  	p0 =	sne.s32 s20, $0x5  }
.Ltmp1:
0x35: {  	s31 =	sadd.s32 s9, s19;
	s19 =	simm.s32 $0x0;
	[tilespmem:s22+$0x5F00] =	vst v0;
	(pc) =	sbr.rel @p0 .LBB2_2-.Ltmp1, $4  }
0x36: {  	[hbm4b:s31+s19] =	stream.linear.scatter [tilespmem:s17], [sflag:$0x1], $0x7D0, $0x38;
	[tilespmem:$0x6700] =	vst v63  }
0x37: {  	_ =	swait.ge [sflag:s13], $0x7D0  }
0x38: {  	[sflag:s13] =	ssyncset.done $0x0  }
0x39: {  	[sflag:s13] =	ssyncadd.s32 $0xFFFFF830  }
0x3a: {  	s20 =	simm.s32 $0x0  }
.LBB2_6:
0x3b: {  	s21 =	smul.u32 $0x7D0, s20;
	_ =	sdelay $0x1  }
0x3c: {  	s21 =	sadd.s32 s11, s21  }
0x3d: {  	s21 =	sshrl.u32 s21, $0x3  }
0x3e: {  	s22 =	sadd.s32 s7, s21  }
0x3f: {  	[tilespmem:s15], [sflag:$0x1] =	stream.linear.gather [hbm4b:s22+s19], $0x7D0, $0x38;
	[tilespmem:$0x6700] =	vst v63  }
0x40: {  	_ =	swait.ge [sflag:s13], $0x7D0  }
0x41: {  	[sflag:s13] =	ssyncset.done $0x0  }
0x42: {  	s31 =	sadd.s32 s8, s21;
	[sflag:s13] =	ssyncadd.s32 $0xFFFFF830  }
0x43: {  	[tilespmem:s16], [sflag:$0x1] =	stream.linear.gather [hbm4b:s31+s19], $0x7D0, $0x38;
	[tilespmem:$0x6700] =	vst v63  }
0x44: {  	_ =	swait.ge [sflag:s13], $0x7D0  }
0x45: {  	[sflag:s13] =	ssyncset.done $0x0  }
0x46: {  	s22 =	simm.s32 $0x0;
	[sflag:s13] =	ssyncadd.s32 $0xFFFFF830  }
0x47: {  	v0 =	vld [tilespmem:s22+$0x5700]  }
0x48: {  	v1 =	vld [tilespmem:s22+$0x4F00];
	_ =	sdelay $0x6  }
0x49: {  	v0 =	vld.idx.msk [tilespmem:v0+s14+$0x0], $0xffff  }
0x4a: {  	s23 =	simm.s32 $0x10;
	v2 =	vld.idx.msk [tilespmem:v1+s3+$0x0], $0xffff  }
0x4b: {  	s24 =	simm.s32 $0x80;
	v1 =	vld [tilespmem:s23+$0x5700]  }
.LBB2_7:
0x4c: {  	p0 =	sne.s32 s24, $0x1F00;
	v3 =	vld [tilespmem:s23+$0x4F00];
	_ =	sdelay $0x3  }
0x4d: {  	v0 =	vadd.f32 v0, v2  }
.Ltmp2:
0x4e: {  	(pc) =	sbr.rel @p0 .LBB2_7-.Ltmp2, $4  }
0x4f: {  	[tilespmem:s22+$0x5F00] =	vst v0;
	s22 =	smov.u32 s23  }
0x50: {  	v0 =	vld.idx.msk [tilespmem:v1+s14+$0x0], $0xffff  }
0x51: {  	s23 =	sshra.s32 s24, $0x2;
	v2 =	vld.idx.msk [tilespmem:v3+s3+$0x0], $0xffff  }
0x52: {  	s24 =	sadd.s32 $0x40, s24;
	v1 =	vld [tilespmem:s23+$0x5700]  }
0x53: {  	_ = 	snop  }
0x54: {  	v3 =	vld [tilespmem:s23+$0x4F00];
	_ =	sdelay $0x3  }
0x55: {  	v0 =	vadd.f32 v0, v2;
	_ =	sdelay $0x1  }
0x56: {  	[tilespmem:s22+$0x5F00] =	vst v0  }
0x57: {  	v0 =	vld.idx.msk [tilespmem:v1+s14+$0x0], $0xffff  }
0x58: {  	v63 =	vld.idx.msk [tilespmem:v3+s3+$0x0], $0xffff;
	_ =	sdelay $0x4  }
0x59: {  	s20 =	sadd.s32 $0x1, s20;
	v0 =	vadd.f32 v0, v63  }
0x5a: {  	p0 =	sne.s32 s20, $0x5  }
.Ltmp3:
0x5b: {  	s21 =	sadd.s32 s10, s21;
	[tilespmem:s23+$0x5F00] =	vst v0;
	(pc) =	sbr.rel @p0 .LBB2_6-.Ltmp3, $4  }
0x5c: {  	[hbm4b:s21+s3] =	stream.linear.scatter [tilespmem:s17], [sflag:$0x1], $0x7D0, $0x38;
	[tilespmem:$0x6700] =	vst v63  }
0x5d: {  	_ =	swait.ge [sflag:s13], $0x7D0  }
0x5e: {  	[sflag:s13] =	ssyncset.done $0x0  }
0x5f: {  	[sflag:s13] =	ssyncadd.s32 $0xFFFFF830  }
0x60: {  	s18 =	sadd.s32 $0x1, s18  }
0x61: {  	p0 =	sne.s32 s18, s12  }
.Ltmp4:
0x62: {  	_ = 	snop;
	(pc) =	sbr.rel @p0 .LBB2_1-.Ltmp4, $1  }
0x63: {  	_ =	sdelay $0x3  }
0x64: {  	_ =	sfence.sel $0x180000  }
0x65: {  	[bflag:$0x0] =	sbarrier.arrive $0xFFFF  }
0x66: {  	p0 =	sne.s32 s4, $0x0;
	_ =	strace $0x90000050  }
0x67: {  	s0 =	sadd.s32 @!p0 $0x100000, s0;
	[bflag:$0x2] =	sbarrier.arrive $0xFFFF  }
0x68: {  	[sflag:s0] =	ssyncadd.tile.s32 @!p0 $0x1;
	_ =	shalt  }
.Lfunc_end2:
_tile_overlayer_lowered:
.L_overlay_start_2:
0x69: {  	(tag) =	ssettag $0x2  }
0x6a: {  	s0 =	rddreg [dreg:$0x0];
	s2 =	stileid.u32  }
0x6b: {  	s1 =	rddreg [dreg:$0x1];
	p0 =	sne.s32 s2, $0x0  }
0x6c: {  	s3 =	rddreg [dreg:$0x2];
	[bflag:$0x3] =	sbarrier.arrive $0xFFFF;
	s2 =	simm.s32 @!p0 $0x1C01  }
0x6d: {  	[timem:s3], [sflag:s2] =	dma.local @!p0 [hbm:s0], s1  }
0x6e: {  	s0 =	simm.s32 @!p0 $0x1  }
0x6f: {  	_ =	swait.ge @!p0 [sflag:s0], s1  }
0x70: {  	s1 =	ssub.s32 @!p0 $0x0, s1;
	[sflag:s0] =	ssyncset.done @!p0 $0x0  }
0x71: {  	[sflag:s0] =	ssyncadd.s32 @!p0 s1  }
0x72: {  	[bflag:$0x3] =	sbarrier.arrive $0xFFFF  }
0x73: {  	_ =	shalt  }

// kernel: kernel.8.cloned.1.call-start
scs
__scs_entry_jumppad:
0x0: {  	(pc) =	sbr.rel $0x88, $3  }
0x1: {  	(tag) =	ssettag $0x0;
	lr =	simm.s32 $0x1  }
0x2: {  	[smem:$0x3F94] =	sst lr;
	_ =	strace $0xD0000000  }
0x3: {  	_ = 	snop  }
0x4: {  	_ = 	snop  }
0x5: {  	_ = 	snop  }
0x6: {  	_ = 	snop  }
0x7: {  	_ = 	snop  }
__scs_overlays_trampoline_lowered:
0x8: {  	[smem:$0x3FA3] =	sst s0  }
0x9: {  	[smem:$0x3FA4] =	sst s1  }
0xa: {  	[smem:$0x3FA5] =	sst s2  }
0xb: {  	[smem:$0x3FA6] =	sst s3  }
0xc: {  	[smem:$0x3FA7] =	sst s4  }
0xd: {  	[smem:$0x3FA8] =	sst s5  }
0xe: {  	[smem:$0x3FA9] =	sst s6  }
0xf: {  	[smem:$0x3FAA] =	sst s7  }
0x10: {  	[smem:$0x3FAB] =	sst s8  }
0x11: {  	[smem:$0x3FAC] =	sst s9;
	s0 =	simm.s32 @!p0 $0x0  }
0x12: {  	s1 =	sld [smem:$0x3F92];
	s0 =	simm.s32 @p0 $0x1  }
0x13: {  	[smem:$0x3FAD] =	sst s0;
	s0 =	simm.s32 @!p1 $0x0  }
0x14: {  	s2 =	sld [smem:$0x3F91];
	s0 =	simm.s32 @p1 $0x1  }
0x15: {  	[smem:$0x3FAE] =	sst s0;
	s0 =	simm.s32 @!p2 $0x0  }
0x16: {  	s3 =	sld [smem:$0x3FDB];
	s0 =	simm.s32 @p2 $0x1  }
0x17: {  	s4 =	simm.s32 $0x1BF5;
	[smem:$0x3FB0] =	sst s0  }
0x18: {  	s0 =	sld [smem:$0x3F93];
	_ =	swait.ge [sflag:s4], $0x0  }
0x19: {  	s7 =	sld [smem:$0x3F94]  }
0x1a: {  	s8 =	sadd.s32 $0xFFFFE003, lr  }
0x1b: {  	s9 =	sadd.s32 $0xFFFFFEF7, lr;
	s5 =	simm.s32 $0xFFFFFFFF;
	p2 =	slt.u32 s8, $0xFFFFF086  }
0x1c: {  	p1 =	slt.u32 s9, $0xF7A;
	s5 =	simm.s32 @!p2 $0x0  }
0x1d: {  	s5 =	simm.s32 @p1 $0x1;
	p0 =	seq.s32 s7, s2  }
0x1e: {  	s7 =	smul.u32 @!p0 $0xF7A, s2;
	p2 =	seq.s32 @!p0 s5, $0x0  }
0x1f: {  	s9 =	smul.u32 $0xF7A, s1;
	s8 =	simm.s32 @!p0 $0x1BF5;
	p2 =	por !p2, p0  }
0x20: {  	[sflag:s8] =	ssyncset.s32 @!p0 $0xFFFFF086;
	s6 =	sadd.s32 @!p0 s3, s7;
	s7 =	simm.s32 @!p0 $0x108  }
0x21: {  	s3 =	sadd.s32 s3, s9;
	s6 =	sadd.s32 @!p0 $0x88, s6;
	s7 =	simm.s32 @p2 $0x1082  }
0x22: {  	[simem:s7], [sflag:s8] =	dma.local @!p0 [hbm:s6], $0xF7A  }
0x23: {  	s9 =	sor.u32 $0xD0000000, s2;
	s6 =	simm.s32 $0x108;
	_ =	swait.ge @!p0 [sflag:s8], $0x0  }
0x24: {  	s3 =	sadd.s32 $0x88, s3;
	s6 =	simm.s32 @!p1 $0x1082;
	[sflag:s4] =	ssyncset.s32 $0xFFFFF086  }
0x25: {  	[simem:s6], [sflag:s4] =	dma.local [hbm:s3], $0xF7A  }
0x26: {  	[smem:$0x3F94] =	sst s1;
	(tag) =	ssettag s2;
	_ =	strace s9  }
0x27: {  	s1 =	sld [smem:$0x3FA4]  }
0x28: {  	s2 =	sld [smem:$0x3FA5]  }
0x29: {  	s4 =	sld [smem:$0x3FA7]  }
0x2a: {  	p0 =	seq.s32 s5, $0x0;
	s5 =	sld [smem:$0x3FA8]  }
0x2b: {  	s6 =	sld [smem:$0x3FA9]  }
0x2c: {  	s7 =	sld [smem:$0x3FAA]  }
0x2d: {  	s3 =	simm.s32 $0x108;
	s8 =	sld [smem:$0x3FAB]  }
0x2e: {  	s3 =	simm.s32 @!p0 $0x1082;
	s9 =	sld [smem:$0x3FAC]  }
0x2f: {  	lr =	sadd.s32 s0, s3;
	s0 =	sld [smem:$0x3FA3]  }
0x30: {  	s3 =	sld [smem:$0x3FA6]  }
0x31: {  	[smem:$0x3FAF] =	sst s10  }
0x32: {  	s10 =	sld [smem:$0x3FAD];
	_ =	sdelay $0x3  }
0x33: {  	p0 =	seq.s32 s10, $0x1;
	s10 =	sld [smem:$0x3FAF];
	_ =	sdelay $0x3  }
0x34: {  	[smem:$0x3FAF] =	sst s10  }
0x35: {  	s10 =	sld [smem:$0x3FAE];
	_ =	sdelay $0x3  }
0x36: {  	p1 =	seq.s32 s10, $0x1;
	s10 =	sld [smem:$0x3FAF];
	_ =	sdelay $0x3  }
0x37: {  	[smem:$0x3FAF] =	sst s10  }
0x38: {  	s10 =	sld [smem:$0x3FB0]  }
0x39: {  	_ = 	snop;
	(pc) =	sbr.ind lr, $3  }
0x3a: {  	_ = 	snop  }
0x3b: {  	_ = 	snop  }
0x3c: {  	p2 =	seq.s32 s10, $0x1;
	s10 =	sld [smem:$0x3FAF]  }
0x3d: {  	_ =	shalt  }
0x3e: {  	_ =	shalt  }
0x3f: {  	_ =	shalt  }
0x40: {  	_ =	shalt  }
0x41: {  	_ =	shalt  }
0x42: {  	_ =	shalt  }
0x43: {  	_ =	shalt  }
0x44: {  	_ =	shalt  }
0x45: {  	_ =	shalt  }
0x46: {  	_ =	shalt  }
0x47: {  	_ =	shalt  }
0x48: {  	_ =	shalt  }
0x49: {  	_ =	shalt  }
0x4a: {  	_ =	shalt  }
0x4b: {  	_ =	shalt  }
0x4c: {  	_ =	shalt  }
0x4d: {  	_ =	shalt  }
0x4e: {  	_ =	shalt  }
0x4f: {  	_ =	shalt  }
0x50: {  	_ =	shalt  }
0x51: {  	_ =	shalt  }
0x52: {  	_ =	shalt  }
0x53: {  	_ =	shalt  }
0x54: {  	_ =	shalt  }
0x55: {  	_ =	shalt  }
0x56: {  	_ =	shalt  }
0x57: {  	_ =	shalt  }
0x58: {  	_ =	shalt  }
0x59: {  	_ =	shalt  }
0x5a: {  	_ =	shalt  }
0x5b: {  	_ =	shalt  }
0x5c: {  	_ =	shalt  }
0x5d: {  	_ =	shalt  }
0x5e: {  	_ =	shalt  }
0x5f: {  	_ =	shalt  }
0x60: {  	_ =	shalt  }
0x61: {  	_ =	shalt  }
0x62: {  	_ =	shalt  }
0x63: {  	_ =	shalt  }
0x64: {  	_ =	shalt  }
0x65: {  	_ =	shalt  }
0x66: {  	_ =	shalt  }
0x67: {  	_ =	shalt  }
0x68: {  	_ =	shalt  }
0x69: {  	_ =	shalt  }
0x6a: {  	_ =	shalt  }
0x6b: {  	_ =	shalt  }
0x6c: {  	_ =	shalt  }
0x6d: {  	_ =	shalt  }
0x6e: {  	_ =	shalt  }
0x6f: {  	_ =	shalt  }
0x70: {  	_ =	shalt  }
0x71: {  	_ =	shalt  }
0x72: {  	_ =	shalt  }
0x73: {  	_ =	shalt  }
0x74: {  	_ =	shalt  }
0x75: {  	_ =	shalt  }
0x76: {  	_ =	shalt  }
0x77: {  	_ =	shalt  }
0x78: {  	_ =	shalt  }
0x79: {  	_ =	shalt  }
0x7a: {  	_ =	shalt  }
0x7b: {  	_ =	shalt  }
0x7c: {  	_ =	shalt  }
0x7d: {  	_ =	shalt  }
0x7e: {  	_ =	shalt  }
0x7f: {  	_ =	shalt  }
0x80: {  	_ =	shalt  }
0x81: {  	_ =	shalt  }
0x82: {  	_ =	shalt  }
0x83: {  	_ =	shalt  }
0x84: {  	_ =	shalt  }
0x85: {  	_ =	shalt  }
0x86: {  	_ =	shalt  }
0x87: {  	_ =	shalt  }
.Lfunc_end0:
.L_simem_size_0:
called_computation_lowered:
.L_overlay_start_0:
0x88: {  	s2 =	sld [smem:$0x3FD9]  }
0x89: {  	s3 =	sld [smem:$0x3FFE];
	_ =	sdelay $0x1  }
0x8a: {  	s1 =	srdreg.scid  }
0x8b: {  	s0 =	sand.u32 $0x1, s1  }
0x8c: {  	s14 =	sshll.u32 s0, $0xA;
	s2 =	sadd.s32 s3, s2  }
0x8d: {  	s2 =	sadd.s32 s2, s14  }
0x8e: {  	[smem:$0x3FBB] =	sst s2  }
0x8f: {  	_ = 	snop  }
0x90: {  	s2 =	sld [smem:$0x3FD0];
	_ =	sdelay $0x2  }
0x91: {  	s15 =	simm.s32 $0xB;
	s4 =	simm.s32 $0x10  }
0x92: {  	[smem:s4], [sflag:s15] =	dma.local [hbm:s2], $0x1  }
0x93: {  	_ =	swait.eq [sflag:s15], $0x1  }
0x94: {  	[sflag:s15] =	ssyncset.done $0x0  }
0x95: {  	s16 =	sld [smem:$0x10];
	[sflag:s15] =	ssyncadd.s32 $0xFFFFFFFF  }
0x96: {  	s17 =	sld [smem:$0x11];
	(tm) =	ssettm $0x1  }
0x97: {  	s18 =	sld [smem:$0x3FFB];
	_ =	sdelay $0x3  }
0x98: {  	_ =	strace s18  }
0x99: {  	s4 =	sld [smem:$0x3FFC];
	_ =	sdelay $0x3  }
0x9a: {  	_ =	strace s4  }
0x9b: {  	s4 =	sld [smem:$0x3FFD];
	_ =	sdelay $0x3  }
0x9c: {  	_ =	strace s4  }
0x9d: {  	_ =	strace $0x8FFFFFFF  }
0x9e: {  	s19 =	sld [smem:$0x3FDB];
	_ =	sdelay $0x1  }
0x9f: {  	s5 =	simm.s32 $_scs_section_size  }
0xa0: {  	s6 =	simm.s32 $_size__tile_overlayer_lowered;
	s7 =	simm.s32 $_tile_overlayer_lowered  }
0xa1: {  	s22 =	simm.s32 $0x1BFF;
	s21 =	sshll.u32 s7, $0x1;
	s4 =	sadd.s32 s5, s19  }
0xa2: {  	s8 =	simm.s32 $0x0;
	s20 =	sshll.u32 s6, $0x1;
	s6 =	sadd.s32 s21, s4  }
0xa3: {  	[timem:s8], [sflag:s22] =	dma.local [hbm:s6], s20  }
0xa4: {  	_ =	swait.ge [sflag:s22], s20  }
0xa5: {  	s5 =	ssub.s32 $0x0, s20;
	[sflag:s22] =	ssyncset.done $0x0  }
0xa6: {  	[sflag:s22] =	ssyncadd.s32 s5;
	_ =	sdelay $0x1  }
0xa7: {  	s23 =	simm.s32 $0x1B8B  }
0xa8: {  	_ =	swait.ge [sflag:s23], $0x1  }
0xa9: {  	[sflag:s23] =	ssyncset.done $0x0  }
0xaa: {  	s25 =	simm.s32 $0x1B8E;
	s24 =	sld [smem:$0x3FFE];
	[sflag:s23] =	ssyncadd.s32 $0xFFFFFFFF  }
0xab: {  	s26 =	simm.s32 $execute0_lowered;
	[smem:$0x3FD2] =	sst s25  }
0xac: {  	s6 =	sshll.u32 s26, $0x1;
	_ =	strace $0x80000046;
	[dreg:$0x1] =	wrdreg $0xFFFFFFFF  }
0xad: {  	s28 =	simm.s32 $_size_execute0_lowered;
	s4 =	sadd.s32 s4, s6;
	[dreg:$0x0] =	wrdreg $0x0  }
0xae: {  	s6 =	sshll.u32 s28, $0x1;
	[dreg:$0x2] =	wrdreg s4  }
0xaf: {  	[dreg:$0x3] =	wrdreg s6  }
0xb0: {  	[dreg:$0x4] =	wrdreg $0xC0  }
0xb1: {  	_ =	task [dreg:s8], $0x5FFFF  }
0xb2: {  	[dreg:$0x1] =	wrdreg $0xFFFFFFFF  }
0xb3: {  	[dreg:$0x0] =	wrdreg $0x60  }
0xb4: {  	[dreg:$0x2] =	wrdreg s24  }
0xb5: {  	[dreg:$0x3] =	wrdreg s17  }
0xb6: {  	[dreg:$0x4] =	wrdreg s16  }
0xb7: {  	[dreg:$0x5] =	wrdreg $0x53000  }
0xb8: {  	[dreg:$0x6] =	wrdreg $0x55800  }
0xb9: {  	[dreg:$0x7] =	wrdreg $0x9  }
0xba: {  	_ =	task.clear_ibuf [dreg:s8], $0x8FFFF;
	_ =	strace $0x90000046  }
0xbb: {  	s29 =	simm.s32 $0x9;
	_ =	strace $0x80000048  }
0xbc: {  	_ =	swait.ge [sflag:s29], $0x1  }
0xbd: {  	[sflag:s29] =	ssyncadd.s32 $0xFFFFFFFF  }
0xbe: {  	_ =	strace $0x90000048  }
0xbf: {  	_ =	sfence  }
0xc0: {  	s30 =	sld [smem:$0x0];
	_ =	sdelay $0x2  }
0xc1: {  	s31 =	sshll.u32 s1, $0xD;
	s1 =	sshrl.u32 s1, $0x2  }
0xc2: {  	s3 =	sand.u32 $0x4000, s31;
	s1 =	sadd.s32 s1, s30  }
0xc3: {  	s0 =	sor.u32 s3, s0;
	s1 =	sshll.u32 s1, $0x11  }
0xc4: {  	s0 =	sor.u32 s1, s0  }
0xc5: {  	s0 =	sadd.s32 $0x8F2B, s0  }
0xc6: {  	[sflag:s0] =	ssyncadd.remote.s32 $0x1  }
0xc7: {  	_ =	sfence.sel $0xFFFF  }
0xc8: {  	[dreg:$0x0] =	wrdreg $0xFFFFFFFF;
	(pc) =	sbr.abs _section_cstart, $3  }
0xc9: {  	[dreg:$0x1] =	wrdreg $0xFFFFFFFF  }
0xca: {  	_ =	task.clear_ibuf [dreg:s8], $0x2FFFF;
	_ =	strace $0x9FFFFFFF  }
0xcb: {  	(tm) =	ssettm $0x7FFFFFFF  }
tec
execute0_lowered:
.L_overlay_start_1:
0x0: {  	(tag) =	ssettag $0x1  }
0x1: {  	s5 =	rddreg [dreg:$0x0]  }
0x2: {  	s8 =	rddreg [dreg:$0x1]  }
0x3: {  	s1 =	srdreg.scid;
	s9 =	rddreg [dreg:$0x2]  }
0x4: {  	s0 =	stileid.u32;
	s2 =	rddreg [dreg:$0x3]  }
0x5: {  	s3 =	rddreg [dreg:$0x4];
	s4 =	simm.s32 $0x0;
	s13 =	simm.s32 $0x1  }
0x6: {  	s14 =	simm.s32 $0x80;
	s15 =	simm.s32 $0x5000;
	s16 =	simm.s32 $0x2  }
0x7: {  	s6 =	sand.u32 $0x1, s1;
	s30 =	sshll.u32 s0, $0x1;
	s10 =	smul.u32 $0x280, s0  }
0x8: {  	s17 =	simm.s32 $0x0;
	s1 =	sor.u32 s6, s30;
	s11 =	smul.u32 $0x2800, s6  }
0x9: {  	[smem:$0x7FF] =	sst s4;
	s6 =	ssub.s32 $0x2, s6;
	s7 =	smul.u32 $0xA00, s1  }
0xa: {  	s1 =	rddreg [dreg:$0x5];
	_ =	strace $0x80000047;
	s31 =	sshrl.u32 s6, $0x1  }
0xb: {  	s11 =	sadd.s32 s10, s11;
	s12 =	ssub.s32 s6, s31;
	s6 =	sadd.s32 s10, s2  }
0xc: {  	s5 =	sadd.s32 s7, s5;
	s11 =	sshrl.u32 s11, $0x3;
	s7 =	sadd.s32 s10, s3  }
0xd: {  	s10 =	smax.u32 s12, $0x1;
	s12 =	simm.s32 $0x3;
	s5 =	sadd.s32 $0x1800, s5  }
0xe: {  	v0 =	vimm.f32 $0.0e+00;
	v1 =	vimm.f32 $1.000000000e+00;
	s8 =	sadd.s32 s8, s11;
	s9 =	sadd.s32 s9, s11;
	s11 =	simm.s32 $0x5080  }
.LBB2_1:
0xf: {  	[tilespmem:s4], [sflag:$0x1] =	stream.linear.gather [hbm4b:s5+s4], $0x5000, $0x38;
	[tilespmem:$0x5800] =	vst v63  }
0x10: {  	[tilespmem:$0x5080] =	vst v0  }
0x11: {  	[tilespmem:$0x5090] =	vst v0  }
0x12: {  	[tilespmem:$0x50A0] =	vst v0  }
0x13: {  	[tilespmem:$0x50B0] =	vst v0  }
0x14: {  	[tilespmem:$0x50C0] =	vst v0  }
0x15: {  	[tilespmem:$0x50D0] =	vst v0  }
0x16: {  	[tilespmem:$0x50E0] =	vst v0  }
0x17: {  	[tilespmem:$0x50F0] =	vst v0  }
0x18: {  	[tilespmem:$0x5100] =	vst v0  }
0x19: {  	[tilespmem:$0x5110] =	vst v0  }
0x1a: {  	[tilespmem:$0x5120] =	vst v0  }
0x1b: {  	[tilespmem:$0x5130] =	vst v0  }
0x1c: {  	[tilespmem:$0x5140] =	vst v0  }
0x1d: {  	[tilespmem:$0x5150] =	vst v0  }
0x1e: {  	[tilespmem:$0x5160] =	vst v0  }
0x1f: {  	[tilespmem:$0x5170] =	vst v0  }
0x20: {  	[tilespmem:$0x5180] =	vst v0  }
0x21: {  	[tilespmem:$0x5190] =	vst v0  }
0x22: {  	[tilespmem:$0x51A0] =	vst v0  }
0x23: {  	[tilespmem:$0x51B0] =	vst v0  }
0x24: {  	[tilespmem:$0x51C0] =	vst v0  }
0x25: {  	[tilespmem:$0x51D0] =	vst v0  }
0x26: {  	[tilespmem:$0x51E0] =	vst v0  }
0x27: {  	[tilespmem:$0x51F0] =	vst v0  }
0x28: {  	[tilespmem:$0x5200] =	vst v0  }
0x29: {  	[tilespmem:$0x5210] =	vst v0  }
0x2a: {  	[tilespmem:$0x5220] =	vst v0  }
0x2b: {  	[tilespmem:$0x5230] =	vst v0  }
0x2c: {  	[tilespmem:$0x5240] =	vst v0  }
0x2d: {  	[tilespmem:$0x5250] =	vst v0  }
0x2e: {  	[tilespmem:$0x5260] =	vst v0  }
0x2f: {  	[tilespmem:$0x5270] =	vst v0  }
0x30: {  	[tilespmem:$0x5280] =	vst v0  }
0x31: {  	[tilespmem:$0x5290] =	vst v0  }
0x32: {  	[tilespmem:$0x52A0] =	vst v0  }
0x33: {  	[tilespmem:$0x52B0] =	vst v0  }
0x34: {  	[tilespmem:$0x52C0] =	vst v0  }
0x35: {  	[tilespmem:$0x52D0] =	vst v0  }
0x36: {  	[tilespmem:$0x52E0] =	vst v0  }
0x37: {  	[tilespmem:$0x52F0] =	vst v0  }
0x38: {  	[tilespmem:$0x5000] =	vst v1  }
0x39: {  	[tilespmem:$0x5010] =	vst v1  }
0x3a: {  	[tilespmem:$0x5020] =	vst v1  }
0x3b: {  	[tilespmem:$0x5030] =	vst v1  }
0x3c: {  	[tilespmem:$0x5040] =	vst v1  }
0x3d: {  	[tilespmem:$0x5050] =	vst v1  }
0x3e: {  	[tilespmem:$0x5060] =	vst v1  }
0x3f: {  	[tilespmem:$0x5070] =	vst v1  }
0x40: {  	[spmem:s6] =	stream.linear.scatter [tilespmem:s11], [sflag:$0x3], $0x280, $0x38;
	[tilespmem:$0x5800] =	vst v63  }
0x41: {  	_ =	swait.ge [sflag:s12], $0x280  }
0x42: {  	[sflag:s12] =	ssyncset.done $0x0  }
0x43: {  	[sflag:s12] =	ssyncadd.s32 $0xFFFFFD80  }
0x44: {  	[spmem:s7] =	stream.linear.scatter [tilespmem:s11], [sflag:$0x3], $0x280, $0x38;
	[tilespmem:$0x5800] =	vst v63  }
0x45: {  	_ =	swait.ge [sflag:s12], $0x280  }
0x46: {  	[sflag:s12] =	ssyncset.done $0x0  }
0x47: {  	[sflag:s12] =	ssyncadd.s32 $0xFFFFFD80  }
0x48: {  	_ =	swait.ge [sflag:s13], $0x5000  }
0x49: {  	[sflag:s13] =	ssyncset.done $0x0  }
0x4a: {  	[sflag:s13] =	ssyncadd.s32 $0xFFFFB000  }
0x4b: {  	s18 =	simm.s32 $0x0;
	[bflag:$0x0] =	sbarrier.arrive $0xFFFF  }
0x4c: {  	[spmem:s2] =	stream.indirect.scatter.add.f32 [tilespmem:s15], [sflag:$0x2], $0x1, s18, s14, $0xb8;
	[tilespmem:$0x5800] =	vst v63  }
0x4d: {  	s22 =	simm.s32 $0x80  }
0x4e: {  	[spmem:s3] =	stream.indirect.scatter.add.f32 [tilespmem:s15], [sflag:$0x2], $0x1, s22, s14, $0xb8;
	[tilespmem:$0x5800] =	vst v63  }
0x4f: {  	s23 =	simm.s32 $0x100  }
0x50: {  	[spmem:s2] =	stream.indirect.scatter.add.f32 [tilespmem:s15], [sflag:$0x2], $0x1, s23, s14, $0xb8;
	[tilespmem:$0x5800] =	vst v63  }
0x51: {  	s24 =	simm.s32 $0x180  }
0x52: {  	[spmem:s3] =	stream.indirect.scatter.add.f32 [tilespmem:s15], [sflag:$0x2], $0x1, s24, s14, $0xb8;
	[tilespmem:$0x5800] =	vst v63  }
0x53: {  	s25 =	simm.s32 $0x200  }
0x54: {  	[spmem:s2] =	stream.indirect.scatter.add.f32 [tilespmem:s15], [sflag:$0x2], $0x1, s25, s14, $0xb8;
	[tilespmem:$0x5800] =	vst v63  }
0x55: {  	s26 =	simm.s32 $0x280  }
0x56: {  	[spmem:s3] =	stream.indirect.scatter.add.f32 [tilespmem:s15], [sflag:$0x2], $0x1, s26, s14, $0xb8;
	[tilespmem:$0x5800] =	vst v63  }
0x57: {  	s28 =	simm.s32 $0x300  }
0x58: {  	[spmem:s2] =	stream.indirect.scatter.add.f32 [tilespmem:s15], [sflag:$0x2], $0x1, s28, s14, $0xb8;
	[tilespmem:$0x5800] =	vst v63  }
0x59: {  	s29 =	simm.s32 $0x380  }
0x5a: {  	[spmem:s3] =	stream.indirect.scatter.add.f32 [tilespmem:s15], [sflag:$0x2], $0x1, s29, s14, $0xb8;
	[tilespmem:$0x5800] =	vst v63  }
0x5b: {  	s30 =	simm.s32 $0x400  }
0x5c: {  	[spmem:s2] =	stream.indirect.scatter.add.f32 [tilespmem:s15], [sflag:$0x2], $0x1, s30, s14, $0xb8;
	[tilespmem:$0x5800] =	vst v63  }
0x5d: {  	s31 =	simm.s32 $0x480  }
0x5e: {  	[spmem:s3] =	stream.indirect.scatter.add.f32 [tilespmem:s15], [sflag:$0x2], $0x1, s31, s14, $0xb8;
	[tilespmem:$0x5800] =	vst v63  }
0x5f: {  	_ =	swait.ge [sflag:s16], $0x80  }
0x60: {  	[sflag:s16] =	ssyncset.done $0x0  }
0x61: {  	[sflag:s16] =	ssyncadd.s32 $0xFFFFFF80  }
0x62: {  	_ =	swait.ge [sflag:s16], $0x80  }
0x63: {  	[sflag:s16] =	ssyncset.done $0x0  }
0x64: {  	[sflag:s16] =	ssyncadd.s32 $0xFFFFFF80  }
0x65: {  	_ =	swait.ge [sflag:s16], $0x80  }
0x66: {  	[sflag:s16] =	ssyncset.done $0x0  }
0x67: {  	[sflag:s16] =	ssyncadd.s32 $0xFFFFFF80  }
0x68: {  	_ =	swait.ge [sflag:s16], $0x80  }
0x69: {  	[sflag:s16] =	ssyncset.done $0x0  }
0x6a: {  	[sflag:s16] =	ssyncadd.s32 $0xFFFFFF80  }
0x6b: {  	_ =	swait.ge [sflag:s16], $0x80  }
0x6c: {  	[sflag:s16] =	ssyncset.done $0x0  }
0x6d: {  	[sflag:s16] =	ssyncadd.s32 $0xFFFFFF80  }
0x6e: {  	_ =	swait.ge [sflag:s16], $0x80  }
0x6f: {  	[sflag:s16] =	ssyncset.done $0x0  }
0x70: {  	[sflag:s16] =	ssyncadd.s32 $0xFFFFFF80  }
0x71: {  	_ =	swait.ge [sflag:s16], $0x80  }
0x72: {  	[sflag:s16] =	ssyncset.done $0x0  }
0x73: {  	[sflag:s16] =	ssyncadd.s32 $0xFFFFFF80  }
0x74: {  	_ =	swait.ge [sflag:s16], $0x80  }
0x75: {  	[sflag:s16] =	ssyncset.done $0x0  }
0x76: {  	[sflag:s16] =	ssyncadd.s32 $0xFFFFFF80  }
0x77: {  	_ =	swait.ge [sflag:s16], $0x80  }
0x78: {  	[sflag:s16] =	ssyncset.done $0x0  }
0x79: {  	[sflag:s16] =	ssyncadd.s32 $0xFFFFFF80  }
0x7a: {  	_ =	swait.ge [sflag:s16], $0x80  }
0x7b: {  	s20 =	simm.s32 $0x2800;
	s18 =	simm.s32 $0x1400;
	[sflag:s16] =	ssyncset.done $0x0  }
.LBB2_2:
0x7c: {  	s21 =	sshra.s32 s18, $0x2  }
0x7d: {  	[sflag:s16] =	ssyncadd.s32 $0xFFFFFF80;
	s18 =	smov.u32 s20;
	s19 =	sadd.s32 $0x1400, s20  }
0x7e: {  	[spmem:s2] =	stream.indirect.scatter.add.f32 [tilespmem:s15], [sflag:$0x2], $0x1, s21, s14, $0xb8;
	[tilespmem:$0x5800] =	vst v63  }
0x7f: {  	p0 =	sne.s32 s20, $0x12C00;
	s20 =	sadd.s32 $0x80, s21  }
0x80: {  	[spmem:s3] =	stream.indirect.scatter.add.f32 [tilespmem:s15], [sflag:$0x2], $0x1, s20, s14, $0xb8;
	[tilespmem:$0x5800] =	vst v63  }
0x81: {  	s20 =	sadd.s32 $0x100, s21  }
0x82: {  	[spmem:s2] =	stream.indirect.scatter.add.f32 [tilespmem:s15], [sflag:$0x2], $0x1, s20, s14, $0xb8;
	[tilespmem:$0x5800] =	vst v63  }
0x83: {  	s20 =	sadd.s32 $0x180, s21  }
0x84: {  	[spmem:s3] =	stream.indirect.scatter.add.f32 [tilespmem:s15], [sflag:$0x2], $0x1, s20, s14, $0xb8;
	[tilespmem:$0x5800] =	vst v63  }
0x85: {  	s20 =	sadd.s32 $0x200, s21  }
0x86: {  	[spmem:s2] =	stream.indirect.scatter.add.f32 [tilespmem:s15], [sflag:$0x2], $0x1, s20, s14, $0xb8;
	[tilespmem:$0x5800] =	vst v63  }
0x87: {  	s20 =	sadd.s32 $0x280, s21  }
0x88: {  	[spmem:s3] =	stream.indirect.scatter.add.f32 [tilespmem:s15], [sflag:$0x2], $0x1, s20, s14, $0xb8;
	[tilespmem:$0x5800] =	vst v63  }
0x89: {  	s20 =	sadd.s32 $0x300, s21  }
0x8a: {  	[spmem:s2] =	stream.indirect.scatter.add.f32 [tilespmem:s15], [sflag:$0x2], $0x1, s20, s14, $0xb8;
	[tilespmem:$0x5800] =	vst v63  }
0x8b: {  	s20 =	sadd.s32 $0x380, s21  }
0x8c: {  	[spmem:s3] =	stream.indirect.scatter.add.f32 [tilespmem:s15], [sflag:$0x2], $0x1, s20, s14, $0xb8;
	[tilespmem:$0x5800] =	vst v63  }
0x8d: {  	s20 =	sadd.s32 $0x400, s21  }
0x8e: {  	[spmem:s2] =	stream.indirect.scatter.add.f32 [tilespmem:s15], [sflag:$0x2], $0x1, s20, s14, $0xb8;
	[tilespmem:$0x5800] =	vst v63  }
0x8f: {  	s20 =	sadd.s32 $0x480, s21  }
0x90: {  	[spmem:s3] =	stream.indirect.scatter.add.f32 [tilespmem:s15], [sflag:$0x2], $0x1, s20, s14, $0xb8;
	[tilespmem:$0x5800] =	vst v63  }
0x91: {  	_ =	swait.ge [sflag:s16], $0x80  }
0x92: {  	[sflag:s16] =	ssyncset.done $0x0  }
0x93: {  	[sflag:s16] =	ssyncadd.s32 $0xFFFFFF80  }
0x94: {  	_ =	swait.ge [sflag:s16], $0x80  }
0x95: {  	[sflag:s16] =	ssyncset.done $0x0  }
0x96: {  	[sflag:s16] =	ssyncadd.s32 $0xFFFFFF80  }
0x97: {  	_ =	swait.ge [sflag:s16], $0x80  }
0x98: {  	[sflag:s16] =	ssyncset.done $0x0  }
0x99: {  	[sflag:s16] =	ssyncadd.s32 $0xFFFFFF80  }
0x9a: {  	_ =	swait.ge [sflag:s16], $0x80  }
0x9b: {  	[sflag:s16] =	ssyncset.done $0x0  }
0x9c: {  	[sflag:s16] =	ssyncadd.s32 $0xFFFFFF80  }
0x9d: {  	_ =	swait.ge [sflag:s16], $0x80  }
0x9e: {  	[sflag:s16] =	ssyncset.done $0x0  }
0x9f: {  	[sflag:s16] =	ssyncadd.s32 $0xFFFFFF80  }
0xa0: {  	_ =	swait.ge [sflag:s16], $0x80  }
0xa1: {  	[sflag:s16] =	ssyncset.done $0x0  }
0xa2: {  	[sflag:s16] =	ssyncadd.s32 $0xFFFFFF80  }
0xa3: {  	_ =	swait.ge [sflag:s16], $0x80  }
0xa4: {  	[sflag:s16] =	ssyncset.done $0x0  }
0xa5: {  	[sflag:s16] =	ssyncadd.s32 $0xFFFFFF80  }
0xa6: {  	_ =	swait.ge [sflag:s16], $0x80  }
0xa7: {  	[sflag:s16] =	ssyncset.done $0x0  }
0xa8: {  	[sflag:s16] =	ssyncadd.s32 $0xFFFFFF80  }
.Ltmp0:
0xa9: {  	_ =	swait.ge [sflag:s16], $0x80;
	(pc) =	sbr.rel @p0 .LBB2_2-.Ltmp0, $4  }
0xaa: {  	[sflag:s16] =	ssyncset.done $0x0  }
0xab: {  	[sflag:s16] =	ssyncadd.s32 $0xFFFFFF80  }
0xac: {  	_ =	swait.ge [sflag:s16], $0x80  }
0xad: {  	s20 =	smov.u32 s19;
	[sflag:s16] =	ssyncset.done $0x0  }
0xae: {  	s18 =	sshra.s32 s18, $0x2;
	[sflag:s16] =	ssyncadd.s32 $0xFFFFFF80  }
0xaf: {  	[spmem:s2] =	stream.indirect.scatter.add.f32 [tilespmem:s15], [sflag:$0x2], $0x1, s18, s14, $0xb8;
	[tilespmem:$0x5800] =	vst v63  }
0xb0: {  	s19 =	sadd.s32 $0x80, s18  }
0xb1: {  	[spmem:s3] =	stream.indirect.scatter.add.f32 [tilespmem:s15], [sflag:$0x2], $0x1, s19, s14, $0xb8;
	[tilespmem:$0x5800] =	vst v63  }
0xb2: {  	s24 =	sadd.s32 $0x100, s18  }
0xb3: {  	[spmem:s2] =	stream.indirect.scatter.add.f32 [tilespmem:s15], [sflag:$0x2], $0x1, s24, s14, $0xb8;
	[tilespmem:$0x5800] =	vst v63  }
0xb4: {  	s25 =	sadd.s32 $0x180, s18  }
0xb5: {  	[spmem:s3] =	stream.indirect.scatter.add.f32 [tilespmem:s15], [sflag:$0x2], $0x1, s25, s14, $0xb8;
	[tilespmem:$0x5800] =	vst v63  }
0xb6: {  	s26 =	sadd.s32 $0x200, s18  }
0xb7: {  	[spmem:s2] =	stream.indirect.scatter.add.f32 [tilespmem:s15], [sflag:$0x2], $0x1, s26, s14, $0xb8;
	[tilespmem:$0x5800] =	vst v63  }
0xb8: {  	s28 =	sadd.s32 $0x280, s18  }
0xb9: {  	[spmem:s3] =	stream.indirect.scatter.add.f32 [tilespmem:s15], [sflag:$0x2], $0x1, s28, s14, $0xb8;
	[tilespmem:$0x5800] =	vst v63  }
0xba: {  	s29 =	sadd.s32 $0x300, s18  }
0xbb: {  	[spmem:s2] =	stream.indirect.scatter.add.f32 [tilespmem:s15], [sflag:$0x2], $0x1, s29, s14, $0xb8;
	[tilespmem:$0x5800] =	vst v63  }
0xbc: {  	s30 =	sadd.s32 $0x380, s18  }
0xbd: {  	[spmem:s3] =	stream.indirect.scatter.add.f32 [tilespmem:s15], [sflag:$0x2], $0x1, s30, s14, $0xb8;
	[tilespmem:$0x5800] =	vst v63  }
0xbe: {  	s31 =	sadd.s32 $0x400, s18  }
0xbf: {  	[spmem:s2] =	stream.indirect.scatter.add.f32 [tilespmem:s15], [sflag:$0x2], $0x1, s31, s14, $0xb8;
	[tilespmem:$0x5800] =	vst v63  }
0xc0: {  	s18 =	sadd.s32 $0x480, s18  }
0xc1: {  	[spmem:s3] =	stream.indirect.scatter.add.f32 [tilespmem:s15], [sflag:$0x2], $0x1, s18, s14, $0xb8;
	[tilespmem:$0x5800] =	vst v63  }
0xc2: {  	_ =	swait.ge [sflag:s16], $0x80  }
0xc3: {  	[sflag:s16] =	ssyncset.done $0x0  }
0xc4: {  	[sflag:s16] =	ssyncadd.s32 $0xFFFFFF80  }
0xc5: {  	_ =	swait.ge [sflag:s16], $0x80  }
0xc6: {  	[sflag:s16] =	ssyncset.done $0x0  }
0xc7: {  	[sflag:s16] =	ssyncadd.s32 $0xFFFFFF80  }
0xc8: {  	_ =	swait.ge [sflag:s16], $0x80  }
0xc9: {  	[sflag:s16] =	ssyncset.done $0x0  }
0xca: {  	[sflag:s16] =	ssyncadd.s32 $0xFFFFFF80  }
0xcb: {  	_ =	swait.ge [sflag:s16], $0x80  }
0xcc: {  	[sflag:s16] =	ssyncset.done $0x0  }
0xcd: {  	[sflag:s16] =	ssyncadd.s32 $0xFFFFFF80  }
0xce: {  	_ =	swait.ge [sflag:s16], $0x80  }
0xcf: {  	[sflag:s16] =	ssyncset.done $0x0  }
0xd0: {  	[sflag:s16] =	ssyncadd.s32 $0xFFFFFF80  }
0xd1: {  	_ =	swait.ge [sflag:s16], $0x80  }
0xd2: {  	[sflag:s16] =	ssyncset.done $0x0  }
0xd3: {  	[sflag:s16] =	ssyncadd.s32 $0xFFFFFF80  }
0xd4: {  	_ =	swait.ge [sflag:s16], $0x80  }
0xd5: {  	[sflag:s16] =	ssyncset.done $0x0  }
0xd6: {  	[sflag:s16] =	ssyncadd.s32 $0xFFFFFF80  }
0xd7: {  	_ =	swait.ge [sflag:s16], $0x80  }
0xd8: {  	[sflag:s16] =	ssyncset.done $0x0  }
0xd9: {  	[sflag:s16] =	ssyncadd.s32 $0xFFFFFF80  }
0xda: {  	_ =	swait.ge [sflag:s16], $0x80  }
0xdb: {  	[sflag:s16] =	ssyncset.done $0x0  }
0xdc: {  	[sflag:s16] =	ssyncadd.s32 $0xFFFFFF80  }
0xdd: {  	_ =	swait.ge [sflag:s16], $0x80  }
0xde: {  	[sflag:s16] =	ssyncset.done $0x0  }
0xdf: {  	[sflag:s16] =	ssyncadd.s32 $0xFFFFFF80  }
0xe0: {  	[bflag:$0x0] =	sbarrier.arrive $0xFFFF  }
0xe1: {  	[tilespmem:s11], [sflag:$0x3] =	stream.linear.gather [spmem:s6], $0x280, $0x38;
	[tilespmem:$0x5800] =	vst v63  }
0xe2: {  	_ =	swait.ge [sflag:s12], $0x280  }
0xe3: {  	[sflag:s12] =	ssyncset.done $0x0  }
0xe4: {  	[sflag:s12] =	ssyncadd.s32 $0xFFFFFD80  }
0xe5: {  	[hbm4b:s8+s4] =	stream.linear.scatter [tilespmem:s11], [sflag:$0x3], $0x280, $0x38;
	[tilespmem:$0x5800] =	vst v63  }
0xe6: {  	_ =	swait.ge [sflag:s12], $0x280  }
0xe7: {  	[sflag:s12] =	ssyncset.done $0x0  }
0xe8: {  	[sflag:s12] =	ssyncadd.s32 $0xFFFFFD80  }
0xe9: {  	[tilespmem:s11], [sflag:$0x3] =	stream.linear.gather [spmem:s7], $0x280, $0x38;
	[tilespmem:$0x5800] =	vst v63  }
0xea: {  	s17 =	sadd.s32 $0x1, s17;
	_ =	swait.ge [sflag:s12], $0x280  }
0xeb: {  	p0 =	sne.s32 s17, s10;
	[sflag:s12] =	ssyncset.done $0x0  }
.Ltmp1:
0xec: {  	[sflag:s12] =	ssyncadd.s32 $0xFFFFFD80;
	(pc) =	sbr.rel @p0 .LBB2_1-.Ltmp1, $4  }
0xed: {  	[hbm4b:s9+s4] =	stream.linear.scatter [tilespmem:s11], [sflag:$0x3], $0x280, $0x38;
	[tilespmem:$0x5800] =	vst v63  }
0xee: {  	_ =	swait.ge [sflag:s12], $0x280  }
0xef: {  	[sflag:s12] =	ssyncset.done $0x0  }
0xf0: {  	[sflag:s12] =	ssyncadd.s32 $0xFFFFFD80  }
0xf1: {  	_ =	sfence.sel $0x180000  }
0xf2: {  	[bflag:$0x0] =	sbarrier.arrive $0xFFFF  }
0xf3: {  	p0 =	sne.s32 s0, $0x0;
	_ =	strace $0x90000047  }
0xf4: {  	s0 =	sadd.s32 @!p0 $0x100000, s1;
	[bflag:$0x2] =	sbarrier.arrive $0xFFFF  }
0xf5: {  	[sflag:s0] =	ssyncadd.tile.s32 @!p0 $0x1;
	_ =	shalt  }
.Lfunc_end2:
_tile_overlayer_lowered:
.L_overlay_start_2:
0xf6: {  	(tag) =	ssettag $0x2  }
0xf7: {  	s0 =	rddreg [dreg:$0x0];
	s2 =	stileid.u32  }
0xf8: {  	s1 =	rddreg [dreg:$0x1];
	p0 =	sne.s32 s2, $0x0  }
0xf9: {  	s3 =	rddreg [dreg:$0x2];
	[bflag:$0x3] =	sbarrier.arrive $0xFFFF;
	s2 =	simm.s32 @!p0 $0x1C03  }
0xfa: {  	[timem:s3], [sflag:s2] =	dma.local @!p0 [hbm:s0], s1  }
0xfb: {  	s0 =	simm.s32 @!p0 $0x3  }
0xfc: {  	_ =	swait.ge @!p0 [sflag:s0], s1  }
0xfd: {  	s1 =	ssub.s32 @!p0 $0x0, s1;
	[sflag:s0] =	ssyncset.done @!p0 $0x0  }
0xfe: {  	[sflag:s0] =	ssyncadd.s32 @!p0 s1  }
0xff: {  	[bflag:$0x3] =	sbarrier.arrive $0xFFFF  }
0x100: {  	_ =	shalt  }

</sc_bundles>
